<compile_context>
chip_gen: v7x
topology: tpu7x:2x2x1
jax: 0.10.2.dev20260603
libtpu: 0.0.44.dev20260713+nightly
codegen_flags: <defaults>
</compile_context>

<pallas_src>
import functools

import jax
import jax.numpy as jnp
from jax import lax
from jax.experimental import pallas as pl
from jax.experimental.pallas import tpu as pltpu
from jax.experimental.pallas import tpu_sc as plsc

N = 10000
E = 160000
D = 256
H = D // 2
NC = 2
NS = 16
LANES = 16
NPAD = 10112
EPAD = 163840
EPT = EPAD // NS
CHUNK = 32
NCHUNKS = EPT // CHUNK
MACRO = 8
NM = NCHUNKS // MACRO
BODIES = NCHUNKS // 2
ROWS_PER_SUB = NPAD // NS
GBYTES = 4 * CHUNK * H * 4
DUMP = NPAD - 1

_f32 = jnp.float32


def _proj_body(e_ref, ws_ref, wm_ref, wd_ref, bm_ref, bsum_ref,
               sg_ref, sm_ref, sd_ref):
    e = e_ref[...]
    ps = jnp.dot(e, ws_ref[...], preferred_element_type=_f32)
    pm = jnp.dot(e, wm_ref[...], preferred_element_type=_f32) + bm_ref[...]
    pd = jnp.dot(e, wd_ref[...], preferred_element_type=_f32) + bsum_ref[...]
    sg_ref[0] = ps[:, :H]
    sg_ref[1] = ps[:, H:]
    sm_ref[0] = pm[:, :H]
    sm_ref[1] = pm[:, H:]
    sd_ref[0] = pd[:, :H]
    sd_ref[1] = pd[:, H:]


def _node_proj(e_pad, w_src, w_msg, w_dst, b_msg, b_sum):
    rb = NPAD // 16
    grid = (NPAD // rb,)
    full = pl.BlockSpec((D, D), lambda i: (0, 0))
    vec = pl.BlockSpec((1, D), lambda i: (0, 0))
    return pl.pallas_call(
        _proj_body,
        grid=grid,
        in_specs=[pl.BlockSpec((rb, D), lambda i: (i, 0)), full, full, full,
                  vec, vec],
        out_specs=[pl.BlockSpec((2, rb, H), lambda i: (0, i, 0))] * 3,
        out_shape=[jax.ShapeDtypeStruct((2, NPAD, H), _f32)] * 3,
    )(e_pad, w_src, w_msg, w_dst, b_msg, b_sum)


def _ang_body(a_ref, w_ref, g_ref):
    g = jnp.dot(a_ref[...], w_ref[...], preferred_element_type=_f32)
    g_ref[0] = g[:, :H]
    g_ref[1] = g[:, H:]


def _ang_proj(a, w_ang):
    rb = 2000
    grid = (E // rb,)
    return pl.pallas_call(
        _ang_body,
        grid=grid,
        in_specs=[pl.BlockSpec((rb, D), lambda i: (i, 0)),
                  pl.BlockSpec((D, D), lambda i: (0, 0))],
        out_specs=pl.BlockSpec((2, rb, H), lambda i: (0, i, 0)),
        out_shape=jax.ShapeDtypeStruct((2, E, H), _f32),
    )(a, w_ang)


def _edge_body(sg_t, sm_t, sd_t, g_t, sodo, dstp, zeros_hbm, agg_out,
               sodo0, dp0, sodo1, dp1,
               sgA, smA, sdA, gA, sgB, smB, sdB, gB, mA, mB,
               agg_sh, semA, semB, semS):
    cid = lax.axis_index("c")
    sid = lax.axis_index("s")

    my_rows = pl.ds(sid * ROWS_PER_SUB, ROWS_PER_SUB)
    pltpu.sync_copy(zeros_hbm.at[my_rows], agg_sh.at[my_rows])

    idx_row0 = sid * (EPT // CHUNK)

    def load_macro(m, so_do, dp):
        rb = pl.multiple_of(idx_row0 + m * MACRO, 8)
        pltpu.sync_copy(sodo.at[cid, pl.ds(rb, MACRO)], so_do)
        pltpu.sync_copy(dstp.at[pl.ds(rb, MACRO)], dp)

    def issue(c, sg_b, sm_b, sd_b, g_b, sem, so_do):
        r = lax.rem(c, MACRO)
        so = so_do.at[r, pl.ds(0, CHUNK)]
        do = so_do.at[r, pl.ds(CHUNK, CHUNK)]
        pltpu.async_copy(sg_t.at[so], sg_b, sem)
        pltpu.async_copy(sm_t.at[so], sm_b, sem)
        pltpu.async_copy(sd_t.at[do], sd_b, sem)
        gbase = pl.multiple_of(
            cid * E + jnp.minimum(sid * EPT + c * CHUNK, E - CHUNK), 8)
        pltpu.async_copy(g_t.at[pl.ds(gbase, CHUNK)], g_b, sem)

    def issue_p(c, sg_b, sm_b, sd_b, g_b, sem):
        par = lax.rem(lax.div(c, MACRO), 2)

        @pl.when(par == 0)
        def _():
            issue(c, sg_b, sm_b, sd_b, g_b, sem, sodo0)

        @pl.when(par == 1)
        def _():
            issue(c, sg_b, sm_b, sd_b, g_b, sem, sodo1)

    def drain(sg_b, sm_b, sd_b, g_b, sem):
        dummy = sg_t.at[pl.ds(0, CHUNK)]
        pltpu.make_async_copy(dummy, sg_b, sem).wait()
        pltpu.make_async_copy(dummy, sm_b, sem).wait()
        pltpu.make_async_copy(dummy, sd_b, sem).wait()
        pltpu.make_async_copy(dummy, g_b, sem).wait()

    def drain_scatter(m_b):
        pltpu.make_async_copy(sg_t.at[pl.ds(0, CHUNK)], m_b, semS).wait()

    def compute(sg_b, sm_b, sd_b, g_b, m_b):
        @plsc.parallel_loop(0, CHUNK, unroll=2)
        def _(i):
            for j in range(H // LANES):
                fs = pl.ds(j * LANES, LANES)
                x = sg_b[i, fs] + sd_b[i, fs] + g_b[i, fs]
                m_b[i, fs] = sm_b[i, fs] / (1.0 + jnp.exp(x))

    def scatter(c, m_b):
        r = lax.rem(c, MACRO)
        par = lax.rem(lax.div(c, MACRO), 2)

        @pl.when(par == 0)
        def _():
            pltpu.async_copy(m_b, agg_sh.at[dp0.at[r]], semS, add=True)

        @pl.when(par == 1)
        def _():
            pltpu.async_copy(m_b, agg_sh.at[dp1.at[r]], semS, add=True)

    load_macro(0, sodo0, dp0)
    issue(0, sgA, smA, sdA, gA, semA, sodo0)

    def body(k, carry):
        c0 = 2 * k
        c1 = c0 + 1
        cn = c0 + 2

        issue_p(c1, sgB, smB, sdB, gB, semB)

        @pl.when(lax.rem(k, MACRO // 2) == 0)
        def _():
            mn = jnp.minimum(lax.div(k, MACRO // 2) + 1, NM - 1)

            @pl.when(lax.rem(mn, 2) == 0)
            def _():
                load_macro(mn, sodo0, dp0)

            @pl.when(lax.rem(mn, 2) == 1)
            def _():
                load_macro(mn, sodo1, dp1)

        drain(sgA, smA, sdA, gA, semA)

        @pl.when(k > 0)
        def _():
            drain_scatter(mA)

        compute(sgA, smA, sdA, gA, mA)
        scatter(c0, mA)

        @pl.when(cn < NCHUNKS)
        def _():
            issue_p(cn, sgA, smA, sdA, gA, semA)

        drain(sgB, smB, sdB, gB, semB)

        @pl.when(k > 0)
        def _():
            drain_scatter(mB)

        compute(sgB, smB, sdB, gB, mB)
        scatter(c1, mB)
        return carry

    lax.fori_loop(0, BODIES, body, 0)
    drain_scatter(mA)
    drain_scatter(mB)
    plsc.subcore_barrier()

    pltpu.sync_copy(agg_sh.at[my_rows], agg_out.at[cid, my_rows])


_edge_phase = functools.partial(
    pl.kernel,
    _edge_body,
    out_type=jax.ShapeDtypeStruct((2, NPAD, H), _f32),
    mesh=plsc.VectorSubcoreMesh(core_axis_name="c", subcore_axis_name="s"),
    scratch_types=[
        pltpu.VMEM((MACRO, 2 * CHUNK), jnp.int32),
        pltpu.VMEM((MACRO, CHUNK), jnp.int32),
        pltpu.VMEM((MACRO, 2 * CHUNK), jnp.int32),
        pltpu.VMEM((MACRO, CHUNK), jnp.int32),
        pltpu.VMEM((CHUNK, H), _f32),
        pltpu.VMEM((CHUNK, H), _f32),
        pltpu.VMEM((CHUNK, H), _f32),
        pltpu.VMEM((CHUNK, H), _f32),
        pltpu.VMEM((CHUNK, H), _f32),
        pltpu.VMEM((CHUNK, H), _f32),
        pltpu.VMEM((CHUNK, H), _f32),
        pltpu.VMEM((CHUNK, H), _f32),
        pltpu.VMEM((CHUNK, H), _f32),
        pltpu.VMEM((CHUNK, H), _f32),
        pltpu.VMEM_SHARED((NPAD, H), _f32),
        pltpu.SemaphoreType.DMA,
        pltpu.SemaphoreType.DMA,
        pltpu.SemaphoreType.DMA,
    ],
)()


def _mlp_body(e_ref, a0_ref, a1_ref, w1e_ref, w1a0_ref, w1a1_ref, b1_ref,
              w2_ref, b2_ref, gam_ref, bet_ref, out_ref):
    e = e_ref[...]
    h = (jnp.dot(e, w1e_ref[...], preferred_element_type=_f32)
         + jnp.dot(a0_ref[...], w1a0_ref[...], preferred_element_type=_f32)
         + jnp.dot(a1_ref[...], w1a1_ref[...], preferred_element_type=_f32)
         + b1_ref[...])
    h = h * (1.0 / (1.0 + jnp.exp(-h)))
    h = jnp.dot(h, w2_ref[...], preferred_element_type=_f32) + b2_ref[...]
    x = e + h
    mean = jnp.mean(x, axis=-1, keepdims=True)
    cen = x - mean
    var = jnp.mean(cen * cen, axis=-1, keepdims=True)
    out_ref[...] = cen * lax.rsqrt(var + 1e-5) * gam_ref[...] + bet_ref[...]


def _node_mlp(e, agg0, agg1, w1e, w1a0, w1a1, b1, w2, b2, gamma, beta):
    rb = 1000
    grid = (N // rb,)
    vec = pl.BlockSpec((1, D), lambda i: (0, 0))
    return pl.pallas_call(
        _mlp_body,
        grid=grid,
        in_specs=[pl.BlockSpec((rb, D), lambda i: (i, 0)),
                  pl.BlockSpec((rb, H), lambda i: (i, 0)),
                  pl.BlockSpec((rb, H), lambda i: (i, 0)),
                  pl.BlockSpec((D, D), lambda i: (0, 0)),
                  pl.BlockSpec((H, D), lambda i: (0, 0)),
                  pl.BlockSpec((H, D), lambda i: (0, 0)),
                  vec,
                  pl.BlockSpec((D, D), lambda i: (0, 0)),
                  vec, vec, vec],
        out_specs=pl.BlockSpec((rb, D), lambda i: (i, 0)),
        out_shape=jax.ShapeDtypeStruct((N, D), _f32),
    )(e, agg0, agg1, w1e, w1a0, w1a1, b1, w2, b2, gamma, beta)


def kernel(e, a, edge_index, W_src, b_src, W_dst, b_dst, W_ang, b_ang,
           W_msg, b_msg, W1, b1, W2, b2, gamma, beta):
    ei = edge_index.astype(jnp.int32)
    src, dst = ei[0], ei[1]
    nl2e = jnp.float32(-1.0)
    b_sum = ((b_src + b_dst + b_ang) * nl2e).reshape(1, D)

    e_pad = jnp.concatenate([e, jnp.zeros((NPAD - N, D), _f32)])
    sg_t, sm_t, sd_t = _node_proj(
        e_pad, W_src * nl2e, W_msg, W_dst * nl2e, b_msg.reshape(1, D), b_sum)
    g_t = _ang_proj(a, W_ang * nl2e).reshape(2 * E, H)

    src_p = jnp.concatenate([src, jnp.zeros((EPAD - E,), jnp.int32)])
    dst_p = jnp.concatenate([dst, jnp.full((EPAD - E,), DUMP, jnp.int32)])
    srco = jnp.stack([src_p, src_p + NPAD]).reshape(2, EPAD // CHUNK, CHUNK)
    dsto = jnp.stack([dst_p, dst_p + NPAD]).reshape(2, EPAD // CHUNK, CHUNK)
    sodo = jnp.concatenate([srco, dsto], axis=2)
    dstp = dst_p.reshape(EPAD // CHUNK, CHUNK)

    zeros = jnp.zeros((NPAD, H), _f32)
    agg = _edge_phase(sg_t.reshape(2 * NPAD, H), sm_t.reshape(2 * NPAD, H),
                      sd_t.reshape(2 * NPAD, H), g_t,
                      sodo, dstp, zeros)

    return _node_mlp(e, agg[0, :N], agg[1, :N], W1[:D], W1[D:D + H],
                     W1[D + H:], b1.reshape(1, D), W2, b2.reshape(1, D),
                     gamma.reshape(1, D), beta.reshape(1, D))

# --- scband reference (transcript-rebuilt; emitter-appended) ---
"""Pipeline reference for scband-angle-gated-conv-31490700214963 (READ-ONLY COPY).

The authoritative reference and input builder live on the scoring server;
editing this copy changes nothing except your own understanding.
"""

import jax, jax.numpy as jnp
import numpy as np

N, E, D = 10000, 160000, 256

def _linear_params(k, din, dout):
    k1, k2 = jax.random.split(k)
    s = 1.0 / np.sqrt(din)
    W = jax.random.uniform(k1, (din, dout), minval=-s, maxval=s, dtype=jnp.float32)
    b = jax.random.uniform(k2, (dout,), minval=-s, maxval=s, dtype=jnp.float32)
    return W, b

def setup_inputs(seed: int = 0):
    key = jax.random.key(seed)
    ks = jax.random.split(key, 10)
    e = jax.random.normal(ks[0], (N, D), dtype=jnp.float32)
    a = jax.random.normal(ks[1], (E, D), dtype=jnp.float32)
    edge_index = jax.random.randint(ks[2], (2, E), 0, N, dtype=jnp.int64)
    W_src, b_src = _linear_params(ks[3], D, D)
    W_dst, b_dst = _linear_params(ks[4], D, D)
    W_ang, b_ang = _linear_params(ks[5], D, D)
    W_msg, b_msg = _linear_params(ks[6], D, D)
    W1, b1 = _linear_params(ks[7], 2 * D, D)
    W2, b2 = _linear_params(ks[8], D, D)
    gamma = jnp.ones((D,), dtype=jnp.float32)
    beta = jnp.zeros((D,), dtype=jnp.float32)
    return {"e": e, "a": a, "edge_index": edge_index,
            "W_src": W_src, "b_src": b_src, "W_dst": W_dst, "b_dst": b_dst,
            "W_ang": W_ang, "b_ang": b_ang, "W_msg": W_msg, "b_msg": b_msg,
            "W1": W1, "b1": b1, "W2": W2, "b2": b2,
            "gamma": gamma, "beta": beta}

def reference(e, a, edge_index, W_src, b_src, W_dst, b_dst, W_ang, b_ang, W_msg, b_msg, W1, b1, W2, b2, gamma, beta):
    src = edge_index[0]
    dst = edge_index[1]
    e_src = jnp.take(e, src, axis=0)
    e_dst = jnp.take(e, dst, axis=0)
    gate_logits = (e_src @ W_src + b_src) + (e_dst @ W_dst + b_dst) + (a @ W_ang + b_ang)
    gate = jax.nn.sigmoid(gate_logits)
    src_msg = e_src @ W_msg + b_msg
    m = gate * src_msg
    agg = jax.ops.segment_sum(m, dst, num_segments=e.shape[0])
    h = jnp.concatenate([e, agg], axis=-1)
    h = h @ W1 + b1
    h = h * jax.nn.sigmoid(h)
    h = h @ W2 + b2
    x = e + h
    mean = jnp.mean(x, axis=-1, keepdims=True)
    var = jnp.var(x, axis=-1, keepdims=True)
    return (x - mean) / jnp.sqrt(var + 1e-5) * gamma + beta

if __name__ == "__main__":
    import jax
    _d = setup_inputs()
    print(jax.jit(kernel)(*tuple(_d.values())))

</pallas_src>

<mosaic_0001>
#map = affine_map<(d0, d1) -> (0, 0)>
#map1 = affine_map<(d0, d1) -> (0, 0, 0)>
module attributes {stable_mosaic.version = 14 : i64} {
  func.func @_edge_body(%arg0: i32, %arg1: i32, %arg2: memref<20224x128xf32, #tpu.memory_space<hbm>>, %arg3: memref<20224x128xf32, #tpu.memory_space<hbm>>, %arg4: memref<20224x128xf32, #tpu.memory_space<hbm>>, %arg5: memref<320000x128xf32, #tpu.memory_space<hbm>>, %arg6: memref<2x5120x64xi32, #tpu.memory_space<hbm>>, %arg7: memref<5120x32xi32, #tpu.memory_space<hbm>>, %arg8: memref<10112x128xf32, #tpu.memory_space<hbm>>, %arg9: memref<2x10112x128xf32, #tpu.memory_space<hbm>>, %arg10: memref<8x64xi32, #tpu.memory_space<vmem>>, %arg11: memref<8x32xi32, #tpu.memory_space<vmem>>, %arg12: memref<8x64xi32, #tpu.memory_space<vmem>>, %arg13: memref<8x32xi32, #tpu.memory_space<vmem>>, %arg14: memref<32x128xf32, #tpu.memory_space<vmem>>, %arg15: memref<32x128xf32, #tpu.memory_space<vmem>>, %arg16: memref<32x128xf32, #tpu.memory_space<vmem>>, %arg17: memref<32x128xf32, #tpu.memory_space<vmem>>, %arg18: memref<32x128xf32, #tpu.memory_space<vmem>>, %arg19: memref<32x128xf32, #tpu.memory_space<vmem>>, %arg20: memref<32x128xf32, #tpu.memory_space<vmem>>, %arg21: memref<32x128xf32, #tpu.memory_space<vmem>>, %arg22: memref<32x128xf32, #tpu.memory_space<vmem>>, %arg23: memref<32x128xf32, #tpu.memory_space<vmem>>, %arg24: memref<10112x128xf32, #tpu.memory_space<vmem_shared>>, %arg25: memref<!tpu.dma_semaphore, #tpu.memory_space<semaphore_mem>>, %arg26: memref<!tpu.dma_semaphore, #tpu.memory_space<semaphore_mem>>, %arg27: memref<!tpu.dma_semaphore, #tpu.memory_space<semaphore_mem>>) attributes {dimension_semantics = [#tpu.dimension_semantics<core_parallel>, #tpu.dimension_semantics<subcore_parallel>], iteration_bounds = array<i64: 2, 16>, scalar_prefetch = 0 : i64, scratch_operands = 18 : i64, tpu.core_type = #tpu.core_type<sc_vector_subcore>, window_params = [{transform_indices = #map}, {transform_indices = #map}, {transform_indices = #map}, {transform_indices = #map}, {transform_indices = #map1}, {transform_indices = #map}, {transform_indices = #map}, {transform_indices = #map1}]} {
    %mul3A = arith.constant 632 : i32
    %mul3A_0 = arith.muli %arg1, %mul3A : i32
    "tpu.region"() ({
      %run_scoped3A = tpu.sem_alloc : memref<!tpu.dma_semaphore, #tpu.memory_space<semaphore_mem>>
      %dma_start3A_52 = arith.constant 0 : i32
      %dma_start3A_53 = tpu.memref_slice %arg24[%mul3A_0, %dma_start3A_52] : memref<10112x128xf32, #tpu.memory_space<vmem_shared>> -> memref<632x128xf32, #tpu.memory_space<vmem_shared>>
      %dma_start3A_54 = arith.constant 0 : i32
      %dma_start3A_55 = tpu.memref_slice %arg8[%mul3A_0, %dma_start3A_54] : memref<10112x128xf32, #tpu.memory_space<hbm>> -> memref<632x128xf32, #tpu.memory_space<hbm>>
      tpu.enqueue_dma source(%dma_start3A_55 : memref<632x128xf32, #tpu.memory_space<hbm>>) target(%dma_start3A_53 : memref<632x128xf32, #tpu.memory_space<vmem_shared>>) target_semaphore(%run_scoped3A : memref<!tpu.dma_semaphore, #tpu.memory_space<semaphore_mem>>)
      %dma_wait3A_56 = arith.constant 0 : i32
      %dma_wait3A_57 = tpu.memref_slice %arg24[%mul3A_0, %dma_wait3A_56] : memref<10112x128xf32, #tpu.memory_space<vmem_shared>> -> memref<632x128xf32, #tpu.memory_space<vmem_shared>>
      %dma_wait3A_58 = arith.constant 0 : i32
      %dma_wait3A_59 = tpu.memref_slice %arg8[%mul3A_0, %dma_wait3A_58] : memref<10112x128xf32, #tpu.memory_space<hbm>> -> memref<632x128xf32, #tpu.memory_space<hbm>>
      tpu.wait_dma2 semaphore(%run_scoped3A : memref<!tpu.dma_semaphore, #tpu.memory_space<semaphore_mem>>) src(%dma_wait3A_59 : memref<632x128xf32, #tpu.memory_space<hbm>>) dst(%dma_wait3A_57 : memref<632x128xf32, #tpu.memory_space<vmem_shared>>)
      tpu.yield
    }) : () -> ()
    %mul3A_1 = arith.constant 320 : i32
    %mul3A_2 = arith.muli %arg1, %mul3A_1 : i32
    %add3A = arith.constant 0 : i32
    %add3A_3 = arith.addi %mul3A_2, %add3A : i32
    %multiple_of3A = tpu.assume_multiple %add3A_3, 8 : i32
    "tpu.region"() ({
      %run_scoped3A = tpu.sem_alloc : memref<!tpu.dma_semaphore, #tpu.memory_space<semaphore_mem>>
      %dma_start3A_52 = arith.constant 0 : i32
      %dma_start3A_53 = tpu.memref_slice %arg6[%arg0, %multiple_of3A, %dma_start3A_52] : memref<2x5120x64xi32, #tpu.memory_space<hbm>> -> memref<1x8x64xi32, #tpu.memory_space<hbm>>
      %dma_start3A_54 = tpu.memref_squeeze %dma_start3A_53 : memref<1x8x64xi32, #tpu.memory_space<hbm>> -> memref<8x64xi32, #tpu.memory_space<hbm>>
      %dma_start3A_55 = arith.constant 0 : i32
      %dma_start3A_56 = tpu.memref_slice %arg6[%arg0, %multiple_of3A, %dma_start3A_55] : memref<2x5120x64xi32, #tpu.memory_space<hbm>> -> memref<1x8x64xi32, #tpu.memory_space<hbm>>
      %dma_start3A_57 = tpu.memref_squeeze %dma_start3A_56 : memref<1x8x64xi32, #tpu.memory_space<hbm>> -> memref<8x64xi32, #tpu.memory_space<hbm>>
      tpu.enqueue_dma source(%dma_start3A_57 : memref<8x64xi32, #tpu.memory_space<hbm>>) target(%arg10 : memref<8x64xi32, #tpu.memory_space<vmem>>) target_semaphore(%run_scoped3A : memref<!tpu.dma_semaphore, #tpu.memory_space<semaphore_mem>>)
      %dma_wait3A_58 = arith.constant 0 : i32
      %dma_wait3A_59 = tpu.memref_slice %arg6[%arg0, %multiple_of3A, %dma_wait3A_58] : memref<2x5120x64xi32, #tpu.memory_space<hbm>> -> memref<1x8x64xi32, #tpu.memory_space<hbm>>
      %dma_wait3A_60 = tpu.memref_squeeze %dma_wait3A_59 : memref<1x8x64xi32, #tpu.memory_space<hbm>> -> memref<8x64xi32, #tpu.memory_space<hbm>>
      %dma_wait3A_61 = arith.constant 0 : i32
      %dma_wait3A_62 = tpu.memref_slice %arg6[%arg0, %multiple_of3A, %dma_wait3A_61] : memref<2x5120x64xi32, #tpu.memory_space<hbm>> -> memref<1x8x64xi32, #tpu.memory_space<hbm>>
      %dma_wait3A_63 = tpu.memref_squeeze %dma_wait3A_62 : memref<1x8x64xi32, #tpu.memory_space<hbm>> -> memref<8x64xi32, #tpu.memory_space<hbm>>
      tpu.wait_dma2 semaphore(%run_scoped3A : memref<!tpu.dma_semaphore, #tpu.memory_space<semaphore_mem>>) src(%dma_wait3A_63 : memref<8x64xi32, #tpu.memory_space<hbm>>) dst(%arg10 : memref<8x64xi32, #tpu.memory_space<vmem>>)
      tpu.yield
    }) : () -> ()
    "tpu.region"() ({
      %run_scoped3A = tpu.sem_alloc : memref<!tpu.dma_semaphore, #tpu.memory_space<semaphore_mem>>
      %dma_start3A_52 = arith.constant 0 : i32
      %dma_start3A_53 = tpu.memref_slice %arg7[%multiple_of3A, %dma_start3A_52] : memref<5120x32xi32, #tpu.memory_space<hbm>> -> memref<8x32xi32, #tpu.memory_space<hbm>>
      %dma_start3A_54 = arith.constant 0 : i32
      %dma_start3A_55 = tpu.memref_slice %arg7[%multiple_of3A, %dma_start3A_54] : memref<5120x32xi32, #tpu.memory_space<hbm>> -> memref<8x32xi32, #tpu.memory_space<hbm>>
      tpu.enqueue_dma source(%dma_start3A_55 : memref<8x32xi32, #tpu.memory_space<hbm>>) target(%arg11 : memref<8x32xi32, #tpu.memory_space<vmem>>) target_semaphore(%run_scoped3A : memref<!tpu.dma_semaphore, #tpu.memory_space<semaphore_mem>>)
      %dma_wait3A_56 = arith.constant 0 : i32
      %dma_wait3A_57 = tpu.memref_slice %arg7[%multiple_of3A, %dma_wait3A_56] : memref<5120x32xi32, #tpu.memory_space<hbm>> -> memref<8x32xi32, #tpu.memory_space<hbm>>
      %dma_wait3A_58 = arith.constant 0 : i32
      %dma_wait3A_59 = tpu.memref_slice %arg7[%multiple_of3A, %dma_wait3A_58] : memref<5120x32xi32, #tpu.memory_space<hbm>> -> memref<8x32xi32, #tpu.memory_space<hbm>>
      tpu.wait_dma2 semaphore(%run_scoped3A : memref<!tpu.dma_semaphore, #tpu.memory_space<semaphore_mem>>) src(%dma_wait3A_59 : memref<8x32xi32, #tpu.memory_space<hbm>>) dst(%arg11 : memref<8x32xi32, #tpu.memory_space<vmem>>)
      tpu.yield
    }) : () -> ()
    %rem3A = arith.constant 0 : i32
    %rem3A_4 = arith.constant 8 : i32
    %rem3A_5 = arith.remsi %rem3A, %rem3A_4 : i32
    %dma_start3A = arith.constant 0 : i32
    %dma_start3A_6 = tpu.memref_slice %arg10[%rem3A_5, %dma_start3A] : memref<8x64xi32, #tpu.memory_space<vmem>> -> memref<1x32xi32, #tpu.memory_space<vmem>>
    %dma_start3A_7 = tpu.memref_squeeze %dma_start3A_6 : memref<1x32xi32, #tpu.memory_space<vmem>> -> memref<32xi32, #tpu.memory_space<vmem>>
    %dma_start3A_8 = arith.constant 0 : i32
    %dma_start3A_9 = arith.constant 0 : i32
    %dma_start3A_10 = tpu.memref_slice %arg2[%dma_start3A_8, %dma_start3A_9] : memref<20224x128xf32, #tpu.memory_space<hbm>> -> memref<20224x128xf32, #tpu.memory_space<hbm>>
    tpu.enqueue_indirect_dma source(%dma_start3A_10 : memref<20224x128xf32, #tpu.memory_space<hbm>>) target(%arg14 : memref<32x128xf32, #tpu.memory_space<vmem>>) offsets(%dma_start3A_7 : memref<32xi32, #tpu.memory_space<vmem>>) semaphore(%arg25 : memref<!tpu.dma_semaphore, #tpu.memory_space<semaphore_mem>>)
    %dma_start3A_11 = arith.constant 0 : i32
    %dma_start3A_12 = tpu.memref_slice %arg10[%rem3A_5, %dma_start3A_11] : memref<8x64xi32, #tpu.memory_space<vmem>> -> memref<1x32xi32, #tpu.memory_space<vmem>>
    %dma_start3A_13 = tpu.memref_squeeze %dma_start3A_12 : memref<1x32xi32, #tpu.memory_space<vmem>> -> memref<32xi32, #tpu.memory_space<vmem>>
    %dma_start3A_14 = arith.constant 0 : i32
    %dma_start3A_15 = arith.constant 0 : i32
    %dma_start3A_16 = tpu.memref_slice %arg3[%dma_start3A_14, %dma_start3A_15] : memref<20224x128xf32, #tpu.memory_space<hbm>> -> memref<20224x128xf32, #tpu.memory_space<hbm>>
    tpu.enqueue_indirect_dma source(%dma_start3A_16 : memref<20224x128xf32, #tpu.memory_space<hbm>>) target(%arg15 : memref<32x128xf32, #tpu.memory_space<vmem>>) offsets(%dma_start3A_13 : memref<32xi32, #tpu.memory_space<vmem>>) semaphore(%arg25 : memref<!tpu.dma_semaphore, #tpu.memory_space<semaphore_mem>>)
    %dma_start3A_17 = arith.constant 32 : i32
    %dma_start3A_18 = tpu.memref_slice %arg10[%rem3A_5, %dma_start3A_17] : memref<8x64xi32, #tpu.memory_space<vmem>> -> memref<1x32xi32, #tpu.memory_space<vmem>>
    %dma_start3A_19 = tpu.memref_squeeze %dma_start3A_18 : memref<1x32xi32, #tpu.memory_space<vmem>> -> memref<32xi32, #tpu.memory_space<vmem>>
    %dma_start3A_20 = arith.constant 0 : i32
    %dma_start3A_21 = arith.constant 0 : i32
    %dma_start3A_22 = tpu.memref_slice %arg4[%dma_start3A_20, %dma_start3A_21] : memref<20224x128xf32, #tpu.memory_space<hbm>> -> memref<20224x128xf32, #tpu.memory_space<hbm>>
    tpu.enqueue_indirect_dma source(%dma_start3A_22 : memref<20224x128xf32, #tpu.memory_space<hbm>>) target(%arg16 : memref<32x128xf32, #tpu.memory_space<vmem>>) offsets(%dma_start3A_19 : memref<32xi32, #tpu.memory_space<vmem>>) semaphore(%arg25 : memref<!tpu.dma_semaphore, #tpu.memory_space<semaphore_mem>>)
    %mul3A_23 = arith.constant 160000 : i32
    %mul3A_24 = arith.muli %arg0, %mul3A_23 : i32
    %mul3A_25 = arith.constant 10240 : i32
    %mul3A_26 = arith.muli %arg1, %mul3A_25 : i32
    %add3A_27 = arith.constant 0 : i32
    %add3A_28 = arith.addi %mul3A_26, %add3A_27 : i32
    %min3A = arith.constant 159968 : i32
    %min3A_29 = arith.minsi %add3A_28, %min3A : i32
    %add3A_30 = arith.addi %mul3A_24, %min3A_29 : i32
    %multiple_of3A_31 = tpu.assume_multiple %add3A_30, 8 : i32
    %dma_start3A_32 = arith.constant 0 : i32
    %dma_start3A_33 = tpu.memref_slice %arg5[%multiple_of3A_31, %dma_start3A_32] : memref<320000x128xf32, #tpu.memory_space<hbm>> -> memref<32x128xf32, #tpu.memory_space<hbm>>
    %dma_start3A_34 = arith.constant 0 : i32
    %dma_start3A_35 = tpu.memref_slice %arg5[%multiple_of3A_31, %dma_start3A_34] : memref<320000x128xf32, #tpu.memory_space<hbm>> -> memref<32x128xf32, #tpu.memory_space<hbm>>
    tpu.enqueue_dma source(%dma_start3A_35 : memref<32x128xf32, #tpu.memory_space<hbm>>) target(%arg17 : memref<32x128xf32, #tpu.memory_space<vmem>>) target_semaphore(%arg25 : memref<!tpu.dma_semaphore, #tpu.memory_space<semaphore_mem>>)
    %scan3A = arith.constant 0 : i32
    %scan3A_36 = arith.constant 0 : i32
    %scan3A_37 = arith.constant 160 : i32
    %scan3A_38 = arith.addi %scan3A_36, %scan3A_37 : i32
    %scan3A_39 = arith.constant 1 : i32
    scf.for %scan3A_52 = %scan3A_36 to %scan3A_38 step %scan3A_39  : i32 {
      %mul3A_53 = arith.constant 2 : i32
      %mul3A_54 = arith.muli %mul3A_53, %scan3A_52 : i32
      %add3A_55 = arith.constant 1 : i32
      %add3A_56 = arith.addi %mul3A_54, %add3A_55 : i32
      %add3A_57 = arith.constant 2 : i32
      %add3A_58 = arith.addi %mul3A_54, %add3A_57 : i32
      %div3A = arith.constant 8 : i32
      %div3A_59 = arith.divsi %add3A_56, %div3A : i32
      %rem3A_60 = arith.constant 2 : i32
      %rem3A_61 = arith.remsi %div3A_59, %rem3A_60 : i32
      %eq3A = arith.constant 0 : i32
      %eq3A_62 = arith.cmpi eq, %rem3A_61, %eq3A : i32
      %convert_element_type3A = arith.extui %eq3A_62 : i1 to i32
      %cond3A = arith.constant 0 : i32
      %cond3A_63 = arith.cmpi ne, %convert_element_type3A, %cond3A : i32
      scf.if %cond3A_63 {
        %rem3A_174 = arith.constant 8 : i32
        %rem3A_175 = arith.remsi %add3A_56, %rem3A_174 : i32
        %dma_start3A_176 = arith.constant 0 : i32
        %dma_start3A_177 = tpu.memref_slice %arg10[%rem3A_175, %dma_start3A_176] : memref<8x64xi32, #tpu.memory_space<vmem>> -> memref<1x32xi32, #tpu.memory_space<vmem>>
        %dma_start3A_178 = tpu.memref_squeeze %dma_start3A_177 : memref<1x32xi32, #tpu.memory_space<vmem>> -> memref<32xi32, #tpu.memory_space<vmem>>
        %dma_start3A_179 = arith.constant 0 : i32
        %dma_start3A_180 = arith.constant 0 : i32
        %dma_start3A_181 = tpu.memref_slice %arg2[%dma_start3A_179, %dma_start3A_180] : memref<20224x128xf32, #tpu.memory_space<hbm>> -> memref<20224x128xf32, #tpu.memory_space<hbm>>
        tpu.enqueue_indirect_dma source(%dma_start3A_181 : memref<20224x128xf32, #tpu.memory_space<hbm>>) target(%arg18 : memref<32x128xf32, #tpu.memory_space<vmem>>) offsets(%dma_start3A_178 : memref<32xi32, #tpu.memory_space<vmem>>) semaphore(%arg26 : memref<!tpu.dma_semaphore, #tpu.memory_space<semaphore_mem>>)
        %dma_start3A_182 = arith.constant 0 : i32
        %dma_start3A_183 = tpu.memref_slice %arg10[%rem3A_175, %dma_start3A_182] : memref<8x64xi32, #tpu.memory_space<vmem>> -> memref<1x32xi32, #tpu.memory_space<vmem>>
        %dma_start3A_184 = tpu.memref_squeeze %dma_start3A_183 : memref<1x32xi32, #tpu.memory_space<vmem>> -> memref<32xi32, #tpu.memory_space<vmem>>
        %dma_start3A_185 = arith.constant 0 : i32
        %dma_start3A_186 = arith.constant 0 : i32
        %dma_start3A_187 = tpu.memref_slice %arg3[%dma_start3A_185, %dma_start3A_186] : memref<20224x128xf32, #tpu.memory_space<hbm>> -> memref<20224x128xf32, #tpu.memory_space<hbm>>
        tpu.enqueue_indirect_dma source(%dma_start3A_187 : memref<20224x128xf32, #tpu.memory_space<hbm>>) target(%arg19 : memref<32x128xf32, #tpu.memory_space<vmem>>) offsets(%dma_start3A_184 : memref<32xi32, #tpu.memory_space<vmem>>) semaphore(%arg26 : memref<!tpu.dma_semaphore, #tpu.memory_space<semaphore_mem>>)
        %dma_start3A_188 = arith.constant 32 : i32
        %dma_start3A_189 = tpu.memref_slice %arg10[%rem3A_175, %dma_start3A_188] : memref<8x64xi32, #tpu.memory_space<vmem>> -> memref<1x32xi32, #tpu.memory_space<vmem>>
        %dma_start3A_190 = tpu.memref_squeeze %dma_start3A_189 : memref<1x32xi32, #tpu.memory_space<vmem>> -> memref<32xi32, #tpu.memory_space<vmem>>
        %dma_start3A_191 = arith.constant 0 : i32
        %dma_start3A_192 = arith.constant 0 : i32
        %dma_start3A_193 = tpu.memref_slice %arg4[%dma_start3A_191, %dma_start3A_192] : memref<20224x128xf32, #tpu.memory_space<hbm>> -> memref<20224x128xf32, #tpu.memory_space<hbm>>
        tpu.enqueue_indirect_dma source(%dma_start3A_193 : memref<20224x128xf32, #tpu.memory_space<hbm>>) target(%arg20 : memref<32x128xf32, #tpu.memory_space<vmem>>) offsets(%dma_start3A_190 : memref<32xi32, #tpu.memory_space<vmem>>) semaphore(%arg26 : memref<!tpu.dma_semaphore, #tpu.memory_space<semaphore_mem>>)
        %mul3A_194 = arith.constant 160000 : i32
        %mul3A_195 = arith.muli %arg0, %mul3A_194 : i32
        %mul3A_196 = arith.constant 10240 : i32
        %mul3A_197 = arith.muli %arg1, %mul3A_196 : i32
        %mul3A_198 = arith.constant 32 : i32
        %mul3A_199 = arith.muli %add3A_56, %mul3A_198 : i32
        %add3A_200 = arith.addi %mul3A_197, %mul3A_199 : i32
        %min3A_201 = arith.constant 159968 : i32
        %min3A_202 = arith.minsi %add3A_200, %min3A_201 : i32
        %add3A_203 = arith.addi %mul3A_195, %min3A_202 : i32
        %multiple_of3A_204 = tpu.assume_multiple %add3A_203, 8 : i32
        %dma_start3A_205 = arith.constant 0 : i32
        %dma_start3A_206 = tpu.memref_slice %arg5[%multiple_of3A_204, %dma_start3A_205] : memref<320000x128xf32, #tpu.memory_space<hbm>> -> memref<32x128xf32, #tpu.memory_space<hbm>>
        %dma_start3A_207 = arith.constant 0 : i32
        %dma_start3A_208 = tpu.memref_slice %arg5[%multiple_of3A_204, %dma_start3A_207] : memref<320000x128xf32, #tpu.memory_space<hbm>> -> memref<32x128xf32, #tpu.memory_space<hbm>>
        tpu.enqueue_dma source(%dma_start3A_208 : memref<32x128xf32, #tpu.memory_space<hbm>>) target(%arg21 : memref<32x128xf32, #tpu.memory_space<vmem>>) target_semaphore(%arg26 : memref<!tpu.dma_semaphore, #tpu.memory_space<semaphore_mem>>)
      } else {
      }
      %eq3A_64 = arith.constant 1 : i32
      %eq3A_65 = arith.cmpi eq, %rem3A_61, %eq3A_64 : i32
      %convert_element_type3A_66 = arith.extui %eq3A_65 : i1 to i32
      %cond3A_67 = arith.constant 0 : i32
      %cond3A_68 = arith.cmpi ne, %convert_element_type3A_66, %cond3A_67 : i32
      scf.if %cond3A_68 {
        %rem3A_174 = arith.constant 8 : i32
        %rem3A_175 = arith.remsi %add3A_56, %rem3A_174 : i32
        %dma_start3A_176 = arith.constant 0 : i32
        %dma_start3A_177 = tpu.memref_slice %arg12[%rem3A_175, %dma_start3A_176] : memref<8x64xi32, #tpu.memory_space<vmem>> -> memref<1x32xi32, #tpu.memory_space<vmem>>
        %dma_start3A_178 = tpu.memref_squeeze %dma_start3A_177 : memref<1x32xi32, #tpu.memory_space<vmem>> -> memref<32xi32, #tpu.memory_space<vmem>>
        %dma_start3A_179 = arith.constant 0 : i32
        %dma_start3A_180 = arith.constant 0 : i32
        %dma_start3A_181 = tpu.memref_slice %arg2[%dma_start3A_179, %dma_start3A_180] : memref<20224x128xf32, #tpu.memory_space<hbm>> -> memref<20224x128xf32, #tpu.memory_space<hbm>>
        tpu.enqueue_indirect_dma source(%dma_start3A_181 : memref<20224x128xf32, #tpu.memory_space<hbm>>) target(%arg18 : memref<32x128xf32, #tpu.memory_space<vmem>>) offsets(%dma_start3A_178 : memref<32xi32, #tpu.memory_space<vmem>>) semaphore(%arg26 : memref<!tpu.dma_semaphore, #tpu.memory_space<semaphore_mem>>)
        %dma_start3A_182 = arith.constant 0 : i32
        %dma_start3A_183 = tpu.memref_slice %arg12[%rem3A_175, %dma_start3A_182] : memref<8x64xi32, #tpu.memory_space<vmem>> -> memref<1x32xi32, #tpu.memory_space<vmem>>
        %dma_start3A_184 = tpu.memref_squeeze %dma_start3A_183 : memref<1x32xi32, #tpu.memory_space<vmem>> -> memref<32xi32, #tpu.memory_space<vmem>>
        %dma_start3A_185 = arith.constant 0 : i32
        %dma_start3A_186 = arith.constant 0 : i32
        %dma_start3A_187 = tpu.memref_slice %arg3[%dma_start3A_185, %dma_start3A_186] : memref<20224x128xf32, #tpu.memory_space<hbm>> -> memref<20224x128xf32, #tpu.memory_space<hbm>>
        tpu.enqueue_indirect_dma source(%dma_start3A_187 : memref<20224x128xf32, #tpu.memory_space<hbm>>) target(%arg19 : memref<32x128xf32, #tpu.memory_space<vmem>>) offsets(%dma_start3A_184 : memref<32xi32, #tpu.memory_space<vmem>>) semaphore(%arg26 : memref<!tpu.dma_semaphore, #tpu.memory_space<semaphore_mem>>)
        %dma_start3A_188 = arith.constant 32 : i32
        %dma_start3A_189 = tpu.memref_slice %arg12[%rem3A_175, %dma_start3A_188] : memref<8x64xi32, #tpu.memory_space<vmem>> -> memref<1x32xi32, #tpu.memory_space<vmem>>
        %dma_start3A_190 = tpu.memref_squeeze %dma_start3A_189 : memref<1x32xi32, #tpu.memory_space<vmem>> -> memref<32xi32, #tpu.memory_space<vmem>>
        %dma_start3A_191 = arith.constant 0 : i32
        %dma_start3A_192 = arith.constant 0 : i32
        %dma_start3A_193 = tpu.memref_slice %arg4[%dma_start3A_191, %dma_start3A_192] : memref<20224x128xf32, #tpu.memory_space<hbm>> -> memref<20224x128xf32, #tpu.memory_space<hbm>>
        tpu.enqueue_indirect_dma source(%dma_start3A_193 : memref<20224x128xf32, #tpu.memory_space<hbm>>) target(%arg20 : memref<32x128xf32, #tpu.memory_space<vmem>>) offsets(%dma_start3A_190 : memref<32xi32, #tpu.memory_space<vmem>>) semaphore(%arg26 : memref<!tpu.dma_semaphore, #tpu.memory_space<semaphore_mem>>)
        %mul3A_194 = arith.constant 160000 : i32
        %mul3A_195 = arith.muli %arg0, %mul3A_194 : i32
        %mul3A_196 = arith.constant 10240 : i32
        %mul3A_197 = arith.muli %arg1, %mul3A_196 : i32
        %mul3A_198 = arith.constant 32 : i32
        %mul3A_199 = arith.muli %add3A_56, %mul3A_198 : i32
        %add3A_200 = arith.addi %mul3A_197, %mul3A_199 : i32
        %min3A_201 = arith.constant 159968 : i32
        %min3A_202 = arith.minsi %add3A_200, %min3A_201 : i32
        %add3A_203 = arith.addi %mul3A_195, %min3A_202 : i32
        %multiple_of3A_204 = tpu.assume_multiple %add3A_203, 8 : i32
        %dma_start3A_205 = arith.constant 0 : i32
        %dma_start3A_206 = tpu.memref_slice %arg5[%multiple_of3A_204, %dma_start3A_205] : memref<320000x128xf32, #tpu.memory_space<hbm>> -> memref<32x128xf32, #tpu.memory_space<hbm>>
        %dma_start3A_207 = arith.constant 0 : i32
        %dma_start3A_208 = tpu.memref_slice %arg5[%multiple_of3A_204, %dma_start3A_207] : memref<320000x128xf32, #tpu.memory_space<hbm>> -> memref<32x128xf32, #tpu.memory_space<hbm>>
        tpu.enqueue_dma source(%dma_start3A_208 : memref<32x128xf32, #tpu.memory_space<hbm>>) target(%arg21 : memref<32x128xf32, #tpu.memory_space<vmem>>) target_semaphore(%arg26 : memref<!tpu.dma_semaphore, #tpu.memory_space<semaphore_mem>>)
      } else {
      }
      %rem3A_69 = arith.constant 4 : i32
      %rem3A_70 = arith.remsi %scan3A_52, %rem3A_69 : i32
      %eq3A_71 = arith.constant 0 : i32
      %eq3A_72 = arith.cmpi eq, %rem3A_70, %eq3A_71 : i32
      %convert_element_type3A_73 = arith.extui %eq3A_72 : i1 to i32
      %cond3A_74 = arith.constant 0 : i32
      %cond3A_75 = arith.cmpi ne, %convert_element_type3A_73, %cond3A_74 : i32
      scf.if %cond3A_75 {
        %div3A_174 = arith.constant 4 : i32
        %div3A_175 = arith.divsi %scan3A_52, %div3A_174 : i32
        %add3A_176 = arith.constant 1 : i32
        %add3A_177 = arith.addi %div3A_175, %add3A_176 : i32
        %min3A_178 = arith.constant 39 : i32
        %min3A_179 = arith.minsi %add3A_177, %min3A_178 : i32
        %rem3A_180 = arith.constant 2 : i32
        %rem3A_181 = arith.remsi %min3A_179, %rem3A_180 : i32
        %eq3A_182 = arith.constant 0 : i32
        %eq3A_183 = arith.cmpi eq, %rem3A_181, %eq3A_182 : i32
        %convert_element_type3A_184 = arith.extui %eq3A_183 : i1 to i32
        %cond3A_185 = arith.constant 0 : i32
        %cond3A_186 = arith.cmpi ne, %convert_element_type3A_184, %cond3A_185 : i32
        scf.if %cond3A_186 {
          %mul3A_194 = arith.constant 8 : i32
          %mul3A_195 = arith.muli %min3A_179, %mul3A_194 : i32
          %add3A_196 = arith.addi %mul3A_2, %mul3A_195 : i32
          %multiple_of3A_197 = tpu.assume_multiple %add3A_196, 8 : i32
          "tpu.region"() ({
            %run_scoped3A = tpu.sem_alloc : memref<!tpu.dma_semaphore, #tpu.memory_space<semaphore_mem>>
            %dma_start3A_198 = arith.constant 0 : i32
            %dma_start3A_199 = tpu.memref_slice %arg6[%arg0, %multiple_of3A_197, %dma_start3A_198] : memref<2x5120x64xi32, #tpu.memory_space<hbm>> -> memref<1x8x64xi32, #tpu.memory_space<hbm>>
            %dma_start3A_200 = tpu.memref_squeeze %dma_start3A_199 : memref<1x8x64xi32, #tpu.memory_space<hbm>> -> memref<8x64xi32, #tpu.memory_space<hbm>>
            %dma_start3A_201 = arith.constant 0 : i32
            %dma_start3A_202 = tpu.memref_slice %arg6[%arg0, %multiple_of3A_197, %dma_start3A_201] : memref<2x5120x64xi32, #tpu.memory_space<hbm>> -> memref<1x8x64xi32, #tpu.memory_space<hbm>>
            %dma_start3A_203 = tpu.memref_squeeze %dma_start3A_202 : memref<1x8x64xi32, #tpu.memory_space<hbm>> -> memref<8x64xi32, #tpu.memory_space<hbm>>
            tpu.enqueue_dma source(%dma_start3A_203 : memref<8x64xi32, #tpu.memory_space<hbm>>) target(%arg10 : memref<8x64xi32, #tpu.memory_space<vmem>>) target_semaphore(%run_scoped3A : memref<!tpu.dma_semaphore, #tpu.memory_space<semaphore_mem>>)
            %dma_wait3A_204 = arith.constant 0 : i32
            %dma_wait3A_205 = tpu.memref_slice %arg6[%arg0, %multiple_of3A_197, %dma_wait3A_204] : memref<2x5120x64xi32, #tpu.memory_space<hbm>> -> memref<1x8x64xi32, #tpu.memory_space<hbm>>
            %dma_wait3A_206 = tpu.memref_squeeze %dma_wait3A_205 : memref<1x8x64xi32, #tpu.memory_space<hbm>> -> memref<8x64xi32, #tpu.memory_space<hbm>>
            %dma_wait3A_207 = arith.constant 0 : i32
            %dma_wait3A_208 = tpu.memref_slice %arg6[%arg0, %multiple_of3A_197, %dma_wait3A_207] : memref<2x5120x64xi32, #tpu.memory_space<hbm>> -> memref<1x8x64xi32, #tpu.memory_space<hbm>>
            %dma_wait3A_209 = tpu.memref_squeeze %dma_wait3A_208 : memref<1x8x64xi32, #tpu.memory_space<hbm>> -> memref<8x64xi32, #tpu.memory_space<hbm>>
            tpu.wait_dma2 semaphore(%run_scoped3A : memref<!tpu.dma_semaphore, #tpu.memory_space<semaphore_mem>>) src(%dma_wait3A_209 : memref<8x64xi32, #tpu.memory_space<hbm>>) dst(%arg10 : memref<8x64xi32, #tpu.memory_space<vmem>>)
            tpu.yield
          }) : () -> ()
          "tpu.region"() ({
            %run_scoped3A = tpu.sem_alloc : memref<!tpu.dma_semaphore, #tpu.memory_space<semaphore_mem>>
            %dma_start3A_198 = arith.constant 0 : i32
            %dma_start3A_199 = tpu.memref_slice %arg7[%multiple_of3A_197, %dma_start3A_198] : memref<5120x32xi32, #tpu.memory_space<hbm>> -> memref<8x32xi32, #tpu.memory_space<hbm>>
            %dma_start3A_200 = arith.constant 0 : i32
            %dma_start3A_201 = tpu.memref_slice %arg7[%multiple_of3A_197, %dma_start3A_200] : memref<5120x32xi32, #tpu.memory_space<hbm>> -> memref<8x32xi32, #tpu.memory_space<hbm>>
            tpu.enqueue_dma source(%dma_start3A_201 : memref<8x32xi32, #tpu.memory_space<hbm>>) target(%arg11 : memref<8x32xi32, #tpu.memory_space<vmem>>) target_semaphore(%run_scoped3A : memref<!tpu.dma_semaphore, #tpu.memory_space<semaphore_mem>>)
            %dma_wait3A_202 = arith.constant 0 : i32
            %dma_wait3A_203 = tpu.memref_slice %arg7[%multiple_of3A_197, %dma_wait3A_202] : memref<5120x32xi32, #tpu.memory_space<hbm>> -> memref<8x32xi32, #tpu.memory_space<hbm>>
            %dma_wait3A_204 = arith.constant 0 : i32
            %dma_wait3A_205 = tpu.memref_slice %arg7[%multiple_of3A_197, %dma_wait3A_204] : memref<5120x32xi32, #tpu.memory_space<hbm>> -> memref<8x32xi32, #tpu.memory_space<hbm>>
            tpu.wait_dma2 semaphore(%run_scoped3A : memref<!tpu.dma_semaphore, #tpu.memory_space<semaphore_mem>>) src(%dma_wait3A_205 : memref<8x32xi32, #tpu.memory_space<hbm>>) dst(%arg11 : memref<8x32xi32, #tpu.memory_space<vmem>>)
            tpu.yield
          }) : () -> ()
        } else {
        }
        %rem3A_187 = arith.constant 2 : i32
        %rem3A_188 = arith.remsi %min3A_179, %rem3A_187 : i32
        %eq3A_189 = arith.constant 1 : i32
        %eq3A_190 = arith.cmpi eq, %rem3A_188, %eq3A_189 : i32
        %convert_element_type3A_191 = arith.extui %eq3A_190 : i1 to i32
        %cond3A_192 = arith.constant 0 : i32
        %cond3A_193 = arith.cmpi ne, %convert_element_type3A_191, %cond3A_192 : i32
        scf.if %cond3A_193 {
          %mul3A_194 = arith.constant 8 : i32
          %mul3A_195 = arith.muli %min3A_179, %mul3A_194 : i32
          %add3A_196 = arith.addi %mul3A_2, %mul3A_195 : i32
          %multiple_of3A_197 = tpu.assume_multiple %add3A_196, 8 : i32
          "tpu.region"() ({
            %run_scoped3A = tpu.sem_alloc : memref<!tpu.dma_semaphore, #tpu.memory_space<semaphore_mem>>
            %dma_start3A_198 = arith.constant 0 : i32
            %dma_start3A_199 = tpu.memref_slice %arg6[%arg0, %multiple_of3A_197, %dma_start3A_198] : memref<2x5120x64xi32, #tpu.memory_space<hbm>> -> memref<1x8x64xi32, #tpu.memory_space<hbm>>
            %dma_start3A_200 = tpu.memref_squeeze %dma_start3A_199 : memref<1x8x64xi32, #tpu.memory_space<hbm>> -> memref<8x64xi32, #tpu.memory_space<hbm>>
            %dma_start3A_201 = arith.constant 0 : i32
            %dma_start3A_202 = tpu.memref_slice %arg6[%arg0, %multiple_of3A_197, %dma_start3A_201] : memref<2x5120x64xi32, #tpu.memory_space<hbm>> -> memref<1x8x64xi32, #tpu.memory_space<hbm>>
            %dma_start3A_203 = tpu.memref_squeeze %dma_start3A_202 : memref<1x8x64xi32, #tpu.memory_space<hbm>> -> memref<8x64xi32, #tpu.memory_space<hbm>>
            tpu.enqueue_dma source(%dma_start3A_203 : memref<8x64xi32, #tpu.memory_space<hbm>>) target(%arg12 : memref<8x64xi32, #tpu.memory_space<vmem>>) target_semaphore(%run_scoped3A : memref<!tpu.dma_semaphore, #tpu.memory_space<semaphore_mem>>)
            %dma_wait3A_204 = arith.constant 0 : i32
            %dma_wait3A_205 = tpu.memref_slice %arg6[%arg0, %multiple_of3A_197, %dma_wait3A_204] : memref<2x5120x64xi32, #tpu.memory_space<hbm>> -> memref<1x8x64xi32, #tpu.memory_space<hbm>>
            %dma_wait3A_206 = tpu.memref_squeeze %dma_wait3A_205 : memref<1x8x64xi32, #tpu.memory_space<hbm>> -> memref<8x64xi32, #tpu.memory_space<hbm>>
            %dma_wait3A_207 = arith.constant 0 : i32
            %dma_wait3A_208 = tpu.memref_slice %arg6[%arg0, %multiple_of3A_197, %dma_wait3A_207] : memref<2x5120x64xi32, #tpu.memory_space<hbm>> -> memref<1x8x64xi32, #tpu.memory_space<hbm>>
            %dma_wait3A_209 = tpu.memref_squeeze %dma_wait3A_208 : memref<1x8x64xi32, #tpu.memory_space<hbm>> -> memref<8x64xi32, #tpu.memory_space<hbm>>
            tpu.wait_dma2 semaphore(%run_scoped3A : memref<!tpu.dma_semaphore, #tpu.memory_space<semaphore_mem>>) src(%dma_wait3A_209 : memref<8x64xi32, #tpu.memory_space<hbm>>) dst(%arg12 : memref<8x64xi32, #tpu.memory_space<vmem>>)
            tpu.yield
          }) : () -> ()
          "tpu.region"() ({
            %run_scoped3A = tpu.sem_alloc : memref<!tpu.dma_semaphore, #tpu.memory_space<semaphore_mem>>
            %dma_start3A_198 = arith.constant 0 : i32
            %dma_start3A_199 = tpu.memref_slice %arg7[%multiple_of3A_197, %dma_start3A_198] : memref<5120x32xi32, #tpu.memory_space<hbm>> -> memref<8x32xi32, #tpu.memory_space<hbm>>
            %dma_start3A_200 = arith.constant 0 : i32
            %dma_start3A_201 = tpu.memref_slice %arg7[%multiple_of3A_197, %dma_start3A_200] : memref<5120x32xi32, #tpu.memory_space<hbm>> -> memref<8x32xi32, #tpu.memory_space<hbm>>
            tpu.enqueue_dma source(%dma_start3A_201 : memref<8x32xi32, #tpu.memory_space<hbm>>) target(%arg13 : memref<8x32xi32, #tpu.memory_space<vmem>>) target_semaphore(%run_scoped3A : memref<!tpu.dma_semaphore, #tpu.memory_space<semaphore_mem>>)
            %dma_wait3A_202 = arith.constant 0 : i32
            %dma_wait3A_203 = tpu.memref_slice %arg7[%multiple_of3A_197, %dma_wait3A_202] : memref<5120x32xi32, #tpu.memory_space<hbm>> -> memref<8x32xi32, #tpu.memory_space<hbm>>
            %dma_wait3A_204 = arith.constant 0 : i32
            %dma_wait3A_205 = tpu.memref_slice %arg7[%multiple_of3A_197, %dma_wait3A_204] : memref<5120x32xi32, #tpu.memory_space<hbm>> -> memref<8x32xi32, #tpu.memory_space<hbm>>
            tpu.wait_dma2 semaphore(%run_scoped3A : memref<!tpu.dma_semaphore, #tpu.memory_space<semaphore_mem>>) src(%dma_wait3A_205 : memref<8x32xi32, #tpu.memory_space<hbm>>) dst(%arg13 : memref<8x32xi32, #tpu.memory_space<vmem>>)
            tpu.yield
          }) : () -> ()
        } else {
        }
      } else {
      }
      %dma_wait3A_76 = arith.constant 0 : i32
      %dma_wait3A_77 = arith.constant 0 : i32
      %dma_wait3A_78 = tpu.memref_slice %arg2[%dma_wait3A_76, %dma_wait3A_77] : memref<20224x128xf32, #tpu.memory_space<hbm>> -> memref<32x128xf32, #tpu.memory_space<hbm>>
      %dma_wait3A_79 = arith.constant 0 : i32
      %dma_wait3A_80 = arith.constant 0 : i32
      %dma_wait3A_81 = tpu.memref_slice %arg2[%dma_wait3A_79, %dma_wait3A_80] : memref<20224x128xf32, #tpu.memory_space<hbm>> -> memref<32x128xf32, #tpu.memory_space<hbm>>
      tpu.wait_dma2 semaphore(%arg25 : memref<!tpu.dma_semaphore, #tpu.memory_space<semaphore_mem>>) src(%dma_wait3A_81 : memref<32x128xf32, #tpu.memory_space<hbm>>) dst(%arg14 : memref<32x128xf32, #tpu.memory_space<vmem>>)
      %dma_wait3A_82 = arith.constant 0 : i32
      %dma_wait3A_83 = arith.constant 0 : i32
      %dma_wait3A_84 = tpu.memref_slice %arg2[%dma_wait3A_82, %dma_wait3A_83] : memref<20224x128xf32, #tpu.memory_space<hbm>> -> memref<32x128xf32, #tpu.memory_space<hbm>>
      %dma_wait3A_85 = arith.constant 0 : i32
      %dma_wait3A_86 = arith.constant 0 : i32
      %dma_wait3A_87 = tpu.memref_slice %arg2[%dma_wait3A_85, %dma_wait3A_86] : memref<20224x128xf32, #tpu.memory_space<hbm>> -> memref<32x128xf32, #tpu.memory_space<hbm>>
      tpu.wait_dma2 semaphore(%arg25 : memref<!tpu.dma_semaphore, #tpu.memory_space<semaphore_mem>>) src(%dma_wait3A_87 : memref<32x128xf32, #tpu.memory_space<hbm>>) dst(%arg15 : memref<32x128xf32, #tpu.memory_space<vmem>>)
      %dma_wait3A_88 = arith.constant 0 : i32
      %dma_wait3A_89 = arith.constant 0 : i32
      %dma_wait3A_90 = tpu.memref_slice %arg2[%dma_wait3A_88, %dma_wait3A_89] : memref<20224x128xf32, #tpu.memory_space<hbm>> -> memref<32x128xf32, #tpu.memory_space<hbm>>
      %dma_wait3A_91 = arith.constant 0 : i32
      %dma_wait3A_92 = arith.constant 0 : i32
      %dma_wait3A_93 = tpu.memref_slice %arg2[%dma_wait3A_91, %dma_wait3A_92] : memref<20224x128xf32, #tpu.memory_space<hbm>> -> memref<32x128xf32, #tpu.memory_space<hbm>>
      tpu.wait_dma2 semaphore(%arg25 : memref<!tpu.dma_semaphore, #tpu.memory_space<semaphore_mem>>) src(%dma_wait3A_93 : memref<32x128xf32, #tpu.memory_space<hbm>>) dst(%arg16 : memref<32x128xf32, #tpu.memory_space<vmem>>)
      %dma_wait3A_94 = arith.constant 0 : i32
      %dma_wait3A_95 = arith.constant 0 : i32
      %dma_wait3A_96 = tpu.memref_slice %arg2[%dma_wait3A_94, %dma_wait3A_95] : memref<20224x128xf32, #tpu.memory_space<hbm>> -> memref<32x128xf32, #tpu.memory_space<hbm>>
      %dma_wait3A_97 = arith.constant 0 : i32
      %dma_wait3A_98 = arith.constant 0 : i32
      %dma_wait3A_99 = tpu.memref_slice %arg2[%dma_wait3A_97, %dma_wait3A_98] : memref<20224x128xf32, #tpu.memory_space<hbm>> -> memref<32x128xf32, #tpu.memory_space<hbm>>
      tpu.wait_dma2 semaphore(%arg25 : memref<!tpu.dma_semaphore, #tpu.memory_space<semaphore_mem>>) src(%dma_wait3A_99 : memref<32x128xf32, #tpu.memory_space<hbm>>) dst(%arg17 : memref<32x128xf32, #tpu.memory_space<vmem>>)
      %gt3A = arith.constant 0 : i32
      %gt3A_100 = arith.cmpi sgt, %scan3A_52, %gt3A : i32
      %convert_element_type3A_101 = arith.extui %gt3A_100 : i1 to i32
      %cond3A_102 = arith.constant 0 : i32
      %cond3A_103 = arith.cmpi ne, %convert_element_type3A_101, %cond3A_102 : i32
      scf.if %cond3A_103 {
        %dma_wait3A_174 = arith.constant 0 : i32
        %dma_wait3A_175 = arith.constant 0 : i32
        %dma_wait3A_176 = tpu.memref_slice %arg2[%dma_wait3A_174, %dma_wait3A_175] : memref<20224x128xf32, #tpu.memory_space<hbm>> -> memref<32x128xf32, #tpu.memory_space<hbm>>
        %dma_wait3A_177 = arith.constant 0 : i32
        %dma_wait3A_178 = arith.constant 0 : i32
        %dma_wait3A_179 = tpu.memref_slice %arg2[%dma_wait3A_177, %dma_wait3A_178] : memref<20224x128xf32, #tpu.memory_space<hbm>> -> memref<32x128xf32, #tpu.memory_space<hbm>>
        tpu.wait_dma2 semaphore(%arg27 : memref<!tpu.dma_semaphore, #tpu.memory_space<semaphore_mem>>) src(%dma_wait3A_179 : memref<32x128xf32, #tpu.memory_space<hbm>>) dst(%arg22 : memref<32x128xf32, #tpu.memory_space<vmem>>)
      } else {
      }
      %parallel_loop3A = arith.constant 0 : i32
      %parallel_loop3A_104 = arith.constant 32 : i32
      %parallel_loop3A_105 = arith.constant 1 : i32
      scf.for %parallel_loop3A_174 = %parallel_loop3A to %parallel_loop3A_104 step %parallel_loop3A_105  : i32 {
        %parallel_loop3A_175 = arith.index_cast %parallel_loop3A_174 : i32 to index
        %parallel_loop3A_176 = arith.constant 0 : index
        %parallel_loop3A_177 = tpu.vector_load %arg14[%parallel_loop3A_175, %parallel_loop3A_176] {strides = array<i32>} : memref<32x128xf32, #tpu.memory_space<vmem>>, vector<1x16xf32>,
        %parallel_loop3A_178 = vector.shape_cast %parallel_loop3A_177 : vector<1x16xf32> to vector<16xf32>
        %parallel_loop3A_179 = arith.index_cast %parallel_loop3A_174 : i32 to index
        %parallel_loop3A_180 = arith.constant 0 : index
        %parallel_loop3A_181 = tpu.vector_load %arg16[%parallel_loop3A_179, %parallel_loop3A_180] {strides = array<i32>} : memref<32x128xf32, #tpu.memory_space<vmem>>, vector<1x16xf32>,
        %parallel_loop3A_182 = vector.shape_cast %parallel_loop3A_181 : vector<1x16xf32> to vector<16xf32>
        %parallel_loop3A_183 = arith.addf %parallel_loop3A_178, %parallel_loop3A_182 : vector<16xf32>
        %parallel_loop3A_184 = arith.index_cast %parallel_loop3A_174 : i32 to index
        %parallel_loop3A_185 = arith.constant 0 : index
        %parallel_loop3A_186 = tpu.vector_load %arg17[%parallel_loop3A_184, %parallel_loop3A_185] {strides = array<i32>} : memref<32x128xf32, #tpu.memory_space<vmem>>, vector<1x16xf32>,
        %parallel_loop3A_187 = vector.shape_cast %parallel_loop3A_186 : vector<1x16xf32> to vector<16xf32>
        %parallel_loop3A_188 = arith.addf %parallel_loop3A_183, %parallel_loop3A_187 : vector<16xf32>
        %parallel_loop3A_189 = arith.index_cast %parallel_loop3A_174 : i32 to index
        %parallel_loop3A_190 = arith.constant 0 : index
        %parallel_loop3A_191 = tpu.vector_load %arg15[%parallel_loop3A_189, %parallel_loop3A_190] {strides = array<i32>} : memref<32x128xf32, #tpu.memory_space<vmem>>, vector<1x16xf32>,
        %parallel_loop3A_192 = vector.shape_cast %parallel_loop3A_191 : vector<1x16xf32> to vector<16xf32>
        %parallel_loop3A_193 = math.exp %parallel_loop3A_188 : vector<16xf32>
        %parallel_loop3A_194 = arith.constant 1.000000e+00 : f32
        %parallel_loop3A_195 = vector.broadcast %parallel_loop3A_194 : f32 to vector<16xf32>
        %parallel_loop3A_196 = arith.addf %parallel_loop3A_195, %parallel_loop3A_193 : vector<16xf32>
        %parallel_loop3A_197 = arith.divf %parallel_loop3A_192, %parallel_loop3A_196 : vector<16xf32>
        %parallel_loop3A_198 = arith.index_cast %parallel_loop3A_174 : i32 to index
        %parallel_loop3A_199 = arith.constant 0 : index
        %parallel_loop3A_200 = tpu.vector_load %arg22[%parallel_loop3A_198, %parallel_loop3A_199] {strides = array<i32>} : memref<32x128xf32, #tpu.memory_space<vmem>>, vector<1x16xf32>,
        %parallel_loop3A_201 = vector.shape_cast %parallel_loop3A_200 : vector<1x16xf32> to vector<16xf32>
        %parallel_loop3A_202 = vector.shape_cast %parallel_loop3A_197 : vector<16xf32> to vector<1x16xf32>
        tpu.vector_store %arg22[%parallel_loop3A_198, %parallel_loop3A_199], %parallel_loop3A_202 {strides = array<i32>} : memref<32x128xf32, #tpu.memory_space<vmem>>, vector<1x16xf32>,
        %parallel_loop3A_203 = arith.index_cast %parallel_loop3A_174 : i32 to index
        %parallel_loop3A_204 = arith.constant 16 : index
        %parallel_loop3A_205 = tpu.vector_load %arg14[%parallel_loop3A_203, %parallel_loop3A_204] {strides = array<i32>} : memref<32x128xf32, #tpu.memory_space<vmem>>, vector<1x16xf32>,
        %parallel_loop3A_206 = vector.shape_cast %parallel_loop3A_205 : vector<1x16xf32> to vector<16xf32>
        %parallel_loop3A_207 = arith.index_cast %parallel_loop3A_174 : i32 to index
        %parallel_loop3A_208 = arith.constant 16 : index
        %parallel_loop3A_209 = tpu.vector_load %arg16[%parallel_loop3A_207, %parallel_loop3A_208] {strides = array<i32>} : memref<32x128xf32, #tpu.memory_space<vmem>>, vector<1x16xf32>,
        %parallel_loop3A_210 = vector.shape_cast %parallel_loop3A_209 : vector<1x16xf32> to vector<16xf32>
        %parallel_loop3A_211 = arith.addf %parallel_loop3A_206, %parallel_loop3A_210 : vector<16xf32>
        %parallel_loop3A_212 = arith.index_cast %parallel_loop3A_174 : i32 to index
        %parallel_loop3A_213 = arith.constant 16 : index
        %parallel_loop3A_214 = tpu.vector_load %arg17[%parallel_loop3A_212, %parallel_loop3A_213] {strides = array<i32>} : memref<32x128xf32, #tpu.memory_space<vmem>>, vector<1x16xf32>,
        %parallel_loop3A_215 = vector.shape_cast %parallel_loop3A_214 : vector<1x16xf32> to vector<16xf32>
        %parallel_loop3A_216 = arith.addf %parallel_loop3A_211, %parallel_loop3A_215 : vector<16xf32>
        %parallel_loop3A_217 = arith.index_cast %parallel_loop3A_174 : i32 to index
        %parallel_loop3A_218 = arith.constant 16 : index
        %parallel_loop3A_219 = tpu.vector_load %arg15[%parallel_loop3A_217, %parallel_loop3A_218] {strides = array<i32>} : memref<32x128xf32, #tpu.memory_space<vmem>>, vector<1x16xf32>,
        %parallel_loop3A_220 = vector.shape_cast %parallel_loop3A_219 : vector<1x16xf32> to vector<16xf32>
        %parallel_loop3A_221 = math.exp %parallel_loop3A_216 : vector<16xf32>
        %parallel_loop3A_222 = arith.constant 1.000000e+00 : f32
        %parallel_loop3A_223 = vector.broadcast %parallel_loop3A_222 : f32 to vector<16xf32>
        %parallel_loop3A_224 = arith.addf %parallel_loop3A_223, %parallel_loop3A_221 : vector<16xf32>
        %parallel_loop3A_225 = arith.divf %parallel_loop3A_220, %parallel_loop3A_224 : vector<16xf32>
        %parallel_loop3A_226 = arith.index_cast %parallel_loop3A_174 : i32 to index
        %parallel_loop3A_227 = arith.constant 16 : index
        %parallel_loop3A_228 = tpu.vector_load %arg22[%parallel_loop3A_226, %parallel_loop3A_227] {strides = array<i32>} : memref<32x128xf32, #tpu.memory_space<vmem>>, vector<1x16xf32>,
        %parallel_loop3A_229 = vector.shape_cast %parallel_loop3A_228 : vector<1x16xf32> to vector<16xf32>
        %parallel_loop3A_230 = vector.shape_cast %parallel_loop3A_225 : vector<16xf32> to vector<1x16xf32>
        tpu.vector_store %arg22[%parallel_loop3A_226, %parallel_loop3A_227], %parallel_loop3A_230 {strides = array<i32>} : memref<32x128xf32, #tpu.memory_space<vmem>>, vector<1x16xf32>,
        %parallel_loop3A_231 = arith.index_cast %parallel_loop3A_174 : i32 to index
        %parallel_loop3A_232 = arith.constant 32 : index
        %parallel_loop3A_233 = tpu.vector_load %arg14[%parallel_loop3A_231, %parallel_loop3A_232] {strides = array<i32>} : memref<32x128xf32, #tpu.memory_space<vmem>>, vector<1x16xf32>,
        %parallel_loop3A_234 = vector.shape_cast %parallel_loop3A_233 : vector<1x16xf32> to vector<16xf32>
        %parallel_loop3A_235 = arith.index_cast %parallel_loop3A_174 : i32 to index
        %parallel_loop3A_236 = arith.constant 32 : index
        %parallel_loop3A_237 = tpu.vector_load %arg16[%parallel_loop3A_235, %parallel_loop3A_236] {strides = array<i32>} : memref<32x128xf32, #tpu.memory_space<vmem>>, vector<1x16xf32>,
        %parallel_loop3A_238 = vector.shape_cast %parallel_loop3A_237 : vector<1x16xf32> to vector<16xf32>
        %parallel_loop3A_239 = arith.addf %parallel_loop3A_234, %parallel_loop3A_238 : vector<16xf32>
        %parallel_loop3A_240 = arith.index_cast %parallel_loop3A_174 : i32 to index
        %parallel_loop3A_241 = arith.constant 32 : index
        %parallel_loop3A_242 = tpu.vector_load %arg17[%parallel_loop3A_240, %parallel_loop3A_241] {strides = array<i32>} : memref<32x128xf32, #tpu.memory_space<vmem>>, vector<1x16xf32>,
        %parallel_loop3A_243 = vector.shape_cast %parallel_loop3A_242 : vector<1x16xf32> to vector<16xf32>
        %parallel_loop3A_244 = arith.addf %parallel_loop3A_239, %parallel_loop3A_243 : vector<16xf32>
        %parallel_loop3A_245 = arith.index_cast %parallel_loop3A_174 : i32 to index
        %parallel_loop3A_246 = arith.constant 32 : index
        %parallel_loop3A_247 = tpu.vector_load %arg15[%parallel_loop3A_245, %parallel_loop3A_246] {strides = array<i32>} : memref<32x128xf32, #tpu.memory_space<vmem>>, vector<1x16xf32>,
        %parallel_loop3A_248 = vector.shape_cast %parallel_loop3A_247 : vector<1x16xf32> to vector<16xf32>
        %parallel_loop3A_249 = math.exp %parallel_loop3A_244 : vector<16xf32>
        %parallel_loop3A_250 = arith.constant 1.000000e+00 : f32
        %parallel_loop3A_251 = vector.broadcast %parallel_loop3A_250 : f32 to vector<16xf32>
        %parallel_loop3A_252 = arith.addf %parallel_loop3A_251, %parallel_loop3A_249 : vector<16xf32>
        %parallel_loop3A_253 = arith.divf %parallel_loop3A_248, %parallel_loop3A_252 : vector<16xf32>
        %parallel_loop3A_254 = arith.index_cast %parallel_loop3A_174 : i32 to index
        %parallel_loop3A_255 = arith.constant 32 : index
        %parallel_loop3A_256 = tpu.vector_load %arg22[%parallel_loop3A_254, %parallel_loop3A_255] {strides = array<i32>} : memref<32x128xf32, #tpu.memory_space<vmem>>, vector<1x16xf32>,
        %parallel_loop3A_257 = vector.shape_cast %parallel_loop3A_256 : vector<1x16xf32> to vector<16xf32>
        %parallel_loop3A_258 = vector.shape_cast %parallel_loop3A_253 : vector<16xf32> to vector<1x16xf32>
        tpu.vector_store %arg22[%parallel_loop3A_254, %parallel_loop3A_255], %parallel_loop3A_258 {strides = array<i32>} : memref<32x128xf32, #tpu.memory_space<vmem>>, vector<1x16xf32>,
        %parallel_loop3A_259 = arith.index_cast %parallel_loop3A_174 : i32 to index
        %parallel_loop3A_260 = arith.constant 48 : index
        %parallel_loop3A_261 = tpu.vector_load %arg14[%parallel_loop3A_259, %parallel_loop3A_260] {strides = array<i32>} : memref<32x128xf32, #tpu.memory_space<vmem>>, vector<1x16xf32>,
        %parallel_loop3A_262 = vector.shape_cast %parallel_loop3A_261 : vector<1x16xf32> to vector<16xf32>
        %parallel_loop3A_263 = arith.index_cast %parallel_loop3A_174 : i32 to index
        %parallel_loop3A_264 = arith.constant 48 : index
        %parallel_loop3A_265 = tpu.vector_load %arg16[%parallel_loop3A_263, %parallel_loop3A_264] {strides = array<i32>} : memref<32x128xf32, #tpu.memory_space<vmem>>, vector<1x16xf32>,
        %parallel_loop3A_266 = vector.shape_cast %parallel_loop3A_265 : vector<1x16xf32> to vector<16xf32>
        %parallel_loop3A_267 = arith.addf %parallel_loop3A_262, %parallel_loop3A_266 : vector<16xf32>
        %parallel_loop3A_268 = arith.index_cast %parallel_loop3A_174 : i32 to index
        %parallel_loop3A_269 = arith.constant 48 : index
        %parallel_loop3A_270 = tpu.vector_load %arg17[%parallel_loop3A_268, %parallel_loop3A_269] {strides = array<i32>} : memref<32x128xf32, #tpu.memory_space<vmem>>, vector<1x16xf32>,
        %parallel_loop3A_271 = vector.shape_cast %parallel_loop3A_270 : vector<1x16xf32> to vector<16xf32>
        %parallel_loop3A_272 = arith.addf %parallel_loop3A_267, %parallel_loop3A_271 : vector<16xf32>
        %parallel_loop3A_273 = arith.index_cast %parallel_loop3A_174 : i32 to index
        %parallel_loop3A_274 = arith.constant 48 : index
        %parallel_loop3A_275 = tpu.vector_load %arg15[%parallel_loop3A_273, %parallel_loop3A_274] {strides = array<i32>} : memref<32x128xf32, #tpu.memory_space<vmem>>, vector<1x16xf32>,
        %parallel_loop3A_276 = vector.shape_cast %parallel_loop3A_275 : vector<1x16xf32> to vector<16xf32>
        %parallel_loop3A_277 = math.exp %parallel_loop3A_272 : vector<16xf32>
        %parallel_loop3A_278 = arith.constant 1.000000e+00 : f32
        %parallel_loop3A_279 = vector.broadcast %parallel_loop3A_278 : f32 to vector<16xf32>
        %parallel_loop3A_280 = arith.addf %parallel_loop3A_279, %parallel_loop3A_277 : vector<16xf32>
        %parallel_loop3A_281 = arith.divf %parallel_loop3A_276, %parallel_loop3A_280 : vector<16xf32>
        %parallel_loop3A_282 = arith.index_cast %parallel_loop3A_174 : i32 to index
        %parallel_loop3A_283 = arith.constant 48 : index
        %parallel_loop3A_284 = tpu.vector_load %arg22[%parallel_loop3A_282, %parallel_loop3A_283] {strides = array<i32>} : memref<32x128xf32, #tpu.memory_space<vmem>>, vector<1x16xf32>,
        %parallel_loop3A_285 = vector.shape_cast %parallel_loop3A_284 : vector<1x16xf32> to vector<16xf32>
        %parallel_loop3A_286 = vector.shape_cast %parallel_loop3A_281 : vector<16xf32> to vector<1x16xf32>
        tpu.vector_store %arg22[%parallel_loop3A_282, %parallel_loop3A_283], %parallel_loop3A_286 {strides = array<i32>} : memref<32x128xf32, #tpu.memory_space<vmem>>, vector<1x16xf32>,
        %parallel_loop3A_287 = arith.index_cast %parallel_loop3A_174 : i32 to index
        %parallel_loop3A_288 = arith.constant 64 : index
        %parallel_loop3A_289 = tpu.vector_load %arg14[%parallel_loop3A_287, %parallel_loop3A_288] {strides = array<i32>} : memref<32x128xf32, #tpu.memory_space<vmem>>, vector<1x16xf32>,
        %parallel_loop3A_290 = vector.shape_cast %parallel_loop3A_289 : vector<1x16xf32> to vector<16xf32>
        %parallel_loop3A_291 = arith.index_cast %parallel_loop3A_174 : i32 to index
        %parallel_loop3A_292 = arith.constant 64 : index
        %parallel_loop3A_293 = tpu.vector_load %arg16[%parallel_loop3A_291, %parallel_loop3A_292] {strides = array<i32>} : memref<32x128xf32, #tpu.memory_space<vmem>>, vector<1x16xf32>,
        %parallel_loop3A_294 = vector.shape_cast %parallel_loop3A_293 : vector<1x16xf32> to vector<16xf32>
        %parallel_loop3A_295 = arith.addf %parallel_loop3A_290, %parallel_loop3A_294 : vector<16xf32>
        %parallel_loop3A_296 = arith.index_cast %parallel_loop3A_174 : i32 to index
        %parallel_loop3A_297 = arith.constant 64 : index
        %parallel_loop3A_298 = tpu.vector_load %arg17[%parallel_loop3A_296, %parallel_loop3A_297] {strides = array<i32>} : memref<32x128xf32, #tpu.memory_space<vmem>>, vector<1x16xf32>,
        %parallel_loop3A_299 = vector.shape_cast %parallel_loop3A_298 : vector<1x16xf32> to vector<16xf32>
        %parallel_loop3A_300 = arith.addf %parallel_loop3A_295, %parallel_loop3A_299 : vector<16xf32>
        %parallel_loop3A_301 = arith.index_cast %parallel_loop3A_174 : i32 to index
        %parallel_loop3A_302 = arith.constant 64 : index
        %parallel_loop3A_303 = tpu.vector_load %arg15[%parallel_loop3A_301, %parallel_loop3A_302] {strides = array<i32>} : memref<32x128xf32, #tpu.memory_space<vmem>>, vector<1x16xf32>,
        %parallel_loop3A_304 = vector.shape_cast %parallel_loop3A_303 : vector<1x16xf32> to vector<16xf32>
        %parallel_loop3A_305 = math.exp %parallel_loop3A_300 : vector<16xf32>
        %parallel_loop3A_306 = arith.constant 1.000000e+00 : f32
        %parallel_loop3A_307 = vector.broadcast %parallel_loop3A_306 : f32 to vector<16xf32>
        %parallel_loop3A_308 = arith.addf %parallel_loop3A_307, %parallel_loop3A_305 : vector<16xf32>
        %parallel_loop3A_309 = arith.divf %parallel_loop3A_304, %parallel_loop3A_308 : vector<16xf32>
        %parallel_loop3A_310 = arith.index_cast %parallel_loop3A_174 : i32 to index
        %parallel_loop3A_311 = arith.constant 64 : index
        %parallel_loop3A_312 = tpu.vector_load %arg22[%parallel_loop3A_310, %parallel_loop3A_311] {strides = array<i32>} : memref<32x128xf32, #tpu.memory_space<vmem>>, vector<1x16xf32>,
        %parallel_loop3A_313 = vector.shape_cast %parallel_loop3A_312 : vector<1x16xf32> to vector<16xf32>
        %parallel_loop3A_314 = vector.shape_cast %parallel_loop3A_309 : vector<16xf32> to vector<1x16xf32>
        tpu.vector_store %arg22[%parallel_loop3A_310, %parallel_loop3A_311], %parallel_loop3A_314 {strides = array<i32>} : memref<32x128xf32, #tpu.memory_space<vmem>>, vector<1x16xf32>,
        %parallel_loop3A_315 = arith.index_cast %parallel_loop3A_174 : i32 to index
        %parallel_loop3A_316 = arith.constant 80 : index
        %parallel_loop3A_317 = tpu.vector_load %arg14[%parallel_loop3A_315, %parallel_loop3A_316] {strides = array<i32>} : memref<32x128xf32, #tpu.memory_space<vmem>>, vector<1x16xf32>,
        %parallel_loop3A_318 = vector.shape_cast %parallel_loop3A_317 : vector<1x16xf32> to vector<16xf32>
        %parallel_loop3A_319 = arith.index_cast %parallel_loop3A_174 : i32 to index
        %parallel_loop3A_320 = arith.constant 80 : index
        %parallel_loop3A_321 = tpu.vector_load %arg16[%parallel_loop3A_319, %parallel_loop3A_320] {strides = array<i32>} : memref<32x128xf32, #tpu.memory_space<vmem>>, vector<1x16xf32>,
        %parallel_loop3A_322 = vector.shape_cast %parallel_loop3A_321 : vector<1x16xf32> to vector<16xf32>
        %parallel_loop3A_323 = arith.addf %parallel_loop3A_318, %parallel_loop3A_322 : vector<16xf32>
        %parallel_loop3A_324 = arith.index_cast %parallel_loop3A_174 : i32 to index
        %parallel_loop3A_325 = arith.constant 80 : index
        %parallel_loop3A_326 = tpu.vector_load %arg17[%parallel_loop3A_324, %parallel_loop3A_325] {strides = array<i32>} : memref<32x128xf32, #tpu.memory_space<vmem>>, vector<1x16xf32>,
        %parallel_loop3A_327 = vector.shape_cast %parallel_loop3A_326 : vector<1x16xf32> to vector<16xf32>
        %parallel_loop3A_328 = arith.addf %parallel_loop3A_323, %parallel_loop3A_327 : vector<16xf32>
        %parallel_loop3A_329 = arith.index_cast %parallel_loop3A_174 : i32 to index
        %parallel_loop3A_330 = arith.constant 80 : index
        %parallel_loop3A_331 = tpu.vector_load %arg15[%parallel_loop3A_329, %parallel_loop3A_330] {strides = array<i32>} : memref<32x128xf32, #tpu.memory_space<vmem>>, vector<1x16xf32>,
        %parallel_loop3A_332 = vector.shape_cast %parallel_loop3A_331 : vector<1x16xf32> to vector<16xf32>
        %parallel_loop3A_333 = math.exp %parallel_loop3A_328 : vector<16xf32>
        %parallel_loop3A_334 = arith.constant 1.000000e+00 : f32
        %parallel_loop3A_335 = vector.broadcast %parallel_loop3A_334 : f32 to vector<16xf32>
        %parallel_loop3A_336 = arith.addf %parallel_loop3A_335, %parallel_loop3A_333 : vector<16xf32>
        %parallel_loop3A_337 = arith.divf %parallel_loop3A_332, %parallel_loop3A_336 : vector<16xf32>
        %parallel_loop3A_338 = arith.index_cast %parallel_loop3A_174 : i32 to index
        %parallel_loop3A_339 = arith.constant 80 : index
        %parallel_loop3A_340 = tpu.vector_load %arg22[%parallel_loop3A_338, %parallel_loop3A_339] {strides = array<i32>} : memref<32x128xf32, #tpu.memory_space<vmem>>, vector<1x16xf32>,
        %parallel_loop3A_341 = vector.shape_cast %parallel_loop3A_340 : vector<1x16xf32> to vector<16xf32>
        %parallel_loop3A_342 = vector.shape_cast %parallel_loop3A_337 : vector<16xf32> to vector<1x16xf32>
        tpu.vector_store %arg22[%parallel_loop3A_338, %parallel_loop3A_339], %parallel_loop3A_342 {strides = array<i32>} : memref<32x128xf32, #tpu.memory_space<vmem>>, vector<1x16xf32>,
        %parallel_loop3A_343 = arith.index_cast %parallel_loop3A_174 : i32 to index
        %parallel_loop3A_344 = arith.constant 96 : index
        %parallel_loop3A_345 = tpu.vector_load %arg14[%parallel_loop3A_343, %parallel_loop3A_344] {strides = array<i32>} : memref<32x128xf32, #tpu.memory_space<vmem>>, vector<1x16xf32>,
        %parallel_loop3A_346 = vector.shape_cast %parallel_loop3A_345 : vector<1x16xf32> to vector<16xf32>
        %parallel_loop3A_347 = arith.index_cast %parallel_loop3A_174 : i32 to index
        %parallel_loop3A_348 = arith.constant 96 : index
        %parallel_loop3A_349 = tpu.vector_load %arg16[%parallel_loop3A_347, %parallel_loop3A_348] {strides = array<i32>} : memref<32x128xf32, #tpu.memory_space<vmem>>, vector<1x16xf32>,
        %parallel_loop3A_350 = vector.shape_cast %parallel_loop3A_349 : vector<1x16xf32> to vector<16xf32>
        %parallel_loop3A_351 = arith.addf %parallel_loop3A_346, %parallel_loop3A_350 : vector<16xf32>
        %parallel_loop3A_352 = arith.index_cast %parallel_loop3A_174 : i32 to index
        %parallel_loop3A_353 = arith.constant 96 : index
        %parallel_loop3A_354 = tpu.vector_load %arg17[%parallel_loop3A_352, %parallel_loop3A_353] {strides = array<i32>} : memref<32x128xf32, #tpu.memory_space<vmem>>, vector<1x16xf32>,
        %parallel_loop3A_355 = vector.shape_cast %parallel_loop3A_354 : vector<1x16xf32> to vector<16xf32>
        %parallel_loop3A_356 = arith.addf %parallel_loop3A_351, %parallel_loop3A_355 : vector<16xf32>
        %parallel_loop3A_357 = arith.index_cast %parallel_loop3A_174 : i32 to index
        %parallel_loop3A_358 = arith.constant 96 : index
        %parallel_loop3A_359 = tpu.vector_load %arg15[%parallel_loop3A_357, %parallel_loop3A_358] {strides = array<i32>} : memref<32x128xf32, #tpu.memory_space<vmem>>, vector<1x16xf32>,
        %parallel_loop3A_360 = vector.shape_cast %parallel_loop3A_359 : vector<1x16xf32> to vector<16xf32>
        %parallel_loop3A_361 = math.exp %parallel_loop3A_356 : vector<16xf32>
        %parallel_loop3A_362 = arith.constant 1.000000e+00 : f32
        %parallel_loop3A_363 = vector.broadcast %parallel_loop3A_362 : f32 to vector<16xf32>
        %parallel_loop3A_364 = arith.addf %parallel_loop3A_363, %parallel_loop3A_361 : vector<16xf32>
        %parallel_loop3A_365 = arith.divf %parallel_loop3A_360, %parallel_loop3A_364 : vector<16xf32>
        %parallel_loop3A_366 = arith.index_cast %parallel_loop3A_174 : i32 to index
        %parallel_loop3A_367 = arith.constant 96 : index
        %parallel_loop3A_368 = tpu.vector_load %arg22[%parallel_loop3A_366, %parallel_loop3A_367] {strides = array<i32>} : memref<32x128xf32, #tpu.memory_space<vmem>>, vector<1x16xf32>,
        %parallel_loop3A_369 = vector.shape_cast %parallel_loop3A_368 : vector<1x16xf32> to vector<16xf32>
        %parallel_loop3A_370 = vector.shape_cast %parallel_loop3A_365 : vector<16xf32> to vector<1x16xf32>
        tpu.vector_store %arg22[%parallel_loop3A_366, %parallel_loop3A_367], %parallel_loop3A_370 {strides = array<i32>} : memref<32x128xf32, #tpu.memory_space<vmem>>, vector<1x16xf32>,
        %parallel_loop3A_371 = arith.index_cast %parallel_loop3A_174 : i32 to index
        %parallel_loop3A_372 = arith.constant 112 : index
        %parallel_loop3A_373 = tpu.vector_load %arg14[%parallel_loop3A_371, %parallel_loop3A_372] {strides = array<i32>} : memref<32x128xf32, #tpu.memory_space<vmem>>, vector<1x16xf32>,
        %parallel_loop3A_374 = vector.shape_cast %parallel_loop3A_373 : vector<1x16xf32> to vector<16xf32>
        %parallel_loop3A_375 = arith.index_cast %parallel_loop3A_174 : i32 to index
        %parallel_loop3A_376 = arith.constant 112 : index
        %parallel_loop3A_377 = tpu.vector_load %arg16[%parallel_loop3A_375, %parallel_loop3A_376] {strides = array<i32>} : memref<32x128xf32, #tpu.memory_space<vmem>>, vector<1x16xf32>,
        %parallel_loop3A_378 = vector.shape_cast %parallel_loop3A_377 : vector<1x16xf32> to vector<16xf32>
        %parallel_loop3A_379 = arith.addf %parallel_loop3A_374, %parallel_loop3A_378 : vector<16xf32>
        %parallel_loop3A_380 = arith.index_cast %parallel_loop3A_174 : i32 to index
        %parallel_loop3A_381 = arith.constant 112 : index
        %parallel_loop3A_382 = tpu.vector_load %arg17[%parallel_loop3A_380, %parallel_loop3A_381] {strides = array<i32>} : memref<32x128xf32, #tpu.memory_space<vmem>>, vector<1x16xf32>,
        %parallel_loop3A_383 = vector.shape_cast %parallel_loop3A_382 : vector<1x16xf32> to vector<16xf32>
        %parallel_loop3A_384 = arith.addf %parallel_loop3A_379, %parallel_loop3A_383 : vector<16xf32>
        %parallel_loop3A_385 = arith.index_cast %parallel_loop3A_174 : i32 to index
        %parallel_loop3A_386 = arith.constant 112 : index
        %parallel_loop3A_387 = tpu.vector_load %arg15[%parallel_loop3A_385, %parallel_loop3A_386] {strides = array<i32>} : memref<32x128xf32, #tpu.memory_space<vmem>>, vector<1x16xf32>,
        %parallel_loop3A_388 = vector.shape_cast %parallel_loop3A_387 : vector<1x16xf32> to vector<16xf32>
        %parallel_loop3A_389 = math.exp %parallel_loop3A_384 : vector<16xf32>
        %parallel_loop3A_390 = arith.constant 1.000000e+00 : f32
        %parallel_loop3A_391 = vector.broadcast %parallel_loop3A_390 : f32 to vector<16xf32>
        %parallel_loop3A_392 = arith.addf %parallel_loop3A_391, %parallel_loop3A_389 : vector<16xf32>
        %parallel_loop3A_393 = arith.divf %parallel_loop3A_388, %parallel_loop3A_392 : vector<16xf32>
        %parallel_loop3A_394 = arith.index_cast %parallel_loop3A_174 : i32 to index
        %parallel_loop3A_395 = arith.constant 112 : index
        %parallel_loop3A_396 = tpu.vector_load %arg22[%parallel_loop3A_394, %parallel_loop3A_395] {strides = array<i32>} : memref<32x128xf32, #tpu.memory_space<vmem>>, vector<1x16xf32>,
        %parallel_loop3A_397 = vector.shape_cast %parallel_loop3A_396 : vector<1x16xf32> to vector<16xf32>
        %parallel_loop3A_398 = vector.shape_cast %parallel_loop3A_393 : vector<16xf32> to vector<1x16xf32>
        tpu.vector_store %arg22[%parallel_loop3A_394, %parallel_loop3A_395], %parallel_loop3A_398 {strides = array<i32>} : memref<32x128xf32, #tpu.memory_space<vmem>>, vector<1x16xf32>,
      } {sc.loop_unroll_factor = 2 : i64, sc.parallel_access}
      %rem3A_106 = arith.constant 8 : i32
      %rem3A_107 = arith.remsi %mul3A_54, %rem3A_106 : i32
      %div3A_108 = arith.constant 8 : i32
      %div3A_109 = arith.divsi %mul3A_54, %div3A_108 : i32
      %rem3A_110 = arith.constant 2 : i32
      %rem3A_111 = arith.remsi %div3A_109, %rem3A_110 : i32
      %eq3A_112 = arith.constant 0 : i32
      %eq3A_113 = arith.cmpi eq, %rem3A_111, %eq3A_112 : i32
      %convert_element_type3A_114 = arith.extui %eq3A_113 : i1 to i32
      %cond3A_115 = arith.constant 0 : i32
      %cond3A_116 = arith.cmpi ne, %convert_element_type3A_114, %cond3A_115 : i32
      scf.if %cond3A_116 {
        %dma_start3A_174 = arith.constant 0 : i32
        %dma_start3A_175 = tpu.memref_slice %arg11[%rem3A_107, %dma_start3A_174] : memref<8x32xi32, #tpu.memory_space<vmem>> -> memref<1x32xi32, #tpu.memory_space<vmem>>
        %dma_start3A_176 = tpu.memref_squeeze %dma_start3A_175 : memref<1x32xi32, #tpu.memory_space<vmem>> -> memref<32xi32, #tpu.memory_space<vmem>>
        %dma_start3A_177 = arith.constant 0 : i32
        %dma_start3A_178 = arith.constant 0 : i32
        %dma_start3A_179 = tpu.memref_slice %arg24[%dma_start3A_177, %dma_start3A_178] : memref<10112x128xf32, #tpu.memory_space<vmem_shared>> -> memref<10112x128xf32, #tpu.memory_space<vmem_shared>>
        tpu.enqueue_indirect_dma source(%arg22 : memref<32x128xf32, #tpu.memory_space<vmem>>) target(%dma_start3A_179 : memref<10112x128xf32, #tpu.memory_space<vmem_shared>>) offsets(%dma_start3A_176 : memref<32xi32, #tpu.memory_space<vmem>>) semaphore(%arg27 : memref<!tpu.dma_semaphore, #tpu.memory_space<semaphore_mem>>) {add = true}
      } else {
      }
      %eq3A_117 = arith.constant 1 : i32
      %eq3A_118 = arith.cmpi eq, %rem3A_111, %eq3A_117 : i32
      %convert_element_type3A_119 = arith.extui %eq3A_118 : i1 to i32
      %cond3A_120 = arith.constant 0 : i32
      %cond3A_121 = arith.cmpi ne, %convert_element_type3A_119, %cond3A_120 : i32
      scf.if %cond3A_121 {
        %dma_start3A_174 = arith.constant 0 : i32
        %dma_start3A_175 = tpu.memref_slice %arg13[%rem3A_107, %dma_start3A_174] : memref<8x32xi32, #tpu.memory_space<vmem>> -> memref<1x32xi32, #tpu.memory_space<vmem>>
        %dma_start3A_176 = tpu.memref_squeeze %dma_start3A_175 : memref<1x32xi32, #tpu.memory_space<vmem>> -> memref<32xi32, #tpu.memory_space<vmem>>
        %dma_start3A_177 = arith.constant 0 : i32
        %dma_start3A_178 = arith.constant 0 : i32
        %dma_start3A_179 = tpu.memref_slice %arg24[%dma_start3A_177, %dma_start3A_178] : memref<10112x128xf32, #tpu.memory_space<vmem_shared>> -> memref<10112x128xf32, #tpu.memory_space<vmem_shared>>
        tpu.enqueue_indirect_dma source(%arg22 : memref<32x128xf32, #tpu.memory_space<vmem>>) target(%dma_start3A_179 : memref<10112x128xf32, #tpu.memory_space<vmem_shared>>) offsets(%dma_start3A_176 : memref<32xi32, #tpu.memory_space<vmem>>) semaphore(%arg27 : memref<!tpu.dma_semaphore, #tpu.memory_space<semaphore_mem>>) {add = true}
      } else {
      }
      %lt3A = arith.constant 320 : i32
      %lt3A_122 = arith.cmpi slt, %add3A_58, %lt3A : i32
      %convert_element_type3A_123 = arith.extui %lt3A_122 : i1 to i32
      %cond3A_124 = arith.constant 0 : i32
      %cond3A_125 = arith.cmpi ne, %convert_element_type3A_123, %cond3A_124 : i32
      scf.if %cond3A_125 {
        %div3A_174 = arith.constant 8 : i32
        %div3A_175 = arith.divsi %add3A_58, %div3A_174 : i32
        %rem3A_176 = arith.constant 2 : i32
        %rem3A_177 = arith.remsi %div3A_175, %rem3A_176 : i32
        %eq3A_178 = arith.constant 0 : i32
        %eq3A_179 = arith.cmpi eq, %rem3A_177, %eq3A_178 : i32
        %convert_element_type3A_180 = arith.extui %eq3A_179 : i1 to i32
        %cond3A_181 = arith.constant 0 : i32
        %cond3A_182 = arith.cmpi ne, %convert_element_type3A_180, %cond3A_181 : i32
        scf.if %cond3A_182 {
          %rem3A_188 = arith.constant 8 : i32
          %rem3A_189 = arith.remsi %add3A_58, %rem3A_188 : i32
          %dma_start3A_190 = arith.constant 0 : i32
          %dma_start3A_191 = tpu.memref_slice %arg10[%rem3A_189, %dma_start3A_190] : memref<8x64xi32, #tpu.memory_space<vmem>> -> memref<1x32xi32, #tpu.memory_space<vmem>>
          %dma_start3A_192 = tpu.memref_squeeze %dma_start3A_191 : memref<1x32xi32, #tpu.memory_space<vmem>> -> memref<32xi32, #tpu.memory_space<vmem>>
          %dma_start3A_193 = arith.constant 0 : i32
          %dma_start3A_194 = arith.constant 0 : i32
          %dma_start3A_195 = tpu.memref_slice %arg2[%dma_start3A_193, %dma_start3A_194] : memref<20224x128xf32, #tpu.memory_space<hbm>> -> memref<20224x128xf32, #tpu.memory_space<hbm>>
          tpu.enqueue_indirect_dma source(%dma_start3A_195 : memref<20224x128xf32, #tpu.memory_space<hbm>>) target(%arg14 : memref<32x128xf32, #tpu.memory_space<vmem>>) offsets(%dma_start3A_192 : memref<32xi32, #tpu.memory_space<vmem>>) semaphore(%arg25 : memref<!tpu.dma_semaphore, #tpu.memory_space<semaphore_mem>>)
          %dma_start3A_196 = arith.constant 0 : i32
          %dma_start3A_197 = tpu.memref_slice %arg10[%rem3A_189, %dma_start3A_196] : memref<8x64xi32, #tpu.memory_space<vmem>> -> memref<1x32xi32, #tpu.memory_space<vmem>>
          %dma_start3A_198 = tpu.memref_squeeze %dma_start3A_197 : memref<1x32xi32, #tpu.memory_space<vmem>> -> memref<32xi32, #tpu.memory_space<vmem>>
          %dma_start3A_199 = arith.constant 0 : i32
          %dma_start3A_200 = arith.constant 0 : i32
          %dma_start3A_201 = tpu.memref_slice %arg3[%dma_start3A_199, %dma_start3A_200] : memref<20224x128xf32, #tpu.memory_space<hbm>> -> memref<20224x128xf32, #tpu.memory_space<hbm>>
          tpu.enqueue_indirect_dma source(%dma_start3A_201 : memref<20224x128xf32, #tpu.memory_space<hbm>>) target(%arg15 : memref<32x128xf32, #tpu.memory_space<vmem>>) offsets(%dma_start3A_198 : memref<32xi32, #tpu.memory_space<vmem>>) semaphore(%arg25 : memref<!tpu.dma_semaphore, #tpu.memory_space<semaphore_mem>>)
          %dma_start3A_202 = arith.constant 32 : i32
          %dma_start3A_203 = tpu.memref_slice %arg10[%rem3A_189, %dma_start3A_202] : memref<8x64xi32, #tpu.memory_space<vmem>> -> memref<1x32xi32, #tpu.memory_space<vmem>>
          %dma_start3A_204 = tpu.memref_squeeze %dma_start3A_203 : memref<1x32xi32, #tpu.memory_space<vmem>> -> memref<32xi32, #tpu.memory_space<vmem>>
          %dma_start3A_205 = arith.constant 0 : i32
          %dma_start3A_206 = arith.constant 0 : i32
          %dma_start3A_207 = tpu.memref_slice %arg4[%dma_start3A_205, %dma_start3A_206] : memref<20224x128xf32, #tpu.memory_space<hbm>> -> memref<20224x128xf32, #tpu.memory_space<hbm>>
          tpu.enqueue_indirect_dma source(%dma_start3A_207 : memref<20224x128xf32, #tpu.memory_space<hbm>>) target(%arg16 : memref<32x128xf32, #tpu.memory_space<vmem>>) offsets(%dma_start3A_204 : memref<32xi32, #tpu.memory_space<vmem>>) semaphore(%arg25 : memref<!tpu.dma_semaphore, #tpu.memory_space<semaphore_mem>>)
          %mul3A_208 = arith.constant 160000 : i32
          %mul3A_209 = arith.muli %arg0, %mul3A_208 : i32
          %mul3A_210 = arith.constant 10240 : i32
          %mul3A_211 = arith.muli %arg1, %mul3A_210 : i32
          %mul3A_212 = arith.constant 32 : i32
          %mul3A_213 = arith.muli %add3A_58, %mul3A_212 : i32
          %add3A_214 = arith.addi %mul3A_211, %mul3A_213 : i32
          %min3A_215 = arith.constant 159968 : i32
          %min3A_216 = arith.minsi %add3A_214, %min3A_215 : i32
          %add3A_217 = arith.addi %mul3A_209, %min3A_216 : i32
          %multiple_of3A_218 = tpu.assume_multiple %add3A_217, 8 : i32
          %dma_start3A_219 = arith.constant 0 : i32
          %dma_start3A_220 = tpu.memref_slice %arg5[%multiple_of3A_218, %dma_start3A_219] : memref<320000x128xf32, #tpu.memory_space<hbm>> -> memref<32x128xf32, #tpu.memory_space<hbm>>
          %dma_start3A_221 = arith.constant 0 : i32
          %dma_start3A_222 = tpu.memref_slice %arg5[%multiple_of3A_218, %dma_start3A_221] : memref<320000x128xf32, #tpu.memory_space<hbm>> -> memref<32x128xf32, #tpu.memory_space<hbm>>
          tpu.enqueue_dma source(%dma_start3A_222 : memref<32x128xf32, #tpu.memory_space<hbm>>) target(%arg17 : memref<32x128xf32, #tpu.memory_space<vmem>>) target_semaphore(%arg25 : memref<!tpu.dma_semaphore, #tpu.memory_space<semaphore_mem>>)
        } else {
        }
        %eq3A_183 = arith.constant 1 : i32
        %eq3A_184 = arith.cmpi eq, %rem3A_177, %eq3A_183 : i32
        %convert_element_type3A_185 = arith.extui %eq3A_184 : i1 to i32
        %cond3A_186 = arith.constant 0 : i32
        %cond3A_187 = arith.cmpi ne, %convert_element_type3A_185, %cond3A_186 : i32
        scf.if %cond3A_187 {
          %rem3A_188 = arith.constant 8 : i32
          %rem3A_189 = arith.remsi %add3A_58, %rem3A_188 : i32
          %dma_start3A_190 = arith.constant 0 : i32
          %dma_start3A_191 = tpu.memref_slice %arg12[%rem3A_189, %dma_start3A_190] : memref<8x64xi32, #tpu.memory_space<vmem>> -> memref<1x32xi32, #tpu.memory_space<vmem>>
          %dma_start3A_192 = tpu.memref_squeeze %dma_start3A_191 : memref<1x32xi32, #tpu.memory_space<vmem>> -> memref<32xi32, #tpu.memory_space<vmem>>
          %dma_start3A_193 = arith.constant 0 : i32
          %dma_start3A_194 = arith.constant 0 : i32
          %dma_start3A_195 = tpu.memref_slice %arg2[%dma_start3A_193, %dma_start3A_194] : memref<20224x128xf32, #tpu.memory_space<hbm>> -> memref<20224x128xf32, #tpu.memory_space<hbm>>
          tpu.enqueue_indirect_dma source(%dma_start3A_195 : memref<20224x128xf32, #tpu.memory_space<hbm>>) target(%arg14 : memref<32x128xf32, #tpu.memory_space<vmem>>) offsets(%dma_start3A_192 : memref<32xi32, #tpu.memory_space<vmem>>) semaphore(%arg25 : memref<!tpu.dma_semaphore, #tpu.memory_space<semaphore_mem>>)
          %dma_start3A_196 = arith.constant 0 : i32
          %dma_start3A_197 = tpu.memref_slice %arg12[%rem3A_189, %dma_start3A_196] : memref<8x64xi32, #tpu.memory_space<vmem>> -> memref<1x32xi32, #tpu.memory_space<vmem>>
          %dma_start3A_198 = tpu.memref_squeeze %dma_start3A_197 : memref<1x32xi32, #tpu.memory_space<vmem>> -> memref<32xi32, #tpu.memory_space<vmem>>
          %dma_start3A_199 = arith.constant 0 : i32
          %dma_start3A_200 = arith.constant 0 : i32
          %dma_start3A_201 = tpu.memref_slice %arg3[%dma_start3A_199, %dma_start3A_200] : memref<20224x128xf32, #tpu.memory_space<hbm>> -> memref<20224x128xf32, #tpu.memory_space<hbm>>
          tpu.enqueue_indirect_dma source(%dma_start3A_201 : memref<20224x128xf32, #tpu.memory_space<hbm>>) target(%arg15 : memref<32x128xf32, #tpu.memory_space<vmem>>) offsets(%dma_start3A_198 : memref<32xi32, #tpu.memory_space<vmem>>) semaphore(%arg25 : memref<!tpu.dma_semaphore, #tpu.memory_space<semaphore_mem>>)
          %dma_start3A_202 = arith.constant 32 : i32
          %dma_start3A_203 = tpu.memref_slice %arg12[%rem3A_189, %dma_start3A_202] : memref<8x64xi32, #tpu.memory_space<vmem>> -> memref<1x32xi32, #tpu.memory_space<vmem>>
          %dma_start3A_204 = tpu.memref_squeeze %dma_start3A_203 : memref<1x32xi32, #tpu.memory_space<vmem>> -> memref<32xi32, #tpu.memory_space<vmem>>
          %dma_start3A_205 = arith.constant 0 : i32
          %dma_start3A_206 = arith.constant 0 : i32
          %dma_start3A_207 = tpu.memref_slice %arg4[%dma_start3A_205, %dma_start3A_206] : memref<20224x128xf32, #tpu.memory_space<hbm>> -> memref<20224x128xf32, #tpu.memory_space<hbm>>
          tpu.enqueue_indirect_dma source(%dma_start3A_207 : memref<20224x128xf32, #tpu.memory_space<hbm>>) target(%arg16 : memref<32x128xf32, #tpu.memory_space<vmem>>) offsets(%dma_start3A_204 : memref<32xi32, #tpu.memory_space<vmem>>) semaphore(%arg25 : memref<!tpu.dma_semaphore, #tpu.memory_space<semaphore_mem>>)
          %mul3A_208 = arith.constant 160000 : i32
          %mul3A_209 = arith.muli %arg0, %mul3A_208 : i32
          %mul3A_210 = arith.constant 10240 : i32
          %mul3A_211 = arith.muli %arg1, %mul3A_210 : i32
          %mul3A_212 = arith.constant 32 : i32
          %mul3A_213 = arith.muli %add3A_58, %mul3A_212 : i32
          %add3A_214 = arith.addi %mul3A_211, %mul3A_213 : i32
          %min3A_215 = arith.constant 159968 : i32
          %min3A_216 = arith.minsi %add3A_214, %min3A_215 : i32
          %add3A_217 = arith.addi %mul3A_209, %min3A_216 : i32
          %multiple_of3A_218 = tpu.assume_multiple %add3A_217, 8 : i32
          %dma_start3A_219 = arith.constant 0 : i32
          %dma_start3A_220 = tpu.memref_slice %arg5[%multiple_of3A_218, %dma_start3A_219] : memref<320000x128xf32, #tpu.memory_space<hbm>> -> memref<32x128xf32, #tpu.memory_space<hbm>>
          %dma_start3A_221 = arith.constant 0 : i32
          %dma_start3A_222 = tpu.memref_slice %arg5[%multiple_of3A_218, %dma_start3A_221] : memref<320000x128xf32, #tpu.memory_space<hbm>> -> memref<32x128xf32, #tpu.memory_space<hbm>>
          tpu.enqueue_dma source(%dma_start3A_222 : memref<32x128xf32, #tpu.memory_space<hbm>>) target(%arg17 : memref<32x128xf32, #tpu.memory_space<vmem>>) target_semaphore(%arg25 : memref<!tpu.dma_semaphore, #tpu.memory_space<semaphore_mem>>)
        } else {
        }
      } else {
      }
      %dma_wait3A_126 = arith.constant 0 : i32
      %dma_wait3A_127 = arith.constant 0 : i32
      %dma_wait3A_128 = tpu.memref_slice %arg2[%dma_wait3A_126, %dma_wait3A_127] : memref<20224x128xf32, #tpu.memory_space<hbm>> -> memref<32x128xf32, #tpu.memory_space<hbm>>
      %dma_wait3A_129 = arith.constant 0 : i32
      %dma_wait3A_130 = arith.constant 0 : i32
      %dma_wait3A_131 = tpu.memref_slice %arg2[%dma_wait3A_129, %dma_wait3A_130] : memref<20224x128xf32, #tpu.memory_space<hbm>> -> memref<32x128xf32, #tpu.memory_space<hbm>>
      tpu.wait_dma2 semaphore(%arg26 : memref<!tpu.dma_semaphore, #tpu.memory_space<semaphore_mem>>) src(%dma_wait3A_131 : memref<32x128xf32, #tpu.memory_space<hbm>>) dst(%arg18 : memref<32x128xf32, #tpu.memory_space<vmem>>)
      %dma_wait3A_132 = arith.constant 0 : i32
      %dma_wait3A_133 = arith.constant 0 : i32
      %dma_wait3A_134 = tpu.memref_slice %arg2[%dma_wait3A_132, %dma_wait3A_133] : memref<20224x128xf32, #tpu.memory_space<hbm>> -> memref<32x128xf32, #tpu.memory_space<hbm>>
      %dma_wait3A_135 = arith.constant 0 : i32
      %dma_wait3A_136 = arith.constant 0 : i32
      %dma_wait3A_137 = tpu.memref_slice %arg2[%dma_wait3A_135, %dma_wait3A_136] : memref<20224x128xf32, #tpu.memory_space<hbm>> -> memref<32x128xf32, #tpu.memory_space<hbm>>
      tpu.wait_dma2 semaphore(%arg26 : memref<!tpu.dma_semaphore, #tpu.memory_space<semaphore_mem>>) src(%dma_wait3A_137 : memref<32x128xf32, #tpu.memory_space<hbm>>) dst(%arg19 : memref<32x128xf32, #tpu.memory_space<vmem>>)
      %dma_wait3A_138 = arith.constant 0 : i32
      %dma_wait3A_139 = arith.constant 0 : i32
      %dma_wait3A_140 = tpu.memref_slice %arg2[%dma_wait3A_138, %dma_wait3A_139] : memref<20224x128xf32, #tpu.memory_space<hbm>> -> memref<32x128xf32, #tpu.memory_space<hbm>>
      %dma_wait3A_141 = arith.constant 0 : i32
      %dma_wait3A_142 = arith.constant 0 : i32
      %dma_wait3A_143 = tpu.memref_slice %arg2[%dma_wait3A_141, %dma_wait3A_142] : memref<20224x128xf32, #tpu.memory_space<hbm>> -> memref<32x128xf32, #tpu.memory_space<hbm>>
      tpu.wait_dma2 semaphore(%arg26 : memref<!tpu.dma_semaphore, #tpu.memory_space<semaphore_mem>>) src(%dma_wait3A_143 : memref<32x128xf32, #tpu.memory_space<hbm>>) dst(%arg20 : memref<32x128xf32, #tpu.memory_space<vmem>>)
      %dma_wait3A_144 = arith.constant 0 : i32
      %dma_wait3A_145 = arith.constant 0 : i32
      %dma_wait3A_146 = tpu.memref_slice %arg2[%dma_wait3A_144, %dma_wait3A_145] : memref<20224x128xf32, #tpu.memory_space<hbm>> -> memref<32x128xf32, #tpu.memory_space<hbm>>
      %dma_wait3A_147 = arith.constant 0 : i32
      %dma_wait3A_148 = arith.constant 0 : i32
      %dma_wait3A_149 = tpu.memref_slice %arg2[%dma_wait3A_147, %dma_wait3A_148] : memref<20224x128xf32, #tpu.memory_space<hbm>> -> memref<32x128xf32, #tpu.memory_space<hbm>>
      tpu.wait_dma2 semaphore(%arg26 : memref<!tpu.dma_semaphore, #tpu.memory_space<semaphore_mem>>) src(%dma_wait3A_149 : memref<32x128xf32, #tpu.memory_space<hbm>>) dst(%arg21 : memref<32x128xf32, #tpu.memory_space<vmem>>)
      %gt3A_150 = arith.constant 0 : i32
      %gt3A_151 = arith.cmpi sgt, %scan3A_52, %gt3A_150 : i32
      %convert_element_type3A_152 = arith.extui %gt3A_151 : i1 to i32
      %cond3A_153 = arith.constant 0 : i32
      %cond3A_154 = arith.cmpi ne, %convert_element_type3A_152, %cond3A_153 : i32
      scf.if %cond3A_154 {
        %dma_wait3A_174 = arith.constant 0 : i32
        %dma_wait3A_175 = arith.constant 0 : i32
        %dma_wait3A_176 = tpu.memref_slice %arg2[%dma_wait3A_174, %dma_wait3A_175] : memref<20224x128xf32, #tpu.memory_space<hbm>> -> memref<32x128xf32, #tpu.memory_space<hbm>>
        %dma_wait3A_177 = arith.constant 0 : i32
        %dma_wait3A_178 = arith.constant 0 : i32
        %dma_wait3A_179 = tpu.memref_slice %arg2[%dma_wait3A_177, %dma_wait3A_178] : memref<20224x128xf32, #tpu.memory_space<hbm>> -> memref<32x128xf32, #tpu.memory_space<hbm>>
        tpu.wait_dma2 semaphore(%arg27 : memref<!tpu.dma_semaphore, #tpu.memory_space<semaphore_mem>>) src(%dma_wait3A_179 : memref<32x128xf32, #tpu.memory_space<hbm>>) dst(%arg23 : memref<32x128xf32, #tpu.memory_space<vmem>>)
      } else {
      }
      %parallel_loop3A_155 = arith.constant 0 : i32
      %parallel_loop3A_156 = arith.constant 32 : i32
      %parallel_loop3A_157 = arith.constant 1 : i32
      scf.for %parallel_loop3A_174 = %parallel_loop3A_155 to %parallel_loop3A_156 step %parallel_loop3A_157  : i32 {
        %parallel_loop3A_175 = arith.index_cast %parallel_loop3A_174 : i32 to index
        %parallel_loop3A_176 = arith.constant 0 : index
        %parallel_loop3A_177 = tpu.vector_load %arg18[%parallel_loop3A_175, %parallel_loop3A_176] {strides = array<i32>} : memref<32x128xf32, #tpu.memory_space<vmem>>, vector<1x16xf32>,
        %parallel_loop3A_178 = vector.shape_cast %parallel_loop3A_177 : vector<1x16xf32> to vector<16xf32>
        %parallel_loop3A_179 = arith.index_cast %parallel_loop3A_174 : i32 to index
        %parallel_loop3A_180 = arith.constant 0 : index
        %parallel_loop3A_181 = tpu.vector_load %arg20[%parallel_loop3A_179, %parallel_loop3A_180] {strides = array<i32>} : memref<32x128xf32, #tpu.memory_space<vmem>>, vector<1x16xf32>,
        %parallel_loop3A_182 = vector.shape_cast %parallel_loop3A_181 : vector<1x16xf32> to vector<16xf32>
        %parallel_loop3A_183 = arith.addf %parallel_loop3A_178, %parallel_loop3A_182 : vector<16xf32>
        %parallel_loop3A_184 = arith.index_cast %parallel_loop3A_174 : i32 to index
        %parallel_loop3A_185 = arith.constant 0 : index
        %parallel_loop3A_186 = tpu.vector_load %arg21[%parallel_loop3A_184, %parallel_loop3A_185] {strides = array<i32>} : memref<32x128xf32, #tpu.memory_space<vmem>>, vector<1x16xf32>,
        %parallel_loop3A_187 = vector.shape_cast %parallel_loop3A_186 : vector<1x16xf32> to vector<16xf32>
        %parallel_loop3A_188 = arith.addf %parallel_loop3A_183, %parallel_loop3A_187 : vector<16xf32>
        %parallel_loop3A_189 = arith.index_cast %parallel_loop3A_174 : i32 to index
        %parallel_loop3A_190 = arith.constant 0 : index
        %parallel_loop3A_191 = tpu.vector_load %arg19[%parallel_loop3A_189, %parallel_loop3A_190] {strides = array<i32>} : memref<32x128xf32, #tpu.memory_space<vmem>>, vector<1x16xf32>,
        %parallel_loop3A_192 = vector.shape_cast %parallel_loop3A_191 : vector<1x16xf32> to vector<16xf32>
        %parallel_loop3A_193 = math.exp %parallel_loop3A_188 : vector<16xf32>
        %parallel_loop3A_194 = arith.constant 1.000000e+00 : f32
        %parallel_loop3A_195 = vector.broadcast %parallel_loop3A_194 : f32 to vector<16xf32>
        %parallel_loop3A_196 = arith.addf %parallel_loop3A_195, %parallel_loop3A_193 : vector<16xf32>
        %parallel_loop3A_197 = arith.divf %parallel_loop3A_192, %parallel_loop3A_196 : vector<16xf32>
        %parallel_loop3A_198 = arith.index_cast %parallel_loop3A_174 : i32 to index
        %parallel_loop3A_199 = arith.constant 0 : index
        %parallel_loop3A_200 = tpu.vector_load %arg23[%parallel_loop3A_198, %parallel_loop3A_199] {strides = array<i32>} : memref<32x128xf32, #tpu.memory_space<vmem>>, vector<1x16xf32>,
        %parallel_loop3A_201 = vector.shape_cast %parallel_loop3A_200 : vector<1x16xf32> to vector<16xf32>
        %parallel_loop3A_202 = vector.shape_cast %parallel_loop3A_197 : vector<16xf32> to vector<1x16xf32>
        tpu.vector_store %arg23[%parallel_loop3A_198, %parallel_loop3A_199], %parallel_loop3A_202 {strides = array<i32>} : memref<32x128xf32, #tpu.memory_space<vmem>>, vector<1x16xf32>,
        %parallel_loop3A_203 = arith.index_cast %parallel_loop3A_174 : i32 to index
        %parallel_loop3A_204 = arith.constant 16 : index
        %parallel_loop3A_205 = tpu.vector_load %arg18[%parallel_loop3A_203, %parallel_loop3A_204] {strides = array<i32>} : memref<32x128xf32, #tpu.memory_space<vmem>>, vector<1x16xf32>,
        %parallel_loop3A_206 = vector.shape_cast %parallel_loop3A_205 : vector<1x16xf32> to vector<16xf32>
        %parallel_loop3A_207 = arith.index_cast %parallel_loop3A_174 : i32 to index
        %parallel_loop3A_208 = arith.constant 16 : index
        %parallel_loop3A_209 = tpu.vector_load %arg20[%parallel_loop3A_207, %parallel_loop3A_208] {strides = array<i32>} : memref<32x128xf32, #tpu.memory_space<vmem>>, vector<1x16xf32>,
        %parallel_loop3A_210 = vector.shape_cast %parallel_loop3A_209 : vector<1x16xf32> to vector<16xf32>
        %parallel_loop3A_211 = arith.addf %parallel_loop3A_206, %parallel_loop3A_210 : vector<16xf32>
        %parallel_loop3A_212 = arith.index_cast %parallel_loop3A_174 : i32 to index
        %parallel_loop3A_213 = arith.constant 16 : index
        %parallel_loop3A_214 = tpu.vector_load %arg21[%parallel_loop3A_212, %parallel_loop3A_213] {strides = array<i32>} : memref<32x128xf32, #tpu.memory_space<vmem>>, vector<1x16xf32>,
        %parallel_loop3A_215 = vector.shape_cast %parallel_loop3A_214 : vector<1x16xf32> to vector<16xf32>
        %parallel_loop3A_216 = arith.addf %parallel_loop3A_211, %parallel_loop3A_215 : vector<16xf32>
        %parallel_loop3A_217 = arith.index_cast %parallel_loop3A_174 : i32 to index
        %parallel_loop3A_218 = arith.constant 16 : index
        %parallel_loop3A_219 = tpu.vector_load %arg19[%parallel_loop3A_217, %parallel_loop3A_218] {strides = array<i32>} : memref<32x128xf32, #tpu.memory_space<vmem>>, vector<1x16xf32>,
        %parallel_loop3A_220 = vector.shape_cast %parallel_loop3A_219 : vector<1x16xf32> to vector<16xf32>
        %parallel_loop3A_221 = math.exp %parallel_loop3A_216 : vector<16xf32>
        %parallel_loop3A_222 = arith.constant 1.000000e+00 : f32
        %parallel_loop3A_223 = vector.broadcast %parallel_loop3A_222 : f32 to vector<16xf32>
        %parallel_loop3A_224 = arith.addf %parallel_loop3A_223, %parallel_loop3A_221 : vector<16xf32>
        %parallel_loop3A_225 = arith.divf %parallel_loop3A_220, %parallel_loop3A_224 : vector<16xf32>
        %parallel_loop3A_226 = arith.index_cast %parallel_loop3A_174 : i32 to index
        %parallel_loop3A_227 = arith.constant 16 : index
        %parallel_loop3A_228 = tpu.vector_load %arg23[%parallel_loop3A_226, %parallel_loop3A_227] {strides = array<i32>} : memref<32x128xf32, #tpu.memory_space<vmem>>, vector<1x16xf32>,
        %parallel_loop3A_229 = vector.shape_cast %parallel_loop3A_228 : vector<1x16xf32> to vector<16xf32>
        %parallel_loop3A_230 = vector.shape_cast %parallel_loop3A_225 : vector<16xf32> to vector<1x16xf32>
        tpu.vector_store %arg23[%parallel_loop3A_226, %parallel_loop3A_227], %parallel_loop3A_230 {strides = array<i32>} : memref<32x128xf32, #tpu.memory_space<vmem>>, vector<1x16xf32>,
        %parallel_loop3A_231 = arith.index_cast %parallel_loop3A_174 : i32 to index
        %parallel_loop3A_232 = arith.constant 32 : index
        %parallel_loop3A_233 = tpu.vector_load %arg18[%parallel_loop3A_231, %parallel_loop3A_232] {strides = array<i32>} : memref<32x128xf32, #tpu.memory_space<vmem>>, vector<1x16xf32>,
        %parallel_loop3A_234 = vector.shape_cast %parallel_loop3A_233 : vector<1x16xf32> to vector<16xf32>
        %parallel_loop3A_235 = arith.index_cast %parallel_loop3A_174 : i32 to index
        %parallel_loop3A_236 = arith.constant 32 : index
        %parallel_loop3A_237 = tpu.vector_load %arg20[%parallel_loop3A_235, %parallel_loop3A_236] {strides = array<i32>} : memref<32x128xf32, #tpu.memory_space<vmem>>, vector<1x16xf32>,
        %parallel_loop3A_238 = vector.shape_cast %parallel_loop3A_237 : vector<1x16xf32> to vector<16xf32>
        %parallel_loop3A_239 = arith.addf %parallel_loop3A_234, %parallel_loop3A_238 : vector<16xf32>
        %parallel_loop3A_240 = arith.index_cast %parallel_loop3A_174 : i32 to index
        %parallel_loop3A_241 = arith.constant 32 : index
        %parallel_loop3A_242 = tpu.vector_load %arg21[%parallel_loop3A_240, %parallel_loop3A_241] {strides = array<i32>} : memref<32x128xf32, #tpu.memory_space<vmem>>, vector<1x16xf32>,
        %parallel_loop3A_243 = vector.shape_cast %parallel_loop3A_242 : vector<1x16xf32> to vector<16xf32>
        %parallel_loop3A_244 = arith.addf %parallel_loop3A_239, %parallel_loop3A_243 : vector<16xf32>
        %parallel_loop3A_245 = arith.index_cast %parallel_loop3A_174 : i32 to index
        %parallel_loop3A_246 = arith.constant 32 : index
        %parallel_loop3A_247 = tpu.vector_load %arg19[%parallel_loop3A_245, %parallel_loop3A_246] {strides = array<i32>} : memref<32x128xf32, #tpu.memory_space<vmem>>, vector<1x16xf32>,
        %parallel_loop3A_248 = vector.shape_cast %parallel_loop3A_247 : vector<1x16xf32> to vector<16xf32>
        %parallel_loop3A_249 = math.exp %parallel_loop3A_244 : vector<16xf32>
        %parallel_loop3A_250 = arith.constant 1.000000e+00 : f32
        %parallel_loop3A_251 = vector.broadcast %parallel_loop3A_250 : f32 to vector<16xf32>
        %parallel_loop3A_252 = arith.addf %parallel_loop3A_251, %parallel_loop3A_249 : vector<16xf32>
        %parallel_loop3A_253 = arith.divf %parallel_loop3A_248, %parallel_loop3A_252 : vector<16xf32>
        %parallel_loop3A_254 = arith.index_cast %parallel_loop3A_174 : i32 to index
        %parallel_loop3A_255 = arith.constant 32 : index
        %parallel_loop3A_256 = tpu.vector_load %arg23[%parallel_loop3A_254, %parallel_loop3A_255] {strides = array<i32>} : memref<32x128xf32, #tpu.memory_space<vmem>>, vector<1x16xf32>,
        %parallel_loop3A_257 = vector.shape_cast %parallel_loop3A_256 : vector<1x16xf32> to vector<16xf32>
        %parallel_loop3A_258 = vector.shape_cast %parallel_loop3A_253 : vector<16xf32> to vector<1x16xf32>
        tpu.vector_store %arg23[%parallel_loop3A_254, %parallel_loop3A_255], %parallel_loop3A_258 {strides = array<i32>} : memref<32x128xf32, #tpu.memory_space<vmem>>, vector<1x16xf32>,
        %parallel_loop3A_259 = arith.index_cast %parallel_loop3A_174 : i32 to index
        %parallel_loop3A_260 = arith.constant 48 : index
        %parallel_loop3A_261 = tpu.vector_load %arg18[%parallel_loop3A_259, %parallel_loop3A_260] {strides = array<i32>} : memref<32x128xf32, #tpu.memory_space<vmem>>, vector<1x16xf32>,
        %parallel_loop3A_262 = vector.shape_cast %parallel_loop3A_261 : vector<1x16xf32> to vector<16xf32>
        %parallel_loop3A_263 = arith.index_cast %parallel_loop3A_174 : i32 to index
        %parallel_loop3A_264 = arith.constant 48 : index
        %parallel_loop3A_265 = tpu.vector_load %arg20[%parallel_loop3A_263, %parallel_loop3A_264] {strides = array<i32>} : memref<32x128xf32, #tpu.memory_space<vmem>>, vector<1x16xf32>,
        %parallel_loop3A_266 = vector.shape_cast %parallel_loop3A_265 : vector<1x16xf32> to vector<16xf32>
        %parallel_loop3A_267 = arith.addf %parallel_loop3A_262, %parallel_loop3A_266 : vector<16xf32>
        %parallel_loop3A_268 = arith.index_cast %parallel_loop3A_174 : i32 to index
        %parallel_loop3A_269 = arith.constant 48 : index
        %parallel_loop3A_270 = tpu.vector_load %arg21[%parallel_loop3A_268, %parallel_loop3A_269] {strides = array<i32>} : memref<32x128xf32, #tpu.memory_space<vmem>>, vector<1x16xf32>,
        %parallel_loop3A_271 = vector.shape_cast %parallel_loop3A_270 : vector<1x16xf32> to vector<16xf32>
        %parallel_loop3A_272 = arith.addf %parallel_loop3A_267, %parallel_loop3A_271 : vector<16xf32>
        %parallel_loop3A_273 = arith.index_cast %parallel_loop3A_174 : i32 to index
        %parallel_loop3A_274 = arith.constant 48 : index
        %parallel_loop3A_275 = tpu.vector_load %arg19[%parallel_loop3A_273, %parallel_loop3A_274] {strides = array<i32>} : memref<32x128xf32, #tpu.memory_space<vmem>>, vector<1x16xf32>,
        %parallel_loop3A_276 = vector.shape_cast %parallel_loop3A_275 : vector<1x16xf32> to vector<16xf32>
        %parallel_loop3A_277 = math.exp %parallel_loop3A_272 : vector<16xf32>
        %parallel_loop3A_278 = arith.constant 1.000000e+00 : f32
        %parallel_loop3A_279 = vector.broadcast %parallel_loop3A_278 : f32 to vector<16xf32>
        %parallel_loop3A_280 = arith.addf %parallel_loop3A_279, %parallel_loop3A_277 : vector<16xf32>
        %parallel_loop3A_281 = arith.divf %parallel_loop3A_276, %parallel_loop3A_280 : vector<16xf32>
        %parallel_loop3A_282 = arith.index_cast %parallel_loop3A_174 : i32 to index
        %parallel_loop3A_283 = arith.constant 48 : index
        %parallel_loop3A_284 = tpu.vector_load %arg23[%parallel_loop3A_282, %parallel_loop3A_283] {strides = array<i32>} : memref<32x128xf32, #tpu.memory_space<vmem>>, vector<1x16xf32>,
        %parallel_loop3A_285 = vector.shape_cast %parallel_loop3A_284 : vector<1x16xf32> to vector<16xf32>
        %parallel_loop3A_286 = vector.shape_cast %parallel_loop3A_281 : vector<16xf32> to vector<1x16xf32>
        tpu.vector_store %arg23[%parallel_loop3A_282, %parallel_loop3A_283], %parallel_loop3A_286 {strides = array<i32>} : memref<32x128xf32, #tpu.memory_space<vmem>>, vector<1x16xf32>,
        %parallel_loop3A_287 = arith.index_cast %parallel_loop3A_174 : i32 to index
        %parallel_loop3A_288 = arith.constant 64 : index
        %parallel_loop3A_289 = tpu.vector_load %arg18[%parallel_loop3A_287, %parallel_loop3A_288] {strides = array<i32>} : memref<32x128xf32, #tpu.memory_space<vmem>>, vector<1x16xf32>,
        %parallel_loop3A_290 = vector.shape_cast %parallel_loop3A_289 : vector<1x16xf32> to vector<16xf32>
        %parallel_loop3A_291 = arith.index_cast %parallel_loop3A_174 : i32 to index
        %parallel_loop3A_292 = arith.constant 64 : index
        %parallel_loop3A_293 = tpu.vector_load %arg20[%parallel_loop3A_291, %parallel_loop3A_292] {strides = array<i32>} : memref<32x128xf32, #tpu.memory_space<vmem>>, vector<1x16xf32>,
        %parallel_loop3A_294 = vector.shape_cast %parallel_loop3A_293 : vector<1x16xf32> to vector<16xf32>
        %parallel_loop3A_295 = arith.addf %parallel_loop3A_290, %parallel_loop3A_294 : vector<16xf32>
        %parallel_loop3A_296 = arith.index_cast %parallel_loop3A_174 : i32 to index
        %parallel_loop3A_297 = arith.constant 64 : index
        %parallel_loop3A_298 = tpu.vector_load %arg21[%parallel_loop3A_296, %parallel_loop3A_297] {strides = array<i32>} : memref<32x128xf32, #tpu.memory_space<vmem>>, vector<1x16xf32>,
        %parallel_loop3A_299 = vector.shape_cast %parallel_loop3A_298 : vector<1x16xf32> to vector<16xf32>
        %parallel_loop3A_300 = arith.addf %parallel_loop3A_295, %parallel_loop3A_299 : vector<16xf32>
        %parallel_loop3A_301 = arith.index_cast %parallel_loop3A_174 : i32 to index
        %parallel_loop3A_302 = arith.constant 64 : index
        %parallel_loop3A_303 = tpu.vector_load %arg19[%parallel_loop3A_301, %parallel_loop3A_302] {strides = array<i32>} : memref<32x128xf32, #tpu.memory_space<vmem>>, vector<1x16xf32>,
        %parallel_loop3A_304 = vector.shape_cast %parallel_loop3A_303 : vector<1x16xf32> to vector<16xf32>
        %parallel_loop3A_305 = math.exp %parallel_loop3A_300 : vector<16xf32>
        %parallel_loop3A_306 = arith.constant 1.000000e+00 : f32
        %parallel_loop3A_307 = vector.broadcast %parallel_loop3A_306 : f32 to vector<16xf32>
        %parallel_loop3A_308 = arith.addf %parallel_loop3A_307, %parallel_loop3A_305 : vector<16xf32>
        %parallel_loop3A_309 = arith.divf %parallel_loop3A_304, %parallel_loop3A_308 : vector<16xf32>
        %parallel_loop3A_310 = arith.index_cast %parallel_loop3A_174 : i32 to index
        %parallel_loop3A_311 = arith.constant 64 : index
        %parallel_loop3A_312 = tpu.vector_load %arg23[%parallel_loop3A_310, %parallel_loop3A_311] {strides = array<i32>} : memref<32x128xf32, #tpu.memory_space<vmem>>, vector<1x16xf32>,
        %parallel_loop3A_313 = vector.shape_cast %parallel_loop3A_312 : vector<1x16xf32> to vector<16xf32>
        %parallel_loop3A_314 = vector.shape_cast %parallel_loop3A_309 : vector<16xf32> to vector<1x16xf32>
        tpu.vector_store %arg23[%parallel_loop3A_310, %parallel_loop3A_311], %parallel_loop3A_314 {strides = array<i32>} : memref<32x128xf32, #tpu.memory_space<vmem>>, vector<1x16xf32>,
        %parallel_loop3A_315 = arith.index_cast %parallel_loop3A_174 : i32 to index
        %parallel_loop3A_316 = arith.constant 80 : index
        %parallel_loop3A_317 = tpu.vector_load %arg18[%parallel_loop3A_315, %parallel_loop3A_316] {strides = array<i32>} : memref<32x128xf32, #tpu.memory_space<vmem>>, vector<1x16xf32>,
        %parallel_loop3A_318 = vector.shape_cast %parallel_loop3A_317 : vector<1x16xf32> to vector<16xf32>
        %parallel_loop3A_319 = arith.index_cast %parallel_loop3A_174 : i32 to index
        %parallel_loop3A_320 = arith.constant 80 : index
        %parallel_loop3A_321 = tpu.vector_load %arg20[%parallel_loop3A_319, %parallel_loop3A_320] {strides = array<i32>} : memref<32x128xf32, #tpu.memory_space<vmem>>, vector<1x16xf32>,
        %parallel_loop3A_322 = vector.shape_cast %parallel_loop3A_321 : vector<1x16xf32> to vector<16xf32>
        %parallel_loop3A_323 = arith.addf %parallel_loop3A_318, %parallel_loop3A_322 : vector<16xf32>
        %parallel_loop3A_324 = arith.index_cast %parallel_loop3A_174 : i32 to index
        %parallel_loop3A_325 = arith.constant 80 : index
        %parallel_loop3A_326 = tpu.vector_load %arg21[%parallel_loop3A_324, %parallel_loop3A_325] {strides = array<i32>} : memref<32x128xf32, #tpu.memory_space<vmem>>, vector<1x16xf32>,
        %parallel_loop3A_327 = vector.shape_cast %parallel_loop3A_326 : vector<1x16xf32> to vector<16xf32>
        %parallel_loop3A_328 = arith.addf %parallel_loop3A_323, %parallel_loop3A_327 : vector<16xf32>
        %parallel_loop3A_329 = arith.index_cast %parallel_loop3A_174 : i32 to index
        %parallel_loop3A_330 = arith.constant 80 : index
        %parallel_loop3A_331 = tpu.vector_load %arg19[%parallel_loop3A_329, %parallel_loop3A_330] {strides = array<i32>} : memref<32x128xf32, #tpu.memory_space<vmem>>, vector<1x16xf32>,
        %parallel_loop3A_332 = vector.shape_cast %parallel_loop3A_331 : vector<1x16xf32> to vector<16xf32>
        %parallel_loop3A_333 = math.exp %parallel_loop3A_328 : vector<16xf32>
        %parallel_loop3A_334 = arith.constant 1.000000e+00 : f32
        %parallel_loop3A_335 = vector.broadcast %parallel_loop3A_334 : f32 to vector<16xf32>
        %parallel_loop3A_336 = arith.addf %parallel_loop3A_335, %parallel_loop3A_333 : vector<16xf32>
        %parallel_loop3A_337 = arith.divf %parallel_loop3A_332, %parallel_loop3A_336 : vector<16xf32>
        %parallel_loop3A_338 = arith.index_cast %parallel_loop3A_174 : i32 to index
        %parallel_loop3A_339 = arith.constant 80 : index
        %parallel_loop3A_340 = tpu.vector_load %arg23[%parallel_loop3A_338, %parallel_loop3A_339] {strides = array<i32>} : memref<32x128xf32, #tpu.memory_space<vmem>>, vector<1x16xf32>,
        %parallel_loop3A_341 = vector.shape_cast %parallel_loop3A_340 : vector<1x16xf32> to vector<16xf32>
        %parallel_loop3A_342 = vector.shape_cast %parallel_loop3A_337 : vector<16xf32> to vector<1x16xf32>
        tpu.vector_store %arg23[%parallel_loop3A_338, %parallel_loop3A_339], %parallel_loop3A_342 {strides = array<i32>} : memref<32x128xf32, #tpu.memory_space<vmem>>, vector<1x16xf32>,
        %parallel_loop3A_343 = arith.index_cast %parallel_loop3A_174 : i32 to index
        %parallel_loop3A_344 = arith.constant 96 : index
        %parallel_loop3A_345 = tpu.vector_load %arg18[%parallel_loop3A_343, %parallel_loop3A_344] {strides = array<i32>} : memref<32x128xf32, #tpu.memory_space<vmem>>, vector<1x16xf32>,
        %parallel_loop3A_346 = vector.shape_cast %parallel_loop3A_345 : vector<1x16xf32> to vector<16xf32>
        %parallel_loop3A_347 = arith.index_cast %parallel_loop3A_174 : i32 to index
        %parallel_loop3A_348 = arith.constant 96 : index
        %parallel_loop3A_349 = tpu.vector_load %arg20[%parallel_loop3A_347, %parallel_loop3A_348] {strides = array<i32>} : memref<32x128xf32, #tpu.memory_space<vmem>>, vector<1x16xf32>,
        %parallel_loop3A_350 = vector.shape_cast %parallel_loop3A_349 : vector<1x16xf32> to vector<16xf32>
        %parallel_loop3A_351 = arith.addf %parallel_loop3A_346, %parallel_loop3A_350 : vector<16xf32>
        %parallel_loop3A_352 = arith.index_cast %parallel_loop3A_174 : i32 to index
        %parallel_loop3A_353 = arith.constant 96 : index
        %parallel_loop3A_354 = tpu.vector_load %arg21[%parallel_loop3A_352, %parallel_loop3A_353] {strides = array<i32>} : memref<32x128xf32, #tpu.memory_space<vmem>>, vector<1x16xf32>,
        %parallel_loop3A_355 = vector.shape_cast %parallel_loop3A_354 : vector<1x16xf32> to vector<16xf32>
        %parallel_loop3A_356 = arith.addf %parallel_loop3A_351, %parallel_loop3A_355 : vector<16xf32>
        %parallel_loop3A_357 = arith.index_cast %parallel_loop3A_174 : i32 to index
        %parallel_loop3A_358 = arith.constant 96 : index
        %parallel_loop3A_359 = tpu.vector_load %arg19[%parallel_loop3A_357, %parallel_loop3A_358] {strides = array<i32>} : memref<32x128xf32, #tpu.memory_space<vmem>>, vector<1x16xf32>,
        %parallel_loop3A_360 = vector.shape_cast %parallel_loop3A_359 : vector<1x16xf32> to vector<16xf32>
        %parallel_loop3A_361 = math.exp %parallel_loop3A_356 : vector<16xf32>
        %parallel_loop3A_362 = arith.constant 1.000000e+00 : f32
        %parallel_loop3A_363 = vector.broadcast %parallel_loop3A_362 : f32 to vector<16xf32>
        %parallel_loop3A_364 = arith.addf %parallel_loop3A_363, %parallel_loop3A_361 : vector<16xf32>
        %parallel_loop3A_365 = arith.divf %parallel_loop3A_360, %parallel_loop3A_364 : vector<16xf32>
        %parallel_loop3A_366 = arith.index_cast %parallel_loop3A_174 : i32 to index
        %parallel_loop3A_367 = arith.constant 96 : index
        %parallel_loop3A_368 = tpu.vector_load %arg23[%parallel_loop3A_366, %parallel_loop3A_367] {strides = array<i32>} : memref<32x128xf32, #tpu.memory_space<vmem>>, vector<1x16xf32>,
        %parallel_loop3A_369 = vector.shape_cast %parallel_loop3A_368 : vector<1x16xf32> to vector<16xf32>
        %parallel_loop3A_370 = vector.shape_cast %parallel_loop3A_365 : vector<16xf32> to vector<1x16xf32>
        tpu.vector_store %arg23[%parallel_loop3A_366, %parallel_loop3A_367], %parallel_loop3A_370 {strides = array<i32>} : memref<32x128xf32, #tpu.memory_space<vmem>>, vector<1x16xf32>,
        %parallel_loop3A_371 = arith.index_cast %parallel_loop3A_174 : i32 to index
        %parallel_loop3A_372 = arith.constant 112 : index
        %parallel_loop3A_373 = tpu.vector_load %arg18[%parallel_loop3A_371, %parallel_loop3A_372] {strides = array<i32>} : memref<32x128xf32, #tpu.memory_space<vmem>>, vector<1x16xf32>,
        %parallel_loop3A_374 = vector.shape_cast %parallel_loop3A_373 : vector<1x16xf32> to vector<16xf32>
        %parallel_loop3A_375 = arith.index_cast %parallel_loop3A_174 : i32 to index
        %parallel_loop3A_376 = arith.constant 112 : index
        %parallel_loop3A_377 = tpu.vector_load %arg20[%parallel_loop3A_375, %parallel_loop3A_376] {strides = array<i32>} : memref<32x128xf32, #tpu.memory_space<vmem>>, vector<1x16xf32>,
        %parallel_loop3A_378 = vector.shape_cast %parallel_loop3A_377 : vector<1x16xf32> to vector<16xf32>
        %parallel_loop3A_379 = arith.addf %parallel_loop3A_374, %parallel_loop3A_378 : vector<16xf32>
        %parallel_loop3A_380 = arith.index_cast %parallel_loop3A_174 : i32 to index
        %parallel_loop3A_381 = arith.constant 112 : index
        %parallel_loop3A_382 = tpu.vector_load %arg21[%parallel_loop3A_380, %parallel_loop3A_381] {strides = array<i32>} : memref<32x128xf32, #tpu.memory_space<vmem>>, vector<1x16xf32>,
        %parallel_loop3A_383 = vector.shape_cast %parallel_loop3A_382 : vector<1x16xf32> to vector<16xf32>
        %parallel_loop3A_384 = arith.addf %parallel_loop3A_379, %parallel_loop3A_383 : vector<16xf32>
        %parallel_loop3A_385 = arith.index_cast %parallel_loop3A_174 : i32 to index
        %parallel_loop3A_386 = arith.constant 112 : index
        %parallel_loop3A_387 = tpu.vector_load %arg19[%parallel_loop3A_385, %parallel_loop3A_386] {strides = array<i32>} : memref<32x128xf32, #tpu.memory_space<vmem>>, vector<1x16xf32>,
        %parallel_loop3A_388 = vector.shape_cast %parallel_loop3A_387 : vector<1x16xf32> to vector<16xf32>
        %parallel_loop3A_389 = math.exp %parallel_loop3A_384 : vector<16xf32>
        %parallel_loop3A_390 = arith.constant 1.000000e+00 : f32
        %parallel_loop3A_391 = vector.broadcast %parallel_loop3A_390 : f32 to vector<16xf32>
        %parallel_loop3A_392 = arith.addf %parallel_loop3A_391, %parallel_loop3A_389 : vector<16xf32>
        %parallel_loop3A_393 = arith.divf %parallel_loop3A_388, %parallel_loop3A_392 : vector<16xf32>
        %parallel_loop3A_394 = arith.index_cast %parallel_loop3A_174 : i32 to index
        %parallel_loop3A_395 = arith.constant 112 : index
        %parallel_loop3A_396 = tpu.vector_load %arg23[%parallel_loop3A_394, %parallel_loop3A_395] {strides = array<i32>} : memref<32x128xf32, #tpu.memory_space<vmem>>, vector<1x16xf32>,
        %parallel_loop3A_397 = vector.shape_cast %parallel_loop3A_396 : vector<1x16xf32> to vector<16xf32>
        %parallel_loop3A_398 = vector.shape_cast %parallel_loop3A_393 : vector<16xf32> to vector<1x16xf32>
        tpu.vector_store %arg23[%parallel_loop3A_394, %parallel_loop3A_395], %parallel_loop3A_398 {strides = array<i32>} : memref<32x128xf32, #tpu.memory_space<vmem>>, vector<1x16xf32>,
      } {sc.loop_unroll_factor = 2 : i64, sc.parallel_access}
      %rem3A_158 = arith.constant 8 : i32
      %rem3A_159 = arith.remsi %add3A_56, %rem3A_158 : i32
      %div3A_160 = arith.constant 8 : i32
      %div3A_161 = arith.divsi %add3A_56, %div3A_160 : i32
      %rem3A_162 = arith.constant 2 : i32
      %rem3A_163 = arith.remsi %div3A_161, %rem3A_162 : i32
      %eq3A_164 = arith.constant 0 : i32
      %eq3A_165 = arith.cmpi eq, %rem3A_163, %eq3A_164 : i32
      %convert_element_type3A_166 = arith.extui %eq3A_165 : i1 to i32
      %cond3A_167 = arith.constant 0 : i32
      %cond3A_168 = arith.cmpi ne, %convert_element_type3A_166, %cond3A_167 : i32
      scf.if %cond3A_168 {
        %dma_start3A_174 = arith.constant 0 : i32
        %dma_start3A_175 = tpu.memref_slice %arg11[%rem3A_159, %dma_start3A_174] : memref<8x32xi32, #tpu.memory_space<vmem>> -> memref<1x32xi32, #tpu.memory_space<vmem>>
        %dma_start3A_176 = tpu.memref_squeeze %dma_start3A_175 : memref<1x32xi32, #tpu.memory_space<vmem>> -> memref<32xi32, #tpu.memory_space<vmem>>
        %dma_start3A_177 = arith.constant 0 : i32
        %dma_start3A_178 = arith.constant 0 : i32
        %dma_start3A_179 = tpu.memref_slice %arg24[%dma_start3A_177, %dma_start3A_178] : memref<10112x128xf32, #tpu.memory_space<vmem_shared>> -> memref<10112x128xf32, #tpu.memory_space<vmem_shared>>
        tpu.enqueue_indirect_dma source(%arg23 : memref<32x128xf32, #tpu.memory_space<vmem>>) target(%dma_start3A_179 : memref<10112x128xf32, #tpu.memory_space<vmem_shared>>) offsets(%dma_start3A_176 : memref<32xi32, #tpu.memory_space<vmem>>) semaphore(%arg27 : memref<!tpu.dma_semaphore, #tpu.memory_space<semaphore_mem>>) {add = true}
      } else {
      }
      %eq3A_169 = arith.constant 1 : i32
      %eq3A_170 = arith.cmpi eq, %rem3A_163, %eq3A_169 : i32
      %convert_element_type3A_171 = arith.extui %eq3A_170 : i1 to i32
      %cond3A_172 = arith.constant 0 : i32
      %cond3A_173 = arith.cmpi ne, %convert_element_type3A_171, %cond3A_172 : i32
      scf.if %cond3A_173 {
        %dma_start3A_174 = arith.constant 0 : i32
        %dma_start3A_175 = tpu.memref_slice %arg13[%rem3A_159, %dma_start3A_174] : memref<8x32xi32, #tpu.memory_space<vmem>> -> memref<1x32xi32, #tpu.memory_space<vmem>>
        %dma_start3A_176 = tpu.memref_squeeze %dma_start3A_175 : memref<1x32xi32, #tpu.memory_space<vmem>> -> memref<32xi32, #tpu.memory_space<vmem>>
        %dma_start3A_177 = arith.constant 0 : i32
        %dma_start3A_178 = arith.constant 0 : i32
        %dma_start3A_179 = tpu.memref_slice %arg24[%dma_start3A_177, %dma_start3A_178] : memref<10112x128xf32, #tpu.memory_space<vmem_shared>> -> memref<10112x128xf32, #tpu.memory_space<vmem_shared>>
        tpu.enqueue_indirect_dma source(%arg23 : memref<32x128xf32, #tpu.memory_space<vmem>>) target(%dma_start3A_179 : memref<10112x128xf32, #tpu.memory_space<vmem_shared>>) offsets(%dma_start3A_176 : memref<32xi32, #tpu.memory_space<vmem>>) semaphore(%arg27 : memref<!tpu.dma_semaphore, #tpu.memory_space<semaphore_mem>>) {add = true}
      } else {
      }
    }
    %scan3A_40 = arith.constant 160 : i32
    %dma_wait3A = arith.constant 0 : i32
    %dma_wait3A_41 = arith.constant 0 : i32
    %dma_wait3A_42 = tpu.memref_slice %arg2[%dma_wait3A, %dma_wait3A_41] : memref<20224x128xf32, #tpu.memory_space<hbm>> -> memref<32x128xf32, #tpu.memory_space<hbm>>
    %dma_wait3A_43 = arith.constant 0 : i32
    %dma_wait3A_44 = arith.constant 0 : i32
    %dma_wait3A_45 = tpu.memref_slice %arg2[%dma_wait3A_43, %dma_wait3A_44] : memref<20224x128xf32, #tpu.memory_space<hbm>> -> memref<32x128xf32, #tpu.memory_space<hbm>>
    tpu.wait_dma2 semaphore(%arg27 : memref<!tpu.dma_semaphore, #tpu.memory_space<semaphore_mem>>) src(%dma_wait3A_45 : memref<32x128xf32, #tpu.memory_space<hbm>>) dst(%arg22 : memref<32x128xf32, #tpu.memory_space<vmem>>)
    %dma_wait3A_46 = arith.constant 0 : i32
    %dma_wait3A_47 = arith.constant 0 : i32
    %dma_wait3A_48 = tpu.memref_slice %arg2[%dma_wait3A_46, %dma_wait3A_47] : memref<20224x128xf32, #tpu.memory_space<hbm>> -> memref<32x128xf32, #tpu.memory_space<hbm>>
    %dma_wait3A_49 = arith.constant 0 : i32
    %dma_wait3A_50 = arith.constant 0 : i32
    %dma_wait3A_51 = tpu.memref_slice %arg2[%dma_wait3A_49, %dma_wait3A_50] : memref<20224x128xf32, #tpu.memory_space<hbm>> -> memref<32x128xf32, #tpu.memory_space<hbm>>
    tpu.wait_dma2 semaphore(%arg27 : memref<!tpu.dma_semaphore, #tpu.memory_space<semaphore_mem>>) src(%dma_wait3A_51 : memref<32x128xf32, #tpu.memory_space<hbm>>) dst(%arg23 : memref<32x128xf32, #tpu.memory_space<vmem>>)
    %barrier3A = arith.constant 0 : index
    tpu.barrier barrier_id(%barrier3A)
    "tpu.region"() ({
      %run_scoped3A = tpu.sem_alloc : memref<!tpu.dma_semaphore, #tpu.memory_space<semaphore_mem>>
      %dma_start3A_52 = arith.constant 0 : i32
      %dma_start3A_53 = tpu.memref_slice %arg9[%arg0, %mul3A_0, %dma_start3A_52] : memref<2x10112x128xf32, #tpu.memory_space<hbm>> -> memref<1x632x128xf32, #tpu.memory_space<hbm>>
      %dma_start3A_54 = tpu.memref_squeeze %dma_start3A_53 : memref<1x632x128xf32, #tpu.memory_space<hbm>> -> memref<632x128xf32, #tpu.memory_space<hbm>>
      %dma_start3A_55 = arith.constant 0 : i32
      %dma_start3A_56 = tpu.memref_slice %arg24[%mul3A_0, %dma_start3A_55] : memref<10112x128xf32, #tpu.memory_space<vmem_shared>> -> memref<632x128xf32, #tpu.memory_space<vmem_shared>>
      tpu.enqueue_dma source(%dma_start3A_56 : memref<632x128xf32, #tpu.memory_space<vmem_shared>>) target(%dma_start3A_54 : memref<632x128xf32, #tpu.memory_space<hbm>>) target_semaphore(%run_scoped3A : memref<!tpu.dma_semaphore, #tpu.memory_space<semaphore_mem>>)
      %dma_wait3A_57 = arith.constant 0 : i32
      %dma_wait3A_58 = tpu.memref_slice %arg9[%arg0, %mul3A_0, %dma_wait3A_57] : memref<2x10112x128xf32, #tpu.memory_space<hbm>> -> memref<1x632x128xf32, #tpu.memory_space<hbm>>
      %dma_wait3A_59 = tpu.memref_squeeze %dma_wait3A_58 : memref<1x632x128xf32, #tpu.memory_space<hbm>> -> memref<632x128xf32, #tpu.memory_space<hbm>>
      %dma_wait3A_60 = arith.constant 0 : i32
      %dma_wait3A_61 = tpu.memref_slice %arg24[%mul3A_0, %dma_wait3A_60] : memref<10112x128xf32, #tpu.memory_space<vmem_shared>> -> memref<632x128xf32, #tpu.memory_space<vmem_shared>>
      tpu.wait_dma2 semaphore(%run_scoped3A : memref<!tpu.dma_semaphore, #tpu.memory_space<semaphore_mem>>) src(%dma_wait3A_61 : memref<632x128xf32, #tpu.memory_space<vmem_shared>>) dst(%dma_wait3A_59 : memref<632x128xf32, #tpu.memory_space<hbm>>)
      tpu.yield
    }) : () -> ()
    return
  }
}

module attributes {stable_mosaic.version = 14 : i64} {
  func.func @_ang_body(%arg0: i32, %arg1: memref<2000x256xf32, #tpu.memory_space<vmem>>, %arg2: memref<256x256xf32, #tpu.memory_space<vmem>>, %arg3: memref<2x2000x128xf32, #tpu.memory_space<vmem>>) attributes {dimension_semantics = [#tpu.dimension_semantics<arbitrary>], iteration_bounds = array<i64: 80>, scalar_prefetch = 0 : i64, scratch_operands = 0 : i64, tpu.core_type = #tpu.core_type<tc>, window_params = [{transform_indices = @transform_0, window_bounds = array<i64: 2000, 256>}, {pipeline_mode = #tpu.pipeline_mode<synchronous>, transform_indices = @transform_1, window_bounds = array<i64: 256, 256>}, {transform_indices = @transform_2, window_bounds = array<i64: 2, 2000, 128>}]} {
    %get3A = arith.constant 0 : index
    %get3A_0 = arith.constant 0 : index
    %get3A_1 = vector.load %arg1[%get3A, %get3A_0] : memref<2000x256xf32, #tpu.memory_space<vmem>>, vector<2000x256xf32>
    %get3A_2 = arith.constant 0 : index
    %get3A_3 = arith.constant 0 : index
    %get3A_4 = vector.load %arg2[%get3A_2, %get3A_3] : memref<256x256xf32, #tpu.memory_space<vmem>>, vector<256x256xf32>
    %dot_general3A = arith.constant dense<0.000000e+00> : vector<2000x256xf32>
    %dot_general3A_5 = tpu.matmul %get3A_1, %get3A_4, %dot_general3A {dimension_numbers = #tpu.dot_dimension_numbers<[1], [0], [0], [1], [0, 0, 1, 1], [], []>, transpose_lhs_hint = false} : vector<2000x256xf32>, vector<256x256xf32>, vector<2000x256xf32> -> vector<2000x256xf32>
    %slice3A = vector.extract_strided_slice %dot_general3A_5 {offsets = [0, 0], sizes = [2000, 128], strides = [1, 1]} : vector<2000x256xf32> to vector<2000x128xf32>
    %swap3A = arith.constant 0 : index
    %swap3A_6 = arith.constant 0 : index
    %swap3A_7 = arith.constant 0 : index
    %swap3A_8 = vector.load %arg3[%swap3A, %swap3A_6, %swap3A_7] : memref<2x2000x128xf32, #tpu.memory_space<vmem>>, vector<1x2000x128xf32>
    %swap3A_9 = vector.shape_cast %swap3A_8 : vector<1x2000x128xf32> to vector<2000x128xf32>
    %swap3A_10 = vector.shape_cast %slice3A : vector<2000x128xf32> to vector<1x2000x128xf32>
    tpu.vector_store %arg3[%swap3A, %swap3A_6, %swap3A_7], %swap3A_10 {strides = array<i32>} : memref<2x2000x128xf32, #tpu.memory_space<vmem>>, vector<1x2000x128xf32>,
    %slice3A_11 = vector.extract_strided_slice %dot_general3A_5 {offsets = [0, 128], sizes = [2000, 128], strides = [1, 1]} : vector<2000x256xf32> to vector<2000x128xf32>
    %swap3A_12 = arith.constant 1 : index
    %swap3A_13 = arith.constant 0 : index
    %swap3A_14 = arith.constant 0 : index
    %swap3A_15 = vector.load %arg3[%swap3A_12, %swap3A_13, %swap3A_14] : memref<2x2000x128xf32, #tpu.memory_space<vmem>>, vector<1x2000x128xf32>
    %swap3A_16 = vector.shape_cast %swap3A_15 : vector<1x2000x128xf32> to vector<2000x128xf32>
    %swap3A_17 = vector.shape_cast %slice3A_11 : vector<2000x128xf32> to vector<1x2000x128xf32>
    tpu.vector_store %arg3[%swap3A_12, %swap3A_13, %swap3A_14], %swap3A_17 {strides = array<i32>} : memref<2x2000x128xf32, #tpu.memory_space<vmem>>, vector<1x2000x128xf32>,
    return
  }
  func.func @transform_0(%arg0: i32) -> (i32, i32) {
    %c0_i32 = arith.constant 0 : i32
    %c0_i32_0 = arith.constant 0 : i32
    return %arg0, %c0_i32 : i32, i32
  }
  func.func @transform_1(%arg0: i32) -> (i32, i32) {
    %c0_i32 = arith.constant 0 : i32
    %c0_i32_0 = arith.constant 0 : i32
    %c0_i32_1 = arith.constant 0 : i32
    return %c0_i32, %c0_i32_0 : i32, i32
  }
  func.func @transform_2(%arg0: i32) -> (i32, i32, i32) {
    %c0_i32 = arith.constant 0 : i32
    %c0_i32_0 = arith.constant 0 : i32
    %c0_i32_1 = arith.constant 0 : i32
    return %c0_i32, %arg0, %c0_i32_0 : i32, i32, i32
  }
}

module attributes {stable_mosaic.version = 14 : i64} {
  func.func @_proj_body(%arg0: i32, %arg1: memref<632x256xf32, #tpu.memory_space<vmem>>, %arg2: memref<256x256xf32, #tpu.memory_space<vmem>>, %arg3: memref<256x256xf32, #tpu.memory_space<vmem>>, %arg4: memref<256x256xf32, #tpu.memory_space<vmem>>, %arg5: memref<1x256xf32, #tpu.memory_space<vmem>>, %arg6: memref<1x256xf32, #tpu.memory_space<vmem>>, %arg7: memref<2x632x128xf32, #tpu.memory_space<vmem>>, %arg8: memref<2x632x128xf32, #tpu.memory_space<vmem>>, %arg9: memref<2x632x128xf32, #tpu.memory_space<vmem>>) attributes {dimension_semantics = [#tpu.dimension_semantics<arbitrary>], iteration_bounds = array<i64: 16>, scalar_prefetch = 0 : i64, scratch_operands = 0 : i64, tpu.core_type = #tpu.core_type<tc>, window_params = [{transform_indices = @transform_0, window_bounds = array<i64: 632, 256>}, {pipeline_mode = #tpu.pipeline_mode<synchronous>, transform_indices = @transform_1, window_bounds = array<i64: 256, 256>}, {pipeline_mode = #tpu.pipeline_mode<synchronous>, transform_indices = @transform_2, window_bounds = array<i64: 256, 256>}, {pipeline_mode = #tpu.pipeline_mode<synchronous>, transform_indices = @transform_3, window_bounds = array<i64: 256, 256>}, {pipeline_mode = #tpu.pipeline_mode<synchronous>, transform_indices = @transform_4, window_bounds = array<i64: 1, 256>}, {pipeline_mode = #tpu.pipeline_mode<synchronous>, transform_indices = @transform_5, window_bounds = array<i64: 1, 256>}, {transform_indices = @transform_6, window_bounds = array<i64: 2, 632, 128>}, {transform_indices = @transform_7, window_bounds = array<i64: 2, 632, 128>}, {transform_indices = @transform_8, window_bounds = array<i64: 2, 632, 128>}]} {
    %get3A = arith.constant 0 : index
    %get3A_0 = arith.constant 0 : index
    %get3A_1 = vector.load %arg1[%get3A, %get3A_0] : memref<632x256xf32, #tpu.memory_space<vmem>>, vector<632x256xf32>
    %get3A_2 = arith.constant 0 : index
    %get3A_3 = arith.constant 0 : index
    %get3A_4 = vector.load %arg2[%get3A_2, %get3A_3] : memref<256x256xf32, #tpu.memory_space<vmem>>, vector<256x256xf32>
    %dot_general3A = arith.constant dense<0.000000e+00> : vector<632x256xf32>
    %dot_general3A_5 = tpu.matmul %get3A_1, %get3A_4, %dot_general3A {dimension_numbers = #tpu.dot_dimension_numbers<[1], [0], [0], [1], [0, 0, 1, 1], [], []>, transpose_lhs_hint = false} : vector<632x256xf32>, vector<256x256xf32>, vector<632x256xf32> -> vector<632x256xf32>
    %get3A_6 = arith.constant 0 : index
    %get3A_7 = arith.constant 0 : index
    %get3A_8 = vector.load %arg3[%get3A_6, %get3A_7] : memref<256x256xf32, #tpu.memory_space<vmem>>, vector<256x256xf32>
    %dot_general3A_9 = arith.constant dense<0.000000e+00> : vector<632x256xf32>
    %dot_general3A_10 = tpu.matmul %get3A_1, %get3A_8, %dot_general3A_9 {dimension_numbers = #tpu.dot_dimension_numbers<[1], [0], [0], [1], [0, 0, 1, 1], [], []>, transpose_lhs_hint = false} : vector<632x256xf32>, vector<256x256xf32>, vector<632x256xf32> -> vector<632x256xf32>
    %get3A_11 = arith.constant 0 : index
    %get3A_12 = arith.constant 0 : index
    %get3A_13 = vector.load %arg5[%get3A_11, %get3A_12] : memref<1x256xf32, #tpu.memory_space<vmem>>, vector<1x256xf32>
    %add3A = vector.broadcast %get3A_13 : vector<1x256xf32> to vector<632x256xf32>
    %add3A_14 = arith.addf %dot_general3A_10, %add3A : vector<632x256xf32>
    %get3A_15 = arith.constant 0 : index
    %get3A_16 = arith.constant 0 : index
    %get3A_17 = vector.load %arg4[%get3A_15, %get3A_16] : memref<256x256xf32, #tpu.memory_space<vmem>>, vector<256x256xf32>
    %dot_general3A_18 = arith.constant dense<0.000000e+00> : vector<632x256xf32>
    %dot_general3A_19 = tpu.matmul %get3A_1, %get3A_17, %dot_general3A_18 {dimension_numbers = #tpu.dot_dimension_numbers<[1], [0], [0], [1], [0, 0, 1, 1], [], []>, transpose_lhs_hint = false} : vector<632x256xf32>, vector<256x256xf32>, vector<632x256xf32> -> vector<632x256xf32>
    %get3A_20 = arith.constant 0 : index
    %get3A_21 = arith.constant 0 : index
    %get3A_22 = vector.load %arg6[%get3A_20, %get3A_21] : memref<1x256xf32, #tpu.memory_space<vmem>>, vector<1x256xf32>
    %add3A_23 = vector.broadcast %get3A_22 : vector<1x256xf32> to vector<632x256xf32>
    %add3A_24 = arith.addf %dot_general3A_19, %add3A_23 : vector<632x256xf32>
    %slice3A = vector.extract_strided_slice %dot_general3A_5 {offsets = [0, 0], sizes = [632, 128], strides = [1, 1]} : vector<632x256xf32> to vector<632x128xf32>
    %swap3A = arith.constant 0 : index
    %swap3A_25 = arith.constant 0 : index
    %swap3A_26 = arith.constant 0 : index
    %swap3A_27 = vector.load %arg7[%swap3A, %swap3A_25, %swap3A_26] : memref<2x632x128xf32, #tpu.memory_space<vmem>>, vector<1x632x128xf32>
    %swap3A_28 = vector.shape_cast %swap3A_27 : vector<1x632x128xf32> to vector<632x128xf32>
    %swap3A_29 = vector.shape_cast %slice3A : vector<632x128xf32> to vector<1x632x128xf32>
    tpu.vector_store %arg7[%swap3A, %swap3A_25, %swap3A_26], %swap3A_29 {strides = array<i32>} : memref<2x632x128xf32, #tpu.memory_space<vmem>>, vector<1x632x128xf32>,
    %slice3A_30 = vector.extract_strided_slice %dot_general3A_5 {offsets = [0, 128], sizes = [632, 128], strides = [1, 1]} : vector<632x256xf32> to vector<632x128xf32>
    %swap3A_31 = arith.constant 1 : index
    %swap3A_32 = arith.constant 0 : index
    %swap3A_33 = arith.constant 0 : index
    %swap3A_34 = vector.load %arg7[%swap3A_31, %swap3A_32, %swap3A_33] : memref<2x632x128xf32, #tpu.memory_space<vmem>>, vector<1x632x128xf32>
    %swap3A_35 = vector.shape_cast %swap3A_34 : vector<1x632x128xf32> to vector<632x128xf32>
    %swap3A_36 = vector.shape_cast %slice3A_30 : vector<632x128xf32> to vector<1x632x128xf32>
    tpu.vector_store %arg7[%swap3A_31, %swap3A_32, %swap3A_33], %swap3A_36 {strides = array<i32>} : memref<2x632x128xf32, #tpu.memory_space<vmem>>, vector<1x632x128xf32>,
    %slice3A_37 = vector.extract_strided_slice %add3A_14 {offsets = [0, 0], sizes = [632, 128], strides = [1, 1]} : vector<632x256xf32> to vector<632x128xf32>
    %swap3A_38 = arith.constant 0 : index
    %swap3A_39 = arith.constant 0 : index
    %swap3A_40 = arith.constant 0 : index
    %swap3A_41 = vector.load %arg8[%swap3A_38, %swap3A_39, %swap3A_40] : memref<2x632x128xf32, #tpu.memory_space<vmem>>, vector<1x632x128xf32>
    %swap3A_42 = vector.shape_cast %swap3A_41 : vector<1x632x128xf32> to vector<632x128xf32>
    %swap3A_43 = vector.shape_cast %slice3A_37 : vector<632x128xf32> to vector<1x632x128xf32>
    tpu.vector_store %arg8[%swap3A_38, %swap3A_39, %swap3A_40], %swap3A_43 {strides = array<i32>} : memref<2x632x128xf32, #tpu.memory_space<vmem>>, vector<1x632x128xf32>,
    %slice3A_44 = vector.extract_strided_slice %add3A_14 {offsets = [0, 128], sizes = [632, 128], strides = [1, 1]} : vector<632x256xf32> to vector<632x128xf32>
    %swap3A_45 = arith.constant 1 : index
    %swap3A_46 = arith.constant 0 : index
    %swap3A_47 = arith.constant 0 : index
    %swap3A_48 = vector.load %arg8[%swap3A_45, %swap3A_46, %swap3A_47] : memref<2x632x128xf32, #tpu.memory_space<vmem>>, vector<1x632x128xf32>
    %swap3A_49 = vector.shape_cast %swap3A_48 : vector<1x632x128xf32> to vector<632x128xf32>
    %swap3A_50 = vector.shape_cast %slice3A_44 : vector<632x128xf32> to vector<1x632x128xf32>
    tpu.vector_store %arg8[%swap3A_45, %swap3A_46, %swap3A_47], %swap3A_50 {strides = array<i32>} : memref<2x632x128xf32, #tpu.memory_space<vmem>>, vector<1x632x128xf32>,
    %slice3A_51 = vector.extract_strided_slice %add3A_24 {offsets = [0, 0], sizes = [632, 128], strides = [1, 1]} : vector<632x256xf32> to vector<632x128xf32>
    %swap3A_52 = arith.constant 0 : index
    %swap3A_53 = arith.constant 0 : index
    %swap3A_54 = arith.constant 0 : index
    %swap3A_55 = vector.load %arg9[%swap3A_52, %swap3A_53, %swap3A_54] : memref<2x632x128xf32, #tpu.memory_space<vmem>>, vector<1x632x128xf32>
    %swap3A_56 = vector.shape_cast %swap3A_55 : vector<1x632x128xf32> to vector<632x128xf32>
    %swap3A_57 = vector.shape_cast %slice3A_51 : vector<632x128xf32> to vector<1x632x128xf32>
    tpu.vector_store %arg9[%swap3A_52, %swap3A_53, %swap3A_54], %swap3A_57 {strides = array<i32>} : memref<2x632x128xf32, #tpu.memory_space<vmem>>, vector<1x632x128xf32>,
    %slice3A_58 = vector.extract_strided_slice %add3A_24 {offsets = [0, 128], sizes = [632, 128], strides = [1, 1]} : vector<632x256xf32> to vector<632x128xf32>
    %swap3A_59 = arith.constant 1 : index
    %swap3A_60 = arith.constant 0 : index
    %swap3A_61 = arith.constant 0 : index
    %swap3A_62 = vector.load %arg9[%swap3A_59, %swap3A_60, %swap3A_61] : memref<2x632x128xf32, #tpu.memory_space<vmem>>, vector<1x632x128xf32>
    %swap3A_63 = vector.shape_cast %swap3A_62 : vector<1x632x128xf32> to vector<632x128xf32>
    %swap3A_64 = vector.shape_cast %slice3A_58 : vector<632x128xf32> to vector<1x632x128xf32>
    tpu.vector_store %arg9[%swap3A_59, %swap3A_60, %swap3A_61], %swap3A_64 {strides = array<i32>} : memref<2x632x128xf32, #tpu.memory_space<vmem>>, vector<1x632x128xf32>,
    return
  }
  func.func @transform_0(%arg0: i32) -> (i32, i32) {
    %c0_i32 = arith.constant 0 : i32
    %c0_i32_0 = arith.constant 0 : i32
    return %arg0, %c0_i32 : i32, i32
  }
  func.func @transform_1(%arg0: i32) -> (i32, i32) {
    %c0_i32 = arith.constant 0 : i32
    %c0_i32_0 = arith.constant 0 : i32
    %c0_i32_1 = arith.constant 0 : i32
    return %c0_i32, %c0_i32_0 : i32, i32
  }
  func.func @transform_2(%arg0: i32) -> (i32, i32) {
    %c0_i32 = arith.constant 0 : i32
    %c0_i32_0 = arith.constant 0 : i32
    %c0_i32_1 = arith.constant 0 : i32
    return %c0_i32, %c0_i32_0 : i32, i32
  }
  func.func @transform_3(%arg0: i32) -> (i32, i32) {
    %c0_i32 = arith.constant 0 : i32
    %c0_i32_0 = arith.constant 0 : i32
    %c0_i32_1 = arith.constant 0 : i32
    return %c0_i32, %c0_i32_0 : i32, i32
  }
  func.func @transform_4(%arg0: i32) -> (i32, i32) {
    %c0_i32 = arith.constant 0 : i32
    %c0_i32_0 = arith.constant 0 : i32
    %c0_i32_1 = arith.constant 0 : i32
    return %c0_i32, %c0_i32_0 : i32, i32
  }
  func.func @transform_5(%arg0: i32) -> (i32, i32) {
    %c0_i32 = arith.constant 0 : i32
    %c0_i32_0 = arith.constant 0 : i32
    %c0_i32_1 = arith.constant 0 : i32
    return %c0_i32, %c0_i32_0 : i32, i32
  }
  func.func @transform_6(%arg0: i32) -> (i32, i32, i32) {
    %c0_i32 = arith.constant 0 : i32
    %c0_i32_0 = arith.constant 0 : i32
    %c0_i32_1 = arith.constant 0 : i32
    return %c0_i32, %arg0, %c0_i32_0 : i32, i32, i32
  }
  func.func @transform_7(%arg0: i32) -> (i32, i32, i32) {
    %c0_i32 = arith.constant 0 : i32
    %c0_i32_0 = arith.constant 0 : i32
    %c0_i32_1 = arith.constant 0 : i32
    return %c0_i32, %arg0, %c0_i32_0 : i32, i32, i32
  }
  func.func @transform_8(%arg0: i32) -> (i32, i32, i32) {
    %c0_i32 = arith.constant 0 : i32
    %c0_i32_0 = arith.constant 0 : i32
    %c0_i32_1 = arith.constant 0 : i32
    return %c0_i32, %arg0, %c0_i32_0 : i32, i32, i32
  }
}

module attributes {stable_mosaic.version = 14 : i64} {
  func.func @_mlp_body(%arg0: i32, %arg1: memref<1000x256xf32, #tpu.memory_space<vmem>>, %arg2: memref<1000x128xf32, #tpu.memory_space<vmem>>, %arg3: memref<1000x128xf32, #tpu.memory_space<vmem>>, %arg4: memref<256x256xf32, #tpu.memory_space<vmem>>, %arg5: memref<128x256xf32, #tpu.memory_space<vmem>>, %arg6: memref<128x256xf32, #tpu.memory_space<vmem>>, %arg7: memref<1x256xf32, #tpu.memory_space<vmem>>, %arg8: memref<256x256xf32, #tpu.memory_space<vmem>>, %arg9: memref<1x256xf32, #tpu.memory_space<vmem>>, %arg10: memref<1x256xf32, #tpu.memory_space<vmem>>, %arg11: memref<1x256xf32, #tpu.memory_space<vmem>>, %arg12: memref<1000x256xf32, #tpu.memory_space<vmem>>) attributes {dimension_semantics = [#tpu.dimension_semantics<arbitrary>], iteration_bounds = array<i64: 10>, scalar_prefetch = 0 : i64, scratch_operands = 0 : i64, tpu.core_type = #tpu.core_type<tc>, window_params = [{transform_indices = @transform_0, window_bounds = array<i64: 1000, 256>}, {transform_indices = @transform_1, window_bounds = array<i64: 1000, 128>}, {transform_indices = @transform_2, window_bounds = array<i64: 1000, 128>}, {pipeline_mode = #tpu.pipeline_mode<synchronous>, transform_indices = @transform_3, window_bounds = array<i64: 256, 256>}, {pipeline_mode = #tpu.pipeline_mode<synchronous>, transform_indices = @transform_4, window_bounds = array<i64: 128, 256>}, {pipeline_mode = #tpu.pipeline_mode<synchronous>, transform_indices = @transform_5, window_bounds = array<i64: 128, 256>}, {pipeline_mode = #tpu.pipeline_mode<synchronous>, transform_indices = @transform_6, window_bounds = array<i64: 1, 256>}, {pipeline_mode = #tpu.pipeline_mode<synchronous>, transform_indices = @transform_7, window_bounds = array<i64: 256, 256>}, {pipeline_mode = #tpu.pipeline_mode<synchronous>, transform_indices = @transform_8, window_bounds = array<i64: 1, 256>}, {pipeline_mode = #tpu.pipeline_mode<synchronous>, transform_indices = @transform_9, window_bounds = array<i64: 1, 256>}, {pipeline_mode = #tpu.pipeline_mode<synchronous>, transform_indices = @transform_10, window_bounds = array<i64: 1, 256>}, {transform_indices = @transform_11, window_bounds = array<i64: 1000, 256>}]} {
    %get3A = arith.constant 0 : index
    %get3A_0 = arith.constant 0 : index
    %get3A_1 = vector.load %arg1[%get3A, %get3A_0] : memref<1000x256xf32, #tpu.memory_space<vmem>>, vector<1000x256xf32>
    %get3A_2 = arith.constant 0 : index
    %get3A_3 = arith.constant 0 : index
    %get3A_4 = vector.load %arg4[%get3A_2, %get3A_3] : memref<256x256xf32, #tpu.memory_space<vmem>>, vector<256x256xf32>
    %dot_general3A = arith.constant dense<0.000000e+00> : vector<1000x256xf32>
    %dot_general3A_5 = tpu.matmul %get3A_1, %get3A_4, %dot_general3A {dimension_numbers = #tpu.dot_dimension_numbers<[1], [0], [0], [1], [0, 0, 1, 1], [], []>, transpose_lhs_hint = false} : vector<1000x256xf32>, vector<256x256xf32>, vector<1000x256xf32> -> vector<1000x256xf32>
    %get3A_6 = arith.constant 0 : index
    %get3A_7 = arith.constant 0 : index
    %get3A_8 = vector.load %arg2[%get3A_6, %get3A_7] : memref<1000x128xf32, #tpu.memory_space<vmem>>, vector<1000x128xf32>
    %get3A_9 = arith.constant 0 : index
    %get3A_10 = arith.constant 0 : index
    %get3A_11 = vector.load %arg5[%get3A_9, %get3A_10] : memref<128x256xf32, #tpu.memory_space<vmem>>, vector<128x256xf32>
    %dot_general3A_12 = arith.constant dense<0.000000e+00> : vector<1000x256xf32>
    %dot_general3A_13 = tpu.matmul %get3A_8, %get3A_11, %dot_general3A_12 {dimension_numbers = #tpu.dot_dimension_numbers<[1], [0], [0], [1], [0, 0, 1, 1], [], []>, transpose_lhs_hint = false} : vector<1000x128xf32>, vector<128x256xf32>, vector<1000x256xf32> -> vector<1000x256xf32>
    %add3A = arith.addf %dot_general3A_5, %dot_general3A_13 : vector<1000x256xf32>
    %get3A_14 = arith.constant 0 : index
    %get3A_15 = arith.constant 0 : index
    %get3A_16 = vector.load %arg3[%get3A_14, %get3A_15] : memref<1000x128xf32, #tpu.memory_space<vmem>>, vector<1000x128xf32>
    %get3A_17 = arith.constant 0 : index
    %get3A_18 = arith.constant 0 : index
    %get3A_19 = vector.load %arg6[%get3A_17, %get3A_18] : memref<128x256xf32, #tpu.memory_space<vmem>>, vector<128x256xf32>
    %dot_general3A_20 = arith.constant dense<0.000000e+00> : vector<1000x256xf32>
    %dot_general3A_21 = tpu.matmul %get3A_16, %get3A_19, %dot_general3A_20 {dimension_numbers = #tpu.dot_dimension_numbers<[1], [0], [0], [1], [0, 0, 1, 1], [], []>, transpose_lhs_hint = false} : vector<1000x128xf32>, vector<128x256xf32>, vector<1000x256xf32> -> vector<1000x256xf32>
    %add3A_22 = arith.addf %add3A, %dot_general3A_21 : vector<1000x256xf32>
    %get3A_23 = arith.constant 0 : index
    %get3A_24 = arith.constant 0 : index
    %get3A_25 = vector.load %arg7[%get3A_23, %get3A_24] : memref<1x256xf32, #tpu.memory_space<vmem>>, vector<1x256xf32>
    %add3A_26 = vector.broadcast %get3A_25 : vector<1x256xf32> to vector<1000x256xf32>
    %add3A_27 = arith.addf %add3A_22, %add3A_26 : vector<1000x256xf32>
    %neg3A = arith.constant 0.000000e+00 : f32
    %neg3A_28 = vector.broadcast %neg3A : f32 to vector<1000x256xf32>
    %neg3A_29 = arith.subf %neg3A_28, %add3A_27 : vector<1000x256xf32>
    %exp3A = math.exp %neg3A_29 : vector<1000x256xf32>
    %add3A_30 = arith.constant 1.000000e+00 : f32
    %add3A_31 = vector.broadcast %add3A_30 : f32 to vector<1000x256xf32>
    %add3A_32 = arith.addf %add3A_31, %exp3A : vector<1000x256xf32>
    %div3A = arith.constant 1.000000e+00 : f32
    %div3A_33 = vector.broadcast %div3A : f32 to vector<1000x256xf32>
    %div3A_34 = arith.divf %div3A_33, %add3A_32 : vector<1000x256xf32>
    %mul3A = arith.mulf %add3A_27, %div3A_34 : vector<1000x256xf32>
    %get3A_35 = arith.constant 0 : index
    %get3A_36 = arith.constant 0 : index
    %get3A_37 = vector.load %arg8[%get3A_35, %get3A_36] : memref<256x256xf32, #tpu.memory_space<vmem>>, vector<256x256xf32>
    %dot_general3A_38 = arith.constant dense<0.000000e+00> : vector<1000x256xf32>
    %dot_general3A_39 = tpu.matmul %mul3A, %get3A_37, %dot_general3A_38 {dimension_numbers = #tpu.dot_dimension_numbers<[1], [0], [0], [1], [0, 0, 1, 1], [], []>, transpose_lhs_hint = false} : vector<1000x256xf32>, vector<256x256xf32>, vector<1000x256xf32> -> vector<1000x256xf32>
    %get3A_40 = arith.constant 0 : index
    %get3A_41 = arith.constant 0 : index
    %get3A_42 = vector.load %arg9[%get3A_40, %get3A_41] : memref<1x256xf32, #tpu.memory_space<vmem>>, vector<1x256xf32>
    %add3A_43 = vector.broadcast %get3A_42 : vector<1x256xf32> to vector<1000x256xf32>
    %add3A_44 = arith.addf %dot_general3A_39, %add3A_43 : vector<1000x256xf32>
    %add3A_45 = arith.addf %get3A_1, %add3A_44 : vector<1000x256xf32>
    %reduce_sum3A = arith.constant dense<0.000000e+00> : vector<1000xf32>
    %reduce_sum3A_46 = vector.multi_reduction <add>, %add3A_45, %reduce_sum3A [1] : vector<1000x256xf32> to vector<1000xf32>
    %broadcast_in_dim3A = vector.shape_cast %reduce_sum3A_46 : vector<1000xf32> to vector<1000x1xf32>
    %div3A_47 = arith.constant 2.560000e+02 : f32
    %div3A_48 = vector.broadcast %div3A_47 : f32 to vector<1000x1xf32>
    %div3A_49 = arith.divf %broadcast_in_dim3A, %div3A_48 : vector<1000x1xf32>
    %sub3A = vector.broadcast %div3A_49 : vector<1000x1xf32> to vector<1000x256xf32>
    %sub3A_50 = arith.subf %add3A_45, %sub3A : vector<1000x256xf32>
    %mul3A_51 = arith.mulf %sub3A_50, %sub3A_50 : vector<1000x256xf32>
    %reduce_sum3A_52 = arith.constant dense<0.000000e+00> : vector<1000xf32>
    %reduce_sum3A_53 = vector.multi_reduction <add>, %mul3A_51, %reduce_sum3A_52 [1] : vector<1000x256xf32> to vector<1000xf32>
    %broadcast_in_dim3A_54 = vector.shape_cast %reduce_sum3A_53 : vector<1000xf32> to vector<1000x1xf32>
    %div3A_55 = arith.constant 2.560000e+02 : f32
    %div3A_56 = vector.broadcast %div3A_55 : f32 to vector<1000x1xf32>
    %div3A_57 = arith.divf %broadcast_in_dim3A_54, %div3A_56 : vector<1000x1xf32>
    %add3A_58 = arith.constant 9.99999974E-6 : f32
    %add3A_59 = vector.broadcast %add3A_58 : f32 to vector<1000x1xf32>
    %add3A_60 = arith.addf %div3A_57, %add3A_59 : vector<1000x1xf32>
    %rsqrt3A = math.rsqrt %add3A_60 : vector<1000x1xf32>
    %mul3A_61 = vector.broadcast %rsqrt3A : vector<1000x1xf32> to vector<1000x256xf32>
    %mul3A_62 = arith.mulf %sub3A_50, %mul3A_61 : vector<1000x256xf32>
    %get3A_63 = arith.constant 0 : index
    %get3A_64 = arith.constant 0 : index
    %get3A_65 = vector.load %arg10[%get3A_63, %get3A_64] : memref<1x256xf32, #tpu.memory_space<vmem>>, vector<1x256xf32>
    %mul3A_66 = vector.broadcast %get3A_65 : vector<1x256xf32> to vector<1000x256xf32>
    %mul3A_67 = arith.mulf %mul3A_62, %mul3A_66 : vector<1000x256xf32>
    %get3A_68 = arith.constant 0 : index
    %get3A_69 = arith.constant 0 : index
    %get3A_70 = vector.load %arg11[%get3A_68, %get3A_69] : memref<1x256xf32, #tpu.memory_space<vmem>>, vector<1x256xf32>
    %add3A_71 = vector.broadcast %get3A_70 : vector<1x256xf32> to vector<1000x256xf32>
    %add3A_72 = arith.addf %mul3A_67, %add3A_71 : vector<1000x256xf32>
    %swap3A = arith.constant 0 : index
    %swap3A_73 = arith.constant 0 : index
    %swap3A_74 = vector.load %arg12[%swap3A, %swap3A_73] : memref<1000x256xf32, #tpu.memory_space<vmem>>, vector<1000x256xf32>
    tpu.vector_store %arg12[%swap3A, %swap3A_73], %add3A_72 {strides = array<i32>} : memref<1000x256xf32, #tpu.memory_space<vmem>>, vector<1000x256xf32>,
    return
  }
  func.func @transform_0(%arg0: i32) -> (i32, i32) {
    %c0_i32 = arith.constant 0 : i32
    %c0_i32_0 = arith.constant 0 : i32
    return %arg0, %c0_i32 : i32, i32
  }
  func.func @transform_1(%arg0: i32) -> (i32, i32) {
    %c0_i32 = arith.constant 0 : i32
    %c0_i32_0 = arith.constant 0 : i32
    return %arg0, %c0_i32 : i32, i32
  }
  func.func @transform_2(%arg0: i32) -> (i32, i32) {
    %c0_i32 = arith.constant 0 : i32
    %c0_i32_0 = arith.constant 0 : i32
    return %arg0, %c0_i32 : i32, i32
  }
  func.func @transform_3(%arg0: i32) -> (i32, i32) {
    %c0_i32 = arith.constant 0 : i32
    %c0_i32_0 = arith.constant 0 : i32
    %c0_i32_1 = arith.constant 0 : i32
    return %c0_i32, %c0_i32_0 : i32, i32
  }
  func.func @transform_4(%arg0: i32) -> (i32, i32) {
    %c0_i32 = arith.constant 0 : i32
    %c0_i32_0 = arith.constant 0 : i32
    %c0_i32_1 = arith.constant 0 : i32
    return %c0_i32, %c0_i32_0 : i32, i32
  }
  func.func @transform_5(%arg0: i32) -> (i32, i32) {
    %c0_i32 = arith.constant 0 : i32
    %c0_i32_0 = arith.constant 0 : i32
    %c0_i32_1 = arith.constant 0 : i32
    return %c0_i32, %c0_i32_0 : i32, i32
  }
  func.func @transform_6(%arg0: i32) -> (i32, i32) {
    %c0_i32 = arith.constant 0 : i32
    %c0_i32_0 = arith.constant 0 : i32
    %c0_i32_1 = arith.constant 0 : i32
    return %c0_i32, %c0_i32_0 : i32, i32
  }
  func.func @transform_7(%arg0: i32) -> (i32, i32) {
    %c0_i32 = arith.constant 0 : i32
    %c0_i32_0 = arith.constant 0 : i32
    %c0_i32_1 = arith.constant 0 : i32
    return %c0_i32, %c0_i32_0 : i32, i32
  }
  func.func @transform_8(%arg0: i32) -> (i32, i32) {
    %c0_i32 = arith.constant 0 : i32
    %c0_i32_0 = arith.constant 0 : i32
    %c0_i32_1 = arith.constant 0 : i32
    return %c0_i32, %c0_i32_0 : i32, i32
  }
  func.func @transform_9(%arg0: i32) -> (i32, i32) {
    %c0_i32 = arith.constant 0 : i32
    %c0_i32_0 = arith.constant 0 : i32
    %c0_i32_1 = arith.constant 0 : i32
    return %c0_i32, %c0_i32_0 : i32, i32
  }
  func.func @transform_10(%arg0: i32) -> (i32, i32) {
    %c0_i32 = arith.constant 0 : i32
    %c0_i32_0 = arith.constant 0 : i32
    %c0_i32_1 = arith.constant 0 : i32
    return %c0_i32, %c0_i32_0 : i32, i32
  }
  func.func @transform_11(%arg0: i32) -> (i32, i32) {
    %c0_i32 = arith.constant 0 : i32
    %c0_i32_0 = arith.constant 0 : i32
    return %arg0, %c0_i32 : i32, i32
  }
}

</mosaic_0001>

<sc_bundles>
// kernel: kernel.6.cloned.1.call-start
scs
__scs_entry_jumppad:
0x0: {  	(pc) =	sbr.rel $0x88, $3  }
0x1: {  	(tag) =	ssettag $0x0;
	lr =	simm.s32 $0x1  }
0x2: {  	[smem:$0x3F90] =	sst lr;
	_ =	strace $0xD0000000  }
0x3: {  	_ = 	snop  }
0x4: {  	_ = 	snop  }
0x5: {  	_ = 	snop  }
0x6: {  	_ = 	snop  }
0x7: {  	_ = 	snop  }
__scs_overlays_trampoline_lowered:
0x8: {  	[smem:$0x3F9F] =	sst s0  }
0x9: {  	[smem:$0x3FA0] =	sst s1  }
0xa: {  	[smem:$0x3FA1] =	sst s2  }
0xb: {  	[smem:$0x3FA2] =	sst s3  }
0xc: {  	[smem:$0x3FA3] =	sst s4  }
0xd: {  	[smem:$0x3FA4] =	sst s5  }
0xe: {  	[smem:$0x3FA5] =	sst s6  }
0xf: {  	[smem:$0x3FA6] =	sst s7  }
0x10: {  	[smem:$0x3FA7] =	sst s8  }
0x11: {  	[smem:$0x3FA8] =	sst s9;
	s0 =	simm.s32 @!p0 $0x0  }
0x12: {  	s1 =	sld [smem:$0x3F8E];
	s0 =	simm.s32 @p0 $0x1  }
0x13: {  	[smem:$0x3FA9] =	sst s0;
	s0 =	simm.s32 @!p1 $0x0  }
0x14: {  	s2 =	sld [smem:$0x3F8D];
	s0 =	simm.s32 @p1 $0x1  }
0x15: {  	[smem:$0x3FAA] =	sst s0;
	s0 =	simm.s32 @!p2 $0x0  }
0x16: {  	s3 =	sld [smem:$0x3FDB];
	s0 =	simm.s32 @p2 $0x1  }
0x17: {  	s4 =	simm.s32 $0x1BF5;
	[smem:$0x3FAC] =	sst s0  }
0x18: {  	s0 =	sld [smem:$0x3F8F];
	_ =	swait.ge [sflag:s4], $0x0  }
0x19: {  	s7 =	sld [smem:$0x3F90]  }
0x1a: {  	s8 =	sadd.s32 $0xFFFFE003, lr  }
0x1b: {  	s9 =	sadd.s32 $0xFFFFFEF7, lr;
	s5 =	simm.s32 $0xFFFFFFFF;
	p2 =	slt.u32 s8, $0xFFFFF086  }
0x1c: {  	p1 =	slt.u32 s9, $0xF7A;
	s5 =	simm.s32 @!p2 $0x0  }
0x1d: {  	s5 =	simm.s32 @p1 $0x1;
	p0 =	seq.s32 s7, s2  }
0x1e: {  	s7 =	smul.u32 @!p0 $0xF7A, s2;
	p2 =	seq.s32 @!p0 s5, $0x0  }
0x1f: {  	s9 =	smul.u32 $0xF7A, s1;
	s8 =	simm.s32 @!p0 $0x1BF5;
	p2 =	por !p2, p0  }
0x20: {  	[sflag:s8] =	ssyncset.s32 @!p0 $0xFFFFF086;
	s6 =	sadd.s32 @!p0 s3, s7;
	s7 =	simm.s32 @!p0 $0x108  }
0x21: {  	s3 =	sadd.s32 s3, s9;
	s6 =	sadd.s32 @!p0 $0x88, s6;
	s7 =	simm.s32 @p2 $0x1082  }
0x22: {  	[simem:s7], [sflag:s8] =	dma.local @!p0 [hbm:s6], $0xF7A  }
0x23: {  	s9 =	sor.u32 $0xD0000000, s2;
	s6 =	simm.s32 $0x108;
	_ =	swait.ge @!p0 [sflag:s8], $0x0  }
0x24: {  	s3 =	sadd.s32 $0x88, s3;
	s6 =	simm.s32 @!p1 $0x1082;
	[sflag:s4] =	ssyncset.s32 $0xFFFFF086  }
0x25: {  	[simem:s6], [sflag:s4] =	dma.local [hbm:s3], $0xF7A  }
0x26: {  	[smem:$0x3F90] =	sst s1;
	(tag) =	ssettag s2;
	_ =	strace s9  }
0x27: {  	s1 =	sld [smem:$0x3FA0]  }
0x28: {  	s2 =	sld [smem:$0x3FA1]  }
0x29: {  	s4 =	sld [smem:$0x3FA3]  }
0x2a: {  	p0 =	seq.s32 s5, $0x0;
	s5 =	sld [smem:$0x3FA4]  }
0x2b: {  	s6 =	sld [smem:$0x3FA5]  }
0x2c: {  	s7 =	sld [smem:$0x3FA6]  }
0x2d: {  	s3 =	simm.s32 $0x108;
	s8 =	sld [smem:$0x3FA7]  }
0x2e: {  	s3 =	simm.s32 @!p0 $0x1082;
	s9 =	sld [smem:$0x3FA8]  }
0x2f: {  	lr =	sadd.s32 s0, s3;
	s0 =	sld [smem:$0x3F9F]  }
0x30: {  	s3 =	sld [smem:$0x3FA2]  }
0x31: {  	[smem:$0x3FAB] =	sst s10  }
0x32: {  	s10 =	sld [smem:$0x3FA9];
	_ =	sdelay $0x3  }
0x33: {  	p0 =	seq.s32 s10, $0x1;
	s10 =	sld [smem:$0x3FAB];
	_ =	sdelay $0x3  }
0x34: {  	[smem:$0x3FAB] =	sst s10  }
0x35: {  	s10 =	sld [smem:$0x3FAA];
	_ =	sdelay $0x3  }
0x36: {  	p1 =	seq.s32 s10, $0x1;
	s10 =	sld [smem:$0x3FAB];
	_ =	sdelay $0x3  }
0x37: {  	[smem:$0x3FAB] =	sst s10  }
0x38: {  	s10 =	sld [smem:$0x3FAC]  }
0x39: {  	_ = 	snop;
	(pc) =	sbr.ind lr, $3  }
0x3a: {  	_ = 	snop  }
0x3b: {  	_ = 	snop  }
0x3c: {  	p2 =	seq.s32 s10, $0x1;
	s10 =	sld [smem:$0x3FAB]  }
0x3d: {  	_ =	shalt  }
0x3e: {  	_ =	shalt  }
0x3f: {  	_ =	shalt  }
0x40: {  	_ =	shalt  }
0x41: {  	_ =	shalt  }
0x42: {  	_ =	shalt  }
0x43: {  	_ =	shalt  }
0x44: {  	_ =	shalt  }
0x45: {  	_ =	shalt  }
0x46: {  	_ =	shalt  }
0x47: {  	_ =	shalt  }
0x48: {  	_ =	shalt  }
0x49: {  	_ =	shalt  }
0x4a: {  	_ =	shalt  }
0x4b: {  	_ =	shalt  }
0x4c: {  	_ =	shalt  }
0x4d: {  	_ =	shalt  }
0x4e: {  	_ =	shalt  }
0x4f: {  	_ =	shalt  }
0x50: {  	_ =	shalt  }
0x51: {  	_ =	shalt  }
0x52: {  	_ =	shalt  }
0x53: {  	_ =	shalt  }
0x54: {  	_ =	shalt  }
0x55: {  	_ =	shalt  }
0x56: {  	_ =	shalt  }
0x57: {  	_ =	shalt  }
0x58: {  	_ =	shalt  }
0x59: {  	_ =	shalt  }
0x5a: {  	_ =	shalt  }
0x5b: {  	_ =	shalt  }
0x5c: {  	_ =	shalt  }
0x5d: {  	_ =	shalt  }
0x5e: {  	_ =	shalt  }
0x5f: {  	_ =	shalt  }
0x60: {  	_ =	shalt  }
0x61: {  	_ =	shalt  }
0x62: {  	_ =	shalt  }
0x63: {  	_ =	shalt  }
0x64: {  	_ =	shalt  }
0x65: {  	_ =	shalt  }
0x66: {  	_ =	shalt  }
0x67: {  	_ =	shalt  }
0x68: {  	_ =	shalt  }
0x69: {  	_ =	shalt  }
0x6a: {  	_ =	shalt  }
0x6b: {  	_ =	shalt  }
0x6c: {  	_ =	shalt  }
0x6d: {  	_ =	shalt  }
0x6e: {  	_ =	shalt  }
0x6f: {  	_ =	shalt  }
0x70: {  	_ =	shalt  }
0x71: {  	_ =	shalt  }
0x72: {  	_ =	shalt  }
0x73: {  	_ =	shalt  }
0x74: {  	_ =	shalt  }
0x75: {  	_ =	shalt  }
0x76: {  	_ =	shalt  }
0x77: {  	_ =	shalt  }
0x78: {  	_ =	shalt  }
0x79: {  	_ =	shalt  }
0x7a: {  	_ =	shalt  }
0x7b: {  	_ =	shalt  }
0x7c: {  	_ =	shalt  }
0x7d: {  	_ =	shalt  }
0x7e: {  	_ =	shalt  }
0x7f: {  	_ =	shalt  }
0x80: {  	_ =	shalt  }
0x81: {  	_ =	shalt  }
0x82: {  	_ =	shalt  }
0x83: {  	_ =	shalt  }
0x84: {  	_ =	shalt  }
0x85: {  	_ =	shalt  }
0x86: {  	_ =	shalt  }
0x87: {  	_ =	shalt  }
.Lfunc_end0:
.L_simem_size_0:
called_computation_lowered:
.L_overlay_start_0:
0x88: {  	s2 =	sld [smem:$0x3FD9]  }
0x89: {  	s3 =	sld [smem:$0x3FFE];
	_ =	sdelay $0x1  }
0x8a: {  	s1 =	srdreg.scid  }
0x8b: {  	s0 =	sand.u32 $0x1, s1  }
0x8c: {  	s17 =	sshll.u32 s0, $0xA;
	s2 =	sadd.s32 s3, s2  }
0x8d: {  	s2 =	sadd.s32 s2, s17  }
0x8e: {  	[smem:$0x3FB7] =	sst s2  }
0x8f: {  	_ = 	snop  }
0x90: {  	s2 =	sld [smem:$0x3FD0];
	(tm) =	ssettm $0x1  }
0x91: {  	s18 =	sld [smem:$0x3FFB];
	_ =	sdelay $0x3  }
0x92: {  	_ =	strace s18  }
0x93: {  	s3 =	sld [smem:$0x3FFC];
	_ =	sdelay $0x3  }
0x94: {  	_ =	strace s3  }
0x95: {  	s3 =	sld [smem:$0x3FFD];
	_ =	sdelay $0x3  }
0x96: {  	_ =	strace s3  }
0x97: {  	_ =	strace $0x8FFFFFFF  }
0x98: {  	s19 =	sld [smem:$0x3FDB];
	_ =	sdelay $0x1  }
0x99: {  	s4 =	simm.s32 $_scs_section_size  }
0x9a: {  	s5 =	simm.s32 $_size__tile_overlayer_lowered;
	s6 =	simm.s32 $_tile_overlayer_lowered  }
0x9b: {  	s22 =	simm.s32 $0x1BFF;
	s21 =	sshll.u32 s6, $0x1;
	s3 =	sadd.s32 s4, s19  }
0x9c: {  	s7 =	simm.s32 $0x0;
	s20 =	sshll.u32 s5, $0x1;
	s5 =	sadd.s32 s21, s3  }
0x9d: {  	[timem:s7], [sflag:s22] =	dma.local [hbm:s5], s20  }
0x9e: {  	_ =	swait.ge [sflag:s22], s20  }
0x9f: {  	s4 =	ssub.s32 $0x0, s20;
	[sflag:s22] =	ssyncset.done $0x0  }
0xa0: {  	[sflag:s22] =	ssyncadd.s32 s4;
	_ =	sdelay $0x1  }
0xa1: {  	s23 =	simm.s32 $0x1B8B  }
0xa2: {  	_ =	swait.ge [sflag:s23], $0x1  }
0xa3: {  	[sflag:s23] =	ssyncset.done $0x0  }
0xa4: {  	s25 =	simm.s32 $0x1B8E;
	s24 =	sld [smem:$0x3FFE];
	[sflag:s23] =	ssyncadd.s32 $0xFFFFFFFF  }
0xa5: {  	s26 =	simm.s32 $execute0_lowered;
	[smem:$0x3FD2] =	sst s25  }
0xa6: {  	s5 =	sshll.u32 s26, $0x1;
	_ =	strace $0x80000046;
	[dreg:$0x1] =	wrdreg $0xFFFFFFFF  }
0xa7: {  	s28 =	simm.s32 $_size_execute0_lowered;
	s3 =	sadd.s32 s3, s5;
	[dreg:$0x0] =	wrdreg $0x0  }
0xa8: {  	s5 =	sshll.u32 s28, $0x1;
	[dreg:$0x2] =	wrdreg s3  }
0xa9: {  	[dreg:$0x3] =	wrdreg s5  }
0xaa: {  	[dreg:$0x4] =	wrdreg $0xC0  }
0xab: {  	_ =	task [dreg:s7], $0x5FFFF  }
0xac: {  	[dreg:$0x1] =	wrdreg $0xFFFFFFFF  }
0xad: {  	[dreg:$0x0] =	wrdreg $0x60  }
0xae: {  	[dreg:$0x2] =	wrdreg s24  }
0xaf: {  	[dreg:$0x3] =	wrdreg s2  }
0xb0: {  	[dreg:$0x4] =	wrdreg $0xB0000  }
0xb1: {  	[dreg:$0x5] =	wrdreg $0x9  }
0xb2: {  	_ =	task.clear_ibuf [dreg:s7], $0x6FFFF;
	_ =	strace $0x90000046  }
0xb3: {  	s29 =	simm.s32 $0x9;
	_ =	strace $0x80000048  }
0xb4: {  	_ =	swait.ge [sflag:s29], $0x1  }
0xb5: {  	[sflag:s29] =	ssyncadd.s32 $0xFFFFFFFF  }
0xb6: {  	_ =	strace $0x90000048  }
0xb7: {  	_ =	sfence  }
0xb8: {  	s30 =	sld [smem:$0x0];
	_ =	sdelay $0x2  }
0xb9: {  	s31 =	sshll.u32 s1, $0xD;
	s1 =	sshrl.u32 s1, $0x2  }
0xba: {  	s3 =	sand.u32 $0x4000, s31;
	s1 =	sadd.s32 s1, s30  }
0xbb: {  	s0 =	sor.u32 s3, s0;
	s1 =	sshll.u32 s1, $0x11  }
0xbc: {  	s0 =	sor.u32 s1, s0  }
0xbd: {  	s0 =	sadd.s32 $0x8F2B, s0  }
0xbe: {  	[sflag:s0] =	ssyncadd.remote.s32 $0x1  }
0xbf: {  	_ =	sfence.sel $0xFFFF  }
0xc0: {  	[dreg:$0x0] =	wrdreg $0xFFFFFFFF;
	(pc) =	sbr.abs _section_cstart, $3  }
0xc1: {  	[dreg:$0x1] =	wrdreg $0xFFFFFFFF  }
0xc2: {  	_ =	task.clear_ibuf [dreg:s7], $0x2FFFF;
	_ =	strace $0x9FFFFFFF  }
0xc3: {  	(tm) =	ssettm $0x7FFFFFFF  }
tec
execute0_lowered:
.L_overlay_start_1:
0x0: {  	(tag) =	ssettag $0x1  }
0x1: {  	s0 =	rddreg [dreg:$0x0]  }
0x2: {  	s7 =	rddreg [dreg:$0x1]  }
0x3: {  	s8 =	rddreg [dreg:$0x2]  }
0x4: {  	s1 =	simm.s32 $0x0;
	s9 =	stileid.u32;
	s14 =	srdreg.scid  }
0x5: {  	[smem:$0x7FF] =	sst s1;
	s15 =	smul.u32 $0x13C00, s9  }
0x6: {  	s13 =	sadd.s32 $0x17E00, s0;
	s2 =	sadd.s32 $0x597E00, s0;
	s5 =	smul.u32 $0x4F000, s9  }
0x7: {  	s1 =	sand.u32 $0x1, s14;
	s3 =	sadd.s32 $0x548E00, s0;
	s6 =	smul.u32 $0xA000, s9  }
0x8: {  	s21 =	smul.u32 $0x2800, s9;
	_ =	strace $0x80000047;
	[dreg:$0x4] =	wrdreg s13  }
0x9: {  	s10 =	sadd.s32 $0x66E00, s0;
	s30 =	smul.u32 $0x28, s9;
	[dreg:$0x5] =	wrdreg s2  }
0xa: {  	s11 =	sadd.s32 $0x3E00, s0;
	[dreg:$0x6] =	wrdreg s3;
	s16 =	smul.u32 $0x13C000, s1  }
0xb: {  	s23 =	sshll.u32 s9, $0x6;
	s12 =	smul.u32 $0xA0000, s1;
	[dreg:$0x8] =	wrdreg s11  }
0xc: {  	s17 =	ssub.s32 $0x2, s1;
	s13 =	smul.u32 $0x27100, s1;
	[dreg:$0x7] =	wrdreg s10  }
0xd: {  	s4 =	sshrl.u32 s15, $0x3;
	s18 =	sshrl.u32 s17, $0x1;
	[dreg:$0xb] =	wrdreg s21  }
0xe: {  	s20 =	sshrl.u32 s5, $0x2;
	s26 =	sshrl.u32 s6, $0x3;
	[dreg:$0x11] =	wrdreg s30  }
0xf: {  	s4 =	sadd.s32 s4, s0;
	s2 =	sadd.s32 s15, s16;
	[dreg:$0x9] =	wrdreg s12  }
0x10: {  	s19 =	ssub.s32 s17, s18;
	s24 =	sadd.s32 s6, s12;
	[dreg:$0xa] =	wrdreg s13  }
0x11: {  	s25 =	sadd.s32 s13, s21;
	s28 =	sadd.s32 s11, s26;
	s26 =	simm.s32 $0x2  }
0x12: {  	s2 =	sshrl.u32 s2, $0x3;
	s22 =	sadd.s32 $0x5E6E00, s4;
	[dreg:$0xf] =	wrdreg s28  }
0x13: {  	s3 =	sshrl.u32 s24, $0x3;
	s31 =	smax.u32 s19, $0x1;
	[dreg:$0xc] =	wrdreg s22  }
0x14: {  	s4 =	sshll.u32 s25, $0x4;
	s3 =	sadd.s32 s7, s3;
	[dreg:$0x13] =	wrdreg s31  }
0x15: {  	s0 =	sadd.s32 s2, s0;
	s29 =	sadd.s32 s10, s4;
	[dreg:$0xe] =	wrdreg s3  }
0x16: {  	s2 =	sadd.s32 s20, s8;
	s8 =	sor.u32 $0x1C04, s23;
	[dreg:$0x10] =	wrdreg s29  }
0x17: {  	s4 =	simm.s32 $0x20;
	s0 =	sadd.s32 $0x60E600, s0;
	[dreg:$0xd] =	wrdreg s8  }
0x18: {  	s23 =	simm.s32 $0x1;
	s1 =	sshrl.u32 s2, $0x3;
	[dreg:$0x12] =	wrdreg s0  }
0x19: {  	s2 =	simm.s32 $0x4;
	s3 =	simm.s32 $0x0;
	[dreg:$0x14] =	wrdreg s1  }
.LBB2_1:
0x1a: {  	[dreg:$0x15] =	wrdreg s3  }
0x1b: {  	s0 =	rddreg [dreg:$0xc]  }
0x1c: {  	[spmem:s1], [sflag:s8] =	dma.local [hbm:s0], $0x2780  }
0x1d: {  	_ =	swait.ge [sflag:s2], $0x2780  }
0x1e: {  	[sflag:s2] =	ssyncset.done $0x0  }
0x1f: {  	s17 =	simm.s32 $0x0;
	s18 =	rddreg [dreg:$0xe];
	[sflag:s2] =	ssyncadd.s32 $0xFFFFD880  }
0x20: {  	[tilespmem:s17], [sflag:$0x4] =	stream.linear.gather [hbm4b:s18+s17], $0x400, $0x38;
	[tilespmem:$0x1EC00] =	vst v63  }
0x21: {  	_ =	swait.ge [sflag:s2], $0x400  }
0x22: {  	[sflag:s2] =	ssyncset.done $0x0  }
0x23: {  	s20 =	simm.s32 $0x400;
	s19 =	rddreg [dreg:$0xf];
	[sflag:s2] =	ssyncadd.s32 $0xFFFFFC00  }
0x24: {  	[tilespmem:s20], [sflag:$0x4] =	stream.linear.gather [hbm4b:s19+s17], $0x400, $0x38;
	[tilespmem:$0x1EC00] =	vst v63  }
0x25: {  	_ =	swait.ge [sflag:s2], $0x400  }
0x26: {  	[sflag:s2] =	ssyncset.done $0x0  }
0x27: {  	s22 =	simm.s32 $0x1000;
	s21 =	rddreg [dreg:$0x4];
	[sflag:s2] =	ssyncadd.s32 $0xFFFFFC00  }
0x28: {  	[tilespmem:s22], [sflag:$0x1] =	stream.indirect.gather [hbm4b:s21+s4], $0x80, s17, s4, $0xb8;
	[tilespmem:$0x1EC00] =	vst v63  }
0x29: {  	s25 =	simm.s32 $0x2000;
	s24 =	rddreg [dreg:$0x5]  }
0x2a: {  	[tilespmem:s25], [sflag:$0x1] =	stream.indirect.gather [hbm4b:s24+s4], $0x80, s17, s4, $0xb8;
	[tilespmem:$0x1EC00] =	vst v63  }
0x2b: {  	s29 =	simm.s32 $0x3000;
	s28 =	rddreg [dreg:$0x6]  }
0x2c: {  	[tilespmem:s29], [sflag:$0x1] =	stream.indirect.gather [hbm4b:s28+s4], $0x80, s4, s4, $0xb8;
	[tilespmem:$0x1EC00] =	vst v63  }
0x2d: {  	s31 =	simm.s32 $0x4000;
	s15 =	simm.s32 $0x0;
	s30 =	rddreg [dreg:$0x10]  }
0x2e: {  	[tilespmem:s31], [sflag:$0x1] =	stream.linear.gather [hbm4b:s30+s17], $0x1000, $0x38;
	[tilespmem:$0x1EC00] =	vst v63  }
.LBB2_2:
0x2f: {  	s10 =	rddreg [dreg:$0xb]  }
0x30: {  	s11 =	rddreg [dreg:$0x4]  }
0x31: {  	s0 =	sshllo.u32 s15, $0x1;
	s1 =	sshll.u32 s15, $0x9;
	s13 =	rddreg [dreg:$0xa]  }
0x32: {  	s12 =	simm.s32 $0x5000;
	s14 =	rddreg [dreg:$0x5];
	s16 =	simm.s32 $0x6000  }
0x33: {  	s17 =	rddreg [dreg:$0x6];
	s2 =	sshll.u32 s0, $0x7;
	s0 =	sshll.u32 s0, $0x5  }
0x34: {  	s1 =	sand.u32 $0x800, s1;
	s3 =	sand.u32 $0x380, s2;
	s0 =	sadd.s32 s10, s0  }
0x35: {  	s18 =	simm.s32 $0x7000;
	s0 =	smin.u32 s0, $0x270E0;
	s1 =	sor.u32 s3, s1  }
0x36: {  	[tilespmem:s12], [sflag:$0x2] =	stream.indirect.gather [hbm4b:s11+s4], $0x80, s1, s4, $0xb8;
	[tilespmem:$0x1EC00] =	vst v63  }
0x37: {  	s19 =	rddreg [dreg:$0x7];
	s20 =	simm.s32 $0x0;
	s0 =	sadd.s32 s13, s0  }
0x38: {  	[tilespmem:s16], [sflag:$0x2] =	stream.indirect.gather [hbm4b:s14+s4], $0x80, s1, s4, $0xb8;
	[tilespmem:$0x1EC00] =	vst v63  }
0x39: {  	s22 =	sand.u32 $0x3, s15;
	s0 =	sshll.u32 s0, $0x4;
	s1 =	sor.u32 $0x20, s1  }
0x3a: {  	[tilespmem:s18], [sflag:$0x2] =	stream.indirect.gather [hbm4b:s17+s4], $0x80, s1, s4, $0xb8;
	[tilespmem:$0x1EC00] =	vst v63  }
0x3b: {  	s21 =	simm.s32 $0x8000;
	p0 =	sne.s32 s22, $0x0;
	s0 =	sadd.s32 s19, s0  }
0x3c: {  	[tilespmem:s21], [sflag:$0x2] =	stream.linear.gather [hbm4b:s0+s20], $0x1000, $0x38;
	[tilespmem:$0x1EC00] =	vst v63  }
0x3d: {  	s0 =	sshrl.u32 @!p0 s15, $0x2  }
0x3e: {  	s0 =	smin.u32 @!p0 s0, $0x26  }
0x3f: {  	s1 =	rddreg [dreg:$0x11];
	s0 =	sadd.s32 @!p0 $0x1, s0  }
0x40: {  	[dreg:$0x16] =	wrdreg s3;
	s1 =	sadd.s32 @!p0 s1, s0;
	s0 =	sand.u32 @!p0 $0x1, s0  }
0x41: {  	s2 =	sshll.u32 @!p0 s1, $0xA;
	p1 =	seq.s32 @!p0 s0, $0x1;
	s0 =	rddreg [dreg:$0x9]  }
0x42: {  	s3 =	rddreg [dreg:$0x1];
	s0 =	sadd.s32 @!p0 s0, s2  }
0x43: {  	s2 =	simm.s32 @!p0 $0x800;
	p1 =	por !p1, p0;
	s0 =	sshrl.u32 @!p0 s0, $0x3  }
0x44: {  	s2 =	simm.s32 @p1 $0x0;
	s0 =	sadd.s32 @!p0 s3, s0;
	s3 =	simm.s32 @!p0 $0x0  }
0x45: {  	[tilespmem:s2], [sflag:$0x4] =	stream.linear.gather @!p0 [hbm4b:s0+s3], $0x400, $0x38;
	[tilespmem:$0x1EC00] =	vst v63  }
0x46: {  	s0 =	simm.s32 @!p0 $0x4  }
0x47: {  	s1 =	sshll.u32 @!p0 s1, $0x7;
	_ =	swait.ge @!p0 [sflag:s0], $0x400  }
0x48: {  	s2 =	simm.s32 @!p0 $0xC00;
	[sflag:s0] =	ssyncset.done @!p0 $0x0;
	s4 =	rddreg [dreg:$0x8]  }
0x49: {  	s2 =	simm.s32 @p1 $0x400;
	s1 =	sadd.s32 @!p0 s4, s1;
	[sflag:s0] =	ssyncadd.s32 @!p0 $0xFFFFFC00  }
0x4a: {  	[tilespmem:s2], [sflag:$0x4] =	stream.linear.gather @!p0 [hbm4b:s1+s3], $0x400, $0x38;
	[tilespmem:$0x1EC00] =	vst v63  }
0x4b: {  	_ =	swait.ge @!p0 [sflag:s0], $0x400  }
0x4c: {  	[sflag:s0] =	ssyncset.done @!p0 $0x0  }
0x4d: {  	[sflag:s0] =	ssyncadd.s32 @!p0 $0xFFFFFC00  }
0x4e: {  	_ =	swait.ge [sflag:s23], $0x1000  }
0x4f: {  	[sflag:s23] =	ssyncset.done $0x0  }
0x50: {  	[sflag:s23] =	ssyncadd.s32 $0xFFFFF000  }
0x51: {  	_ =	swait.ge [sflag:s23], $0x1000  }
0x52: {  	[sflag:s23] =	ssyncset.done $0x0  }
0x53: {  	[sflag:s23] =	ssyncadd.s32 $0xFFFFF000  }
0x54: {  	_ =	swait.ge [sflag:s23], $0x1000  }
0x55: {  	[sflag:s23] =	ssyncset.done $0x0  }
0x56: {  	[sflag:s23] =	ssyncadd.s32 $0xFFFFF000  }
0x57: {  	_ =	swait.ge [sflag:s23], $0x1000  }
0x58: {  	p0 =	seq.s32 s15, $0x0;
	[sflag:s23] =	ssyncset.done $0x0  }
0x59: {  	s0 =	simm.s32 @!p0 $0x3;
	[sflag:s23] =	ssyncadd.s32 $0xFFFFF000  }
0x5a: {  	_ =	swait.ge @!p0 [sflag:s0], $0x1000  }
0x5b: {  	[sflag:s0] =	ssyncset.done @!p0 $0x0  }
0x5c: {  	s11 =	simm.s32 $0x1080;
	[sflag:s0] =	ssyncadd.s32 @!p0 $0xFFFFF000  }
0x5d: {  	s9 =	simm.s32 $0x3080;
	v0 =	vld [tilespmem:s11+$0x0]  }
0x5e: {  	v1 =	vld [tilespmem:s9+$0x0]  }
0x5f: {  	s8 =	simm.s32 $0x4080  }
0x60: {  	v2 =	vld [tilespmem:s8+$0x0];
	_ =	sdelay $0x2  }
0x61: {  	v0 =	vadd.f32 v1, v0  }
0x62: {  	v1 =	vld [tilespmem:s9+$0xFFFFFF80]  }
0x63: {  	v0 =	vadd.f32 v2, v0;
	v2 =	vld [tilespmem:s11+$0xFFFFFF80];
	_ =	sdelay $0x1  }
0x64: {  	v3 =	vld [tilespmem:s8+$0xFFFFFF80];
	v0 =	vmul.f32 $1.442695020e+00, v0;
	_ =	sdelay $0x1  }
0x65: {  	(erf) = vpow2.f32 v0  }
0x66: {  	v0 =	vadd.f32 v1, v2;
	_ =	sdelay $0x1  }
0x67: {  	v0 =	vadd.f32 v3, v0;
	_ =	sdelay $0x1  }
0x68: {  	v0 =	vmul.f32 $1.442695020e+00, v0;
	_ =	sdelay $0x1  }
0x69: {  	(erf) = vpow2.f32 v0;
	_ =	sdelay $0x1  }
0x6a: {  	v0 =	vpop (erf)  }
0x6b: {  	v0 =	vadd.f32 $1.000000000e+00, v0;
	_ =	sdelay $0x1  }
0x6c: {  	(erf) = vrcp.f32 v0;
	_ =	sdelay $0x3  }
0x6d: {  	s10 =	simm.s32 $0x2080;
	v0 =	vpop (erf)  }
0x6e: {  	v1 =	vld [tilespmem:s10+$0x0];
	v0 =	vadd.f32 $1.000000000e+00, v0;
	_ =	sdelay $0x1  }
0x6f: {  	(erf) = vrcp.f32 v0;
	_ =	sdelay $0x1  }
0x70: {  	v0 =	vpop (erf)  }
0x71: {  	v0 =	vmul.f32 v0, v1  }
0x72: {  	s17 =	simm.s32 $0x9080  }
0x73: {  	v1 =	vld [tilespmem:s10+$0xFFFFFF80];
	[tilespmem:s17+$0x0] =	vst v0  }
0x74: {  	v0 =	vld [tilespmem:s11+$0x10]  }
0x75: {  	v2 =	vld [tilespmem:s9+$0x10];
	_ =	sdelay $0x1  }
0x76: {  	v3 =	vld [tilespmem:s8+$0x10];
	v4 =	vpop (erf)  }
0x77: {  	v1 =	vmul.f32 v4, v1;
	_ =	sdelay $0x1  }
0x78: {  	v0 =	vadd.f32 v2, v0;
	[tilespmem:s17+$0xFFFFFF80] =	vst v1  }
0x79: {  	v1 =	vld [tilespmem:s11+$0xFFFFFF90]  }
0x7a: {  	v0 =	vadd.f32 v3, v0;
	v2 =	vld [tilespmem:s9+$0xFFFFFF90];
	_ =	sdelay $0x1  }
0x7b: {  	v3 =	vld [tilespmem:s8+$0xFFFFFF90];
	v0 =	vmul.f32 $1.442695020e+00, v0;
	_ =	sdelay $0x1  }
0x7c: {  	(erf) = vpow2.f32 v0  }
0x7d: {  	v0 =	vadd.f32 v2, v1;
	_ =	sdelay $0x1  }
0x7e: {  	v0 =	vadd.f32 v3, v0;
	_ =	sdelay $0x1  }
0x7f: {  	v0 =	vmul.f32 $1.442695020e+00, v0;
	_ =	sdelay $0x1  }
0x80: {  	(erf) = vpow2.f32 v0;
	_ =	sdelay $0x1  }
0x81: {  	v0 =	vpop (erf)  }
0x82: {  	v0 =	vadd.f32 $1.000000000e+00, v0;
	_ =	sdelay $0x1  }
0x83: {  	(erf) = vrcp.f32 v0;
	_ =	sdelay $0x1  }
0x84: {  	s0 =	simm.s32 $0x3180  }
0x85: {  	s25 =	simm.s32 $0x1180;
	v1 =	vld [tilespmem:s0+$0x0]  }
0x86: {  	v0 =	vld [tilespmem:s25+$0x0];
	v2 =	vpop (erf)  }
0x87: {  	s29 =	simm.s32 $0x4180;
	v3 =	vld [tilespmem:s10+$0x10];
	v2 =	vadd.f32 $1.000000000e+00, v2  }
0x88: {  	v4 =	vld [tilespmem:s29+$0x0]  }
0x89: {  	(erf) = vrcp.f32 v2;
	_ =	sdelay $0x1  }
0x8a: {  	v5 =	vld [tilespmem:s0+$0xFFFFFF80];
	v0 =	vadd.f32 v1, v0;
	v1 =	vpop (erf)  }
0x8b: {  	v1 =	vmul.f32 v1, v3;
	v3 =	vld [tilespmem:s25+$0xFFFFFF80]  }
0x8c: {  	v2 =	vld [tilespmem:s10+$0xFFFFFF90];
	v0 =	vadd.f32 v4, v0  }
0x8d: {  	v4 =	vld [tilespmem:s29+$0xFFFFFF80];
	[tilespmem:s17+$0x10] =	vst v1  }
0x8e: {  	v0 =	vmul.f32 $1.442695020e+00, v0;
	v1 =	vld [tilespmem:s11+$0x20]  }
0x8f: {  	v6 =	vld [tilespmem:s9+$0x20]  }
0x90: {  	(erf) = vpow2.f32 v0;
	v0 =	vadd.f32 v5, v3  }
0x91: {  	v3 =	vld [tilespmem:s8+$0x20];
	v5 =	vpop (erf)  }
0x92: {  	v2 =	vmul.f32 v5, v2;
	v0 =	vadd.f32 v4, v0;
	_ =	sdelay $0x1  }
0x93: {  	v1 =	vadd.f32 v6, v1;
	[tilespmem:s17+$0xFFFFFF90] =	vst v2;
	v0 =	vmul.f32 $1.442695020e+00, v0  }
0x94: {  	v2 =	vld [tilespmem:s11+$0xFFFFFFA0]  }
0x95: {  	v1 =	vadd.f32 v3, v1;
	v3 =	vld [tilespmem:s9+$0xFFFFFFA0];
	(erf) = vpow2.f32 v0;
	_ =	sdelay $0x1  }
0x96: {  	v0 =	vmul.f32 $1.442695020e+00, v1;
	v1 =	vld [tilespmem:s8+$0xFFFFFFA0]  }
0x97: {  	v4 =	vpop (erf)  }
0x98: {  	v4 =	vadd.f32 $1.000000000e+00, v4;
	(erf) = vpow2.f32 v0  }
0x99: {  	v0 =	vadd.f32 v3, v2  }
0x9a: {  	(erf) = vrcp.f32 v4  }
0x9b: {  	v0 =	vadd.f32 v1, v0;
	_ =	sdelay $0x1  }
0x9c: {  	v0 =	vmul.f32 $1.442695020e+00, v0;
	v1 =	vpop (erf)  }
0x9d: {  	s19 =	simm.s32 $0x2180;
	v1 =	vadd.f32 $1.000000000e+00, v1  }
0x9e: {  	v2 =	vld [tilespmem:s19+$0x0];
	(erf) = vpow2.f32 v0  }
0x9f: {  	(erf) = vrcp.f32 v1  }
0xa0: {  	v0 =	vpop (erf)  }
0xa1: {  	v0 =	vadd.f32 $1.000000000e+00, v0  }
0xa2: {  	v1 =	vpop (erf)  }
0xa3: {  	v1 =	vmul.f32 v1, v2;
	(erf) = vrcp.f32 v0  }
0xa4: {  	s14 =	simm.s32 $0x9180;
	v0 =	vld [tilespmem:s19+$0xFFFFFF80]  }
0xa5: {  	[tilespmem:s14+$0x0] =	vst v1  }
0xa6: {  	v1 =	vld [tilespmem:s25+$0x10]  }
0xa7: {  	v2 =	vld [tilespmem:s0+$0x10];
	v3 =	vpop (erf)  }
0xa8: {  	v4 =	vld [tilespmem:s10+$0x20];
	v3 =	vadd.f32 $1.000000000e+00, v3;
	v5 =	vpop (erf)  }
0xa9: {  	v6 =	vld [tilespmem:s29+$0x10];
	v0 =	vmul.f32 v5, v0  }
0xaa: {  	(erf) = vrcp.f32 v3  }
0xab: {  	[tilespmem:s14+$0xFFFFFF80] =	vst v0  }
0xac: {  	v0 =	vadd.f32 v2, v1;
	v1 =	vpop (erf);
	v2 =	vld [tilespmem:s25+$0xFFFFFF90]  }
0xad: {  	v1 =	vmul.f32 v1, v4;
	v4 =	vld [tilespmem:s0+$0xFFFFFF90]  }
0xae: {  	v3 =	vld [tilespmem:s10+$0xFFFFFFA0];
	v0 =	vadd.f32 v6, v0  }
0xaf: {  	v5 =	vld [tilespmem:s29+$0xFFFFFF90];
	[tilespmem:s17+$0x20] =	vst v1  }
0xb0: {  	v0 =	vmul.f32 $1.442695020e+00, v0;
	v1 =	vld [tilespmem:s11+$0x30]  }
0xb1: {  	v6 =	vld [tilespmem:s9+$0x30]  }
0xb2: {  	(erf) = vpow2.f32 v0;
	v0 =	vadd.f32 v4, v2  }
0xb3: {  	v2 =	vld [tilespmem:s8+$0x30];
	v4 =	vpop (erf)  }
0xb4: {  	v0 =	vadd.f32 v5, v0;
	v3 =	vmul.f32 v4, v3;
	_ =	sdelay $0x1  }
0xb5: {  	v1 =	vadd.f32 v6, v1;
	v0 =	vmul.f32 $1.442695020e+00, v0;
	[tilespmem:s17+$0xFFFFFFA0] =	vst v3  }
0xb6: {  	v3 =	vld [tilespmem:s11+$0xFFFFFFB0]  }
0xb7: {  	v1 =	vadd.f32 v2, v1;
	(erf) = vpow2.f32 v0;
	v0 =	vld [tilespmem:s9+$0xFFFFFFB0];
	_ =	sdelay $0x1  }
0xb8: {  	v2 =	vld [tilespmem:s8+$0xFFFFFFB0];
	v1 =	vmul.f32 $1.442695020e+00, v1  }
0xb9: {  	v4 =	vpop (erf)  }
0xba: {  	(erf) = vpow2.f32 v1;
	v4 =	vadd.f32 $1.000000000e+00, v4  }
0xbb: {  	v0 =	vadd.f32 v0, v3  }
0xbc: {  	(erf) = vrcp.f32 v4  }
0xbd: {  	v0 =	vadd.f32 v2, v0  }
0xbe: {  	s22 =	simm.s32 $0x1280  }
0xbf: {  	s1 =	simm.s32 $0x3280;
	v1 =	vld [tilespmem:s22+$0x0];
	v0 =	vmul.f32 $1.442695020e+00, v0  }
0xc0: {  	v3 =	vld [tilespmem:s1+$0x0];
	v2 =	vpop (erf)  }
0xc1: {  	s13 =	simm.s32 $0x4280;
	v4 =	vld [tilespmem:s19+$0x10];
	v2 =	vadd.f32 $1.000000000e+00, v2  }
0xc2: {  	v5 =	vld [tilespmem:s13+$0x0];
	(erf) = vpow2.f32 v0  }
0xc3: {  	(erf) = vrcp.f32 v2;
	v0 =	vpop (erf)  }
0xc4: {  	v0 =	vadd.f32 $1.000000000e+00, v0  }
0xc5: {  	v6 =	vld [tilespmem:s1+$0xFFFFFF80];
	v1 =	vadd.f32 v3, v1;
	v3 =	vpop (erf)  }
0xc6: {  	v3 =	vmul.f32 v3, v4;
	(erf) = vrcp.f32 v0;
	v0 =	vld [tilespmem:s22+$0xFFFFFF80]  }
0xc7: {  	v2 =	vld [tilespmem:s19+$0xFFFFFF90];
	v1 =	vadd.f32 v5, v1  }
0xc8: {  	v4 =	vld [tilespmem:s13+$0xFFFFFF80];
	[tilespmem:s14+$0x10] =	vst v3  }
0xc9: {  	v1 =	vmul.f32 $1.442695020e+00, v1;
	v3 =	vld [tilespmem:s25+$0x20]  }
0xca: {  	v5 =	vld [tilespmem:s0+$0x20]  }
0xcb: {  	(erf) = vpow2.f32 v1;
	v1 =	vld [tilespmem:s10+$0x30];
	v7 =	vpop (erf);
	v0 =	vadd.f32 v6, v0  }
0xcc: {  	v8 =	vld [tilespmem:s29+$0x20];
	v6 =	vpop (erf)  }
0xcd: {  	v2 =	vmul.f32 v6, v2;
	v0 =	vadd.f32 v4, v0  }
0xce: {  	v4 =	vadd.f32 $1.000000000e+00, v7  }
0xcf: {  	[tilespmem:s14+$0xFFFFFF90] =	vst v2;
	v2 =	vadd.f32 v5, v3;
	v3 =	vpop (erf);
	v0 =	vmul.f32 $1.442695020e+00, v0  }
0xd0: {  	v5 =	vld [tilespmem:s25+$0xFFFFFFA0];
	(erf) = vrcp.f32 v4;
	v1 =	vmul.f32 v3, v1  }
0xd1: {  	v3 =	vld [tilespmem:s0+$0xFFFFFFA0];
	v2 =	vadd.f32 v8, v2;
	(erf) = vpow2.f32 v0  }
0xd2: {  	v0 =	vld [tilespmem:s29+$0xFFFFFFA0];
	[tilespmem:s17+$0x30] =	vst v1  }
0xd3: {  	v1 =	vmul.f32 $1.442695020e+00, v2;
	v2 =	vld [tilespmem:s11+$0x40]  }
0xd4: {  	v6 =	vld [tilespmem:s9+$0x40]  }
0xd5: {  	v4 =	vpop (erf)  }
0xd6: {  	v4 =	vadd.f32 $1.000000000e+00, v4;
	(erf) = vpow2.f32 v1;
	v1 =	vadd.f32 v3, v5;
	v3 =	vld [tilespmem:s8+$0x40];
	_ =	sdelay $0x1  }
0xd7: {  	(erf) = vrcp.f32 v4;
	v4 =	vld [tilespmem:s10+$0xFFFFFFB0];
	v0 =	vadd.f32 v0, v1  }
0xd8: {  	v1 =	vadd.f32 v6, v2;
	v2 =	vpop (erf)  }
0xd9: {  	v0 =	vmul.f32 $1.442695020e+00, v0;
	v5 =	vpop (erf)  }
0xda: {  	v1 =	vadd.f32 v3, v1;
	v3 =	vadd.f32 $1.000000000e+00, v5  }
0xdb: {  	s21 =	simm.s32 $0x2280;
	(erf) = vpow2.f32 v0  }
0xdc: {  	v2 =	vmul.f32 v2, v4;
	v0 =	vld [tilespmem:s21+$0x0];
	(erf) = vrcp.f32 v3  }
0xdd: {  	v1 =	vmul.f32 $1.442695020e+00, v1  }
0xde: {  	[tilespmem:s17+$0xFFFFFFB0] =	vst v2;
	v3 =	vpop (erf)  }
0xdf: {  	v4 =	vld [tilespmem:s9+$0xFFFFFFC0];
	(erf) = vpow2.f32 v1;
	v2 =	vadd.f32 $1.000000000e+00, v3  }
0xe0: {  	v1 =	vld [tilespmem:s11+$0xFFFFFFC0];
	v3 =	vpop (erf)  }
0xe1: {  	v0 =	vmul.f32 v3, v0;
	(erf) = vrcp.f32 v2;
	v2 =	vld [tilespmem:s21+$0xFFFFFF80]  }
0xe2: {  	s20 =	simm.s32 $0x9280  }
0xe3: {  	v3 =	vld [tilespmem:s8+$0xFFFFFFC0];
	[tilespmem:s20+$0x0] =	vst v0  }
0xe4: {  	v0 =	vld [tilespmem:s22+$0x10];
	v5 =	vpop (erf)  }
0xe5: {  	v6 =	vld [tilespmem:s1+$0x10];
	v7 =	vpop (erf)  }
0xe6: {  	v1 =	vadd.f32 v4, v1;
	v4 =	vadd.f32 $1.000000000e+00, v5;
	v5 =	vld [tilespmem:s19+$0x20];
	v2 =	vmul.f32 v7, v2  }
0xe7: {  	v8 =	vld [tilespmem:s13+$0x10]  }
0xe8: {  	v1 =	vadd.f32 v3, v1;
	(erf) = vrcp.f32 v4;
	v3 =	vpop (erf)  }
0xe9: {  	v3 =	vadd.f32 $1.000000000e+00, v3;
	[tilespmem:s20+$0xFFFFFF80] =	vst v2  }
0xea: {  	v1 =	vmul.f32 $1.442695020e+00, v1;
	v0 =	vadd.f32 v6, v0;
	v6 =	vld [tilespmem:s22+$0xFFFFFF90];
	v2 =	vpop (erf)  }
0xeb: {  	(erf) = vrcp.f32 v3;
	v3 =	vld [tilespmem:s1+$0xFFFFFF90];
	v2 =	vmul.f32 v2, v5  }
0xec: {  	v4 =	vld [tilespmem:s19+$0xFFFFFFA0];
	v0 =	vadd.f32 v8, v0;
	(erf) = vpow2.f32 v1  }
0xed: {  	v5 =	vld [tilespmem:s13+$0xFFFFFF90];
	[tilespmem:s14+$0x20] =	vst v2  }
0xee: {  	v0 =	vmul.f32 $1.442695020e+00, v0;
	v1 =	vld [tilespmem:s25+$0x30]  }
0xef: {  	v2 =	vld [tilespmem:s0+$0x30]  }
0xf0: {  	(erf) = vpow2.f32 v0;
	v0 =	vld [tilespmem:s10+$0x40];
	v3 =	vadd.f32 v3, v6  }
0xf1: {  	v6 =	vld [tilespmem:s29+$0x30];
	v7 =	vpop (erf)  }
0xf2: {  	v4 =	vmul.f32 v7, v4;
	v3 =	vadd.f32 v5, v3;
	_ =	sdelay $0x1  }
0xf3: {  	[tilespmem:s14+$0xFFFFFFA0] =	vst v4;
	v1 =	vadd.f32 v2, v1;
	v2 =	vpop (erf);
	v3 =	vmul.f32 $1.442695020e+00, v3  }
0xf4: {  	v4 =	vld [tilespmem:s25+$0xFFFFFFB0];
	v0 =	vmul.f32 v2, v0;
	v2 =	vpop (erf)  }
0xf5: {  	v5 =	vld [tilespmem:s0+$0xFFFFFFB0];
	v1 =	vadd.f32 v6, v1;
	(erf) = vpow2.f32 v3;
	v2 =	vadd.f32 $1.000000000e+00, v2  }
0xf6: {  	v3 =	vld [tilespmem:s29+$0xFFFFFFB0];
	[tilespmem:s17+$0x40] =	vst v0  }
0xf7: {  	v0 =	vmul.f32 $1.442695020e+00, v1;
	v1 =	vld [tilespmem:s11+$0x50]  }
0xf8: {  	v6 =	vld [tilespmem:s9+$0x50]  }
0xf9: {  	(erf) = vrcp.f32 v2;
	v2 =	vpop (erf)  }
0xfa: {  	v4 =	vadd.f32 v5, v4;
	(erf) = vpow2.f32 v0;
	v0 =	vld [tilespmem:s8+$0x50];
	v2 =	vadd.f32 $1.000000000e+00, v2;
	_ =	sdelay $0x1  }
0xfb: {  	(erf) = vrcp.f32 v2;
	v2 =	vadd.f32 v3, v4  }
0xfc: {  	v1 =	vadd.f32 v6, v1  }
0xfd: {  	s31 =	simm.s32 $0x3380;
	v7 =	vld [tilespmem:s10+$0xFFFFFFC0];
	v4 =	vpop (erf);
	v2 =	vmul.f32 $1.442695020e+00, v2  }
0xfe: {  	s3 =	simm.s32 $0x1380;
	v5 =	vld [tilespmem:s31+$0x0];
	v0 =	vadd.f32 v0, v1;
	v1 =	vadd.f32 $1.000000000e+00, v4  }
0xff: {  	v3 =	vld [tilespmem:s3+$0x0]  }
0x100: {  	s30 =	simm.s32 $0x4380;
	v4 =	vld [tilespmem:s21+$0x10];
	(erf) = vpow2.f32 v2  }
0x101: {  	v6 =	vld [tilespmem:s30+$0x0];
	v0 =	vmul.f32 $1.442695020e+00, v0;
	(erf) = vrcp.f32 v1;
	v2 =	vpop (erf)  }
0x102: {  	v1 =	vpop (erf)  }
0x103: {  	(erf) = vpow2.f32 v0;
	v1 =	vadd.f32 $1.000000000e+00, v1  }
0x104: {  	v8 =	vld [tilespmem:s3+$0xFFFFFF80];
	v3 =	vadd.f32 v5, v3;
	v5 =	vpop (erf)  }
0x105: {  	v0 =	vld [tilespmem:s31+$0xFFFFFF80];
	v4 =	vmul.f32 v5, v4;
	(erf) = vrcp.f32 v1  }
0x106: {  	v3 =	vadd.f32 v6, v3;
	v2 =	vmul.f32 v2, v7;
	v1 =	vld [tilespmem:s21+$0xFFFFFF90]  }
0x107: {  	v5 =	vld [tilespmem:s30+$0xFFFFFF80];
	[tilespmem:s20+$0x10] =	vst v4  }
0x108: {  	v3 =	vmul.f32 $1.442695020e+00, v3;
	v4 =	vld [tilespmem:s22+$0x20]  }
0x109: {  	v6 =	vld [tilespmem:s1+$0x20];
	v7 =	vpop (erf)  }
0x10a: {  	[tilespmem:s17+$0xFFFFFFC0] =	vst v2;
	v0 =	vadd.f32 v0, v8;
	(erf) = vpow2.f32 v3;
	v3 =	vld [tilespmem:s19+$0x30];
	v2 =	vpop (erf)  }
0x10b: {  	v9 =	vld [tilespmem:s11+$0xFFFFFFD0];
	v1 =	vmul.f32 v2, v1  }
0x10c: {  	v8 =	vld [tilespmem:s13+$0x20];
	v7 =	vadd.f32 $1.000000000e+00, v7;
	v0 =	vadd.f32 v5, v0;
	v2 =	vpop (erf)  }
0x10d: {  	v5 =	vld [tilespmem:s9+$0xFFFFFFD0];
	v2 =	vadd.f32 $1.000000000e+00, v2;
	[tilespmem:s20+$0xFFFFFF90] =	vst v1  }
0x10e: {  	(erf) = vrcp.f32 v7;
	v0 =	vmul.f32 $1.442695020e+00, v0;
	v4 =	vadd.f32 v6, v4;
	v7 =	vld [tilespmem:s22+$0xFFFFFFA0];
	v6 =	vpop (erf)  }
0x10f: {  	(erf) = vrcp.f32 v2;
	v2 =	vld [tilespmem:s1+$0xFFFFFFA0];
	v3 =	vmul.f32 v6, v3  }
0x110: {  	v1 =	vld [tilespmem:s8+$0xFFFFFFD0]  }
0x111: {  	(erf) = vpow2.f32 v0;
	v0 =	vadd.f32 v8, v4;
	v4 =	vld [tilespmem:s13+$0xFFFFFFA0];
	[tilespmem:s14+$0x30] =	vst v3  }
0x112: {  	v3 =	vadd.f32 v5, v9;
	v5 =	vld [tilespmem:s25+$0x40]  }
0x113: {  	v0 =	vmul.f32 $1.442695020e+00, v0;
	v8 =	vld [tilespmem:s0+$0x40]  }
0x114: {  	v6 =	vpop (erf);
	v2 =	vadd.f32 v2, v7;
	v7 =	vld [tilespmem:s19+$0xFFFFFFB0]  }
0x115: {  	v1 =	vadd.f32 v1, v3;
	v3 =	vadd.f32 $1.000000000e+00, v6;
	(erf) = vpow2.f32 v0;
	v0 =	vld [tilespmem:s10+$0x50]  }
0x116: {  	v6 =	vld [tilespmem:s29+$0x40]  }
0x117: {  	v1 =	vmul.f32 $1.442695020e+00, v1  }
0x118: {  	v2 =	vadd.f32 v4, v2;
	(erf) = vrcp.f32 v3  }
0x119: {  	v3 =	vpop (erf);
	(erf) = vpow2.f32 v1;
	v1 =	vadd.f32 v8, v5  }
0x11a: {  	v2 =	vmul.f32 $1.442695020e+00, v2;
	v4 =	vpop (erf);
	v3 =	vmul.f32 v3, v7  }
0x11b: {  	v0 =	vmul.f32 v4, v0;
	v1 =	vadd.f32 v6, v1  }
0x11c: {  	s28 =	simm.s32 $0x2380;
	v5 =	vpop (erf);
	(erf) = vpow2.f32 v2  }
0x11d: {  	v2 =	vld [tilespmem:s28+$0x0];
	v5 =	vadd.f32 $1.000000000e+00, v5;
	[tilespmem:s17+$0x50] =	vst v0;
	v0 =	vmul.f32 $1.442695020e+00, v1  }
0x11e: {  	[tilespmem:s14+$0xFFFFFFB0] =	vst v3;
	v1 =	vld [tilespmem:s11+$0x60];
	v3 =	vpop (erf)  }
0x11f: {  	(erf) = vrcp.f32 v5;
	v5 =	vld [tilespmem:s9+$0x60];
	v3 =	vadd.f32 $1.000000000e+00, v3  }
0x120: {  	v6 =	vld [tilespmem:s25+$0xFFFFFFC0]  }
0x121: {  	v7 =	vld [tilespmem:s8+$0x60];
	(erf) = vpow2.f32 v0;
	v0 =	vpop (erf)  }
0x122: {  	v8 =	vld [tilespmem:s0+$0xFFFFFFC0];
	(erf) = vrcp.f32 v3;
	v0 =	vmul.f32 v0, v2  }
0x123: {  	s4 =	simm.s32 $0x9380;
	v9 =	vld [tilespmem:s29+$0xFFFFFFC0];
	v3 =	vpop (erf)  }
0x124: {  	v2 =	vld [tilespmem:s28+$0xFFFFFF80];
	v3 =	vadd.f32 $1.000000000e+00, v3;
	[tilespmem:s4+$0x0] =	vst v0;
	v0 =	vadd.f32 v5, v1  }
0x125: {  	v5 =	vpop (erf);
	v1 =	vld [tilespmem:s3+$0x10]  }
0x126: {  	v5 =	vadd.f32 $1.000000000e+00, v5;
	(erf) = vrcp.f32 v3;
	v3 =	vld [tilespmem:s31+$0x10];
	v0 =	vadd.f32 v7, v0  }
0x127: {  	v6 =	vadd.f32 v8, v6;
	v8 =	vld [tilespmem:s21+$0x20]  }
0x128: {  	v7 =	vpop (erf);
	v0 =	vmul.f32 $1.442695020e+00, v0  }
0x129: {  	(erf) = vrcp.f32 v5;
	v2 =	vmul.f32 v7, v2;
	v7 =	vld [tilespmem:s30+$0x10]  }
0x12a: {  	v5 =	vpop (erf);
	(erf) = vpow2.f32 v0  }
0x12b: {  	v10 =	vld [tilespmem:s10+$0xFFFFFFD0];
	v6 =	vadd.f32 v9, v6;
	[tilespmem:s4+$0xFFFFFF80] =	vst v2;
	v1 =	vadd.f32 v3, v1;
	v3 =	vpop (erf)  }
0x12c: {  	v2 =	vadd.f32 $1.000000000e+00, v5;
	v5 =	vld [tilespmem:s3+$0xFFFFFF90];
	v3 =	vmul.f32 v3, v8  }
0x12d: {  	v0 =	vmul.f32 $1.442695020e+00, v6;
	v6 =	vld [tilespmem:s31+$0xFFFFFF90]  }
0x12e: {  	v4 =	vld [tilespmem:s21+$0xFFFFFFA0];
	(erf) = vrcp.f32 v2;
	v1 =	vadd.f32 v7, v1  }
0x12f: {  	v2 =	vld [tilespmem:s30+$0xFFFFFF90];
	(erf) = vpow2.f32 v0;
	[tilespmem:s20+$0x20] =	vst v3  }
0x130: {  	v1 =	vmul.f32 $1.442695020e+00, v1;
	v7 =	vld [tilespmem:s22+$0x30];
	v3 =	vpop (erf)  }
0x131: {  	v8 =	vld [tilespmem:s1+$0x30];
	v3 =	vmul.f32 v3, v10  }
0x132: {  	v5 =	vadd.f32 v6, v5;
	(erf) = vpow2.f32 v1;
	v1 =	vld [tilespmem:s19+$0x40];
	v6 =	vpop (erf)  }
0x133: {  	v4 =	vmul.f32 v6, v4;
	[tilespmem:s17+$0xFFFFFFD0] =	vst v3;
	v3 =	vld [tilespmem:s13+$0x30];
	v6 =	vpop (erf)  }
0x134: {  	v2 =	vadd.f32 v2, v5;
	v5 =	vld [tilespmem:s11+$0xFFFFFFE0];
	v6 =	vadd.f32 $1.000000000e+00, v6  }
0x135: {  	v10 =	vld [tilespmem:s9+$0xFFFFFFE0]  }
0x136: {  	[tilespmem:s20+$0xFFFFFFA0] =	vst v4;
	v4 =	vadd.f32 v8, v7  }
0x137: {  	v2 =	vmul.f32 $1.442695020e+00, v2;
	v8 =	vld [tilespmem:s8+$0xFFFFFFE0];
	v7 =	vpop (erf)  }
0x138: {  	v1 =	vmul.f32 v7, v1;
	(erf) = vrcp.f32 v6;
	v6 =	vpop (erf);
	v3 =	vadd.f32 v3, v4  }
0x139: {  	v11 =	vld [tilespmem:s22+$0xFFFFFFB0];
	v4 =	vadd.f32 $1.000000000e+00, v6  }
0x13a: {  	(erf) = vpow2.f32 v2;
	v2 =	vld [tilespmem:s1+$0xFFFFFFB0];
	[tilespmem:s14+$0x40] =	vst v1;
	v5 =	vadd.f32 v10, v5;
	v1 =	vmul.f32 $1.442695020e+00, v3  }
0x13b: {  	v6 =	vld [tilespmem:s13+$0xFFFFFFB0];
	(erf) = vrcp.f32 v4  }
0x13c: {  	v7 =	vld [tilespmem:s0+$0x50];
	(erf) = vpow2.f32 v1;
	v1 =	vadd.f32 v8, v5  }
0x13d: {  	v3 =	vld [tilespmem:s25+$0x50]  }
0x13e: {  	v5 =	vld [tilespmem:s10+$0x60];
	v4 =	vpop (erf);
	v1 =	vmul.f32 $1.442695020e+00, v1  }
0x13f: {  	v2 =	vadd.f32 v2, v11;
	v8 =	vld [tilespmem:s29+$0x50];
	v4 =	vadd.f32 $1.000000000e+00, v4  }
0x140: {  	s7 =	simm.s32 $0x3480  }
0x141: {  	s6 =	simm.s32 $0x1480;
	v13 =	vld [tilespmem:s7+$0xFFFFFF80];
	v2 =	vadd.f32 v6, v2;
	(erf) = vrcp.f32 v4  }
0x142: {  	v3 =	vadd.f32 v7, v3;
	v7 =	vld [tilespmem:s6+$0x0];
	(erf) = vpow2.f32 v1;
	v1 =	vpop (erf)  }
0x143: {  	v2 =	vmul.f32 $1.442695020e+00, v2;
	v11 =	vpop (erf);
	v1 =	vmul.f32 v1, v5;
	v5 =	vld [tilespmem:s7+$0x0]  }
0x144: {  	s2 =	simm.s32 $0x4480;
	v9 =	vld [tilespmem:s19+$0xFFFFFFC0];
	v3 =	vadd.f32 v8, v3;
	v11 =	vadd.f32 $1.000000000e+00, v11  }
0x145: {  	v10 =	vld [tilespmem:s2+$0x0];
	(erf) = vpow2.f32 v2  }
0x146: {  	v8 =	vld [tilespmem:s28+$0x10];
	v2 =	vmul.f32 $1.442695020e+00, v3  }
0x147: {  	v0 =	vld [tilespmem:s28+$0xFFFFFF90];
	[tilespmem:s17+$0x60] =	vst v1;
	(erf) = vrcp.f32 v11;
	v1 =	vpop (erf)  }
0x148: {  	v3 =	vld [tilespmem:s11+$0x70];
	(erf) = vpow2.f32 v2;
	v11 =	vpop (erf);
	v2 =	vadd.f32 v5, v7  }
0x149: {  	v12 =	vld [tilespmem:s9+$0x70];
	v11 =	vadd.f32 $1.000000000e+00, v11  }
0x14a: {  	v1 =	vmul.f32 v1, v9;
	v7 =	vld [tilespmem:s8+$0x70];
	v5 =	vpop (erf);
	v2 =	vadd.f32 v10, v2  }
0x14b: {  	v9 =	vld [tilespmem:s6+$0xFFFFFF80];
	v5 =	vmul.f32 v5, v8;
	(erf) = vrcp.f32 v11  }
0x14c: {  	v6 =	vld [tilespmem:s10+$0xFFFFFFE0];
	[tilespmem:s14+$0xFFFFFFC0] =	vst v1;
	v8 =	vpop (erf);
	v2 =	vmul.f32 $1.442695020e+00, v2  }
0x14d: {  	v1 =	vld [tilespmem:s2+$0xFFFFFF80];
	v8 =	vadd.f32 $1.000000000e+00, v8;
	[tilespmem:s4+$0x10] =	vst v5  }
0x14e: {  	v3 =	vadd.f32 v12, v3;
	v46 =	vpop (erf);
	v10 =	vld [tilespmem:s3+$0x20]  }
0x14f: {  	v11 =	vld [tilespmem:s31+$0x20];
	(erf) = vrcp.f32 v8;
	v8 =	vadd.f32 $1.000000000e+00, v46  }
0x150: {  	v3 =	vadd.f32 v7, v3;
	v7 =	vadd.f32 v13, v9;
	v9 =	vld [tilespmem:s21+$0x30];
	(erf) = vpow2.f32 v2;
	v2 =	vpop (erf)  }
0x151: {  	v5 =	vld [tilespmem:s25+$0xFFFFFFD0];
	v0 =	vmul.f32 v2, v0  }
0x152: {  	v3 =	vmul.f32 $1.442695020e+00, v3;
	v1 =	vadd.f32 v1, v7;
	v7 =	vld [tilespmem:s0+$0xFFFFFFD0];
	(erf) = vrcp.f32 v8  }
0x153: {  	v2 =	vld [tilespmem:s30+$0x20];
	v8 =	vpop (erf);
	[tilespmem:s4+$0xFFFFFF90] =	vst v0  }
0x154: {  	(erf) = vpow2.f32 v3;
	v10 =	vadd.f32 v11, v10;
	v3 =	vld [tilespmem:s3+$0xFFFFFFA0];
	v11 =	vpop (erf)  }
0x155: {  	v8 =	vadd.f32 $1.000000000e+00, v8;
	v47 =	vld [tilespmem:s31+$0xFFFFFFA0];
	v9 =	vmul.f32 v11, v9  }
0x156: {  	v1 =	vmul.f32 $1.442695020e+00, v1;
	v0 =	vld [tilespmem:s29+$0xFFFFFFD0]  }
0x157: {  	v4 =	vld [tilespmem:s21+$0xFFFFFFB0];
	(erf) = vrcp.f32 v8  }
0x158: {  	(erf) = vpow2.f32 v1;
	v2 =	vadd.f32 v2, v10  }
0x159: {  	v5 =	vadd.f32 v7, v5;
	v1 =	vld [tilespmem:s30+$0xFFFFFFA0];
	[tilespmem:s20+$0x30] =	vst v9;
	v9 =	vpop (erf)  }
0x15a: {  	v2 =	vmul.f32 $1.442695020e+00, v2;
	v7 =	vld [tilespmem:s22+$0x40];
	v3 =	vadd.f32 v47, v3;
	v10 =	vpop (erf)  }
0x15b: {  	v11 =	vld [tilespmem:s1+$0x40];
	v0 =	vadd.f32 v0, v5;
	v5 =	vmul.f32 v9, v6;
	v6 =	vadd.f32 $1.000000000e+00, v10;
	v10 =	vpop (erf)  }
0x15c: {  	(erf) = vpow2.f32 v2;
	v2 =	vld [tilespmem:s19+$0x50];
	v4 =	vmul.f32 v10, v4  }
0x15d: {  	v9 =	vld [tilespmem:s13+$0x40];
	v0 =	vmul.f32 $1.442695020e+00, v0  }
0x15e: {  	v1 =	vadd.f32 v1, v3;
	(erf) = vrcp.f32 v6;
	v3 =	vpop (erf)  }
0x15f: {  	(erf) = vpow2.f32 v0;
	v0 =	vadd.f32 $1.000000000e+00, v3  }
0x160: {  	s5 =	simm.s32 $0x2480;
	[tilespmem:s20+$0xFFFFFFB0] =	vst v4;
	v3 =	vadd.f32 v11, v7;
	v4 =	vpop (erf)  }
0x161: {  	v49 =	vld [tilespmem:s5+$0xFFFFFF80];
	v1 =	vmul.f32 $1.442695020e+00, v1;
	(erf) = vrcp.f32 v0;
	v10 =	vpop (erf)  }
0x162: {  	v16 =	vld [tilespmem:s28+$0x20];
	v3 =	vadd.f32 v9, v3;
	v2 =	vmul.f32 v4, v2;
	v0 =	vadd.f32 $1.000000000e+00, v10  }
0x163: {  	v8 =	vld [tilespmem:s28+$0xFFFFFFA0];
	(erf) = vpow2.f32 v1  }
0x164: {  	v1 =	vld [tilespmem:s5+$0x0];
	[tilespmem:s14+$0x50] =	vst v2;
	(erf) = vrcp.f32 v0;
	v0 =	vmul.f32 $1.442695020e+00, v3  }
0x165: {  	v3 =	vld [tilespmem:s25+$0x60]  }
0x166: {  	v9 =	vld [tilespmem:s0+$0x60];
	v2 =	vpop (erf)  }
0x167: {  	v11 =	vld [tilespmem:s22+$0xFFFFFFC0];
	v2 =	vadd.f32 $1.000000000e+00, v2  }
0x168: {  	v48 =	vld [tilespmem:s29+$0x60];
	(erf) = vpow2.f32 v0;
	v0 =	vpop (erf)  }
0x169: {  	[tilespmem:s17+$0xFFFFFFE0] =	vst v5;
	v4 =	vld [tilespmem:s1+$0xFFFFFFC0];
	(erf) = vrcp.f32 v2;
	v0 =	vmul.f32 v0, v1  }
0x16a: {  	v7 =	vld [tilespmem:s9+$0xFFFFFFF0];
	s9 =	simm.s32 $0x9480;
	v1 =	vpop (erf)  }
0x16b: {  	v14 =	vld [tilespmem:s13+$0xFFFFFFC0];
	v1 =	vadd.f32 $1.000000000e+00, v1;
	[tilespmem:s9+$0x0] =	vst v0;
	v0 =	vadd.f32 v9, v3;
	v9 =	vpop (erf)  }
0x16c: {  	v3 =	vld [tilespmem:s6+$0x10];
	v15 =	vpop (erf)  }
0x16d: {  	(erf) = vrcp.f32 v1;
	v1 =	vld [tilespmem:s7+$0x10];
	v15 =	vadd.f32 $1.000000000e+00, v15;
	v0 =	vadd.f32 v48, v0  }
0x16e: {  	v6 =	vld [tilespmem:s11+$0xFFFFFFF0];
	v4 =	vadd.f32 v4, v11  }
0x16f: {  	v51 =	vld [tilespmem:s2+$0x10];
	v50 =	vpop (erf);
	(erf) = vrcp.f32 v15  }
0x170: {  	v52 =	vld [tilespmem:s8+$0xFFFFFFF0];
	v4 =	vadd.f32 v14, v4  }
0x171: {  	v5 =	vld [tilespmem:s19+$0xFFFFFFD0];
	v12 =	vmul.f32 v50, v49;
	v11 =	vmul.f32 $1.442695020e+00, v0;
	v0 =	vpop (erf)  }
0x172: {  	v10 =	vld [tilespmem:s10+$0x70];
	v4 =	vmul.f32 $1.442695020e+00, v4;
	v1 =	vadd.f32 v1, v3;
	v53 =	vadd.f32 $1.000000000e+00, v0;
	v3 =	vpop (erf)  }
0x173: {  	v6 =	vadd.f32 v7, v6;
	v2 =	vld [tilespmem:s21+$0xFFFFFFC0];
	[tilespmem:s9+$0xFFFFFF80] =	vst v12;
	(erf) = vpow2.f32 v11;
	v54 =	vmul.f32 v3, v16  }
0x174: {  	v11 =	vld [tilespmem:s6+$0xFFFFFF90];
	v1 =	vadd.f32 v51, v1;
	(erf) = vrcp.f32 v53  }
0x175: {  	v6 =	vadd.f32 v52, v6;
	v7 =	vld [tilespmem:s7+$0xFFFFFF90];
	[tilespmem:s4+$0x20] =	vst v54  }
0x176: {  	(erf) = vpow2.f32 v4;
	v4 =	vpop (erf);
	v1 =	vmul.f32 $1.442695020e+00, v1;
	v56 =	vld [tilespmem:s3+$0x30]  }
0x177: {  	v6 =	vmul.f32 $1.442695020e+00, v6;
	v4 =	vmul.f32 v4, v5;
	v5 =	vld [tilespmem:s31+$0x30]  }
0x178: {  	v55 =	vld [tilespmem:s2+$0xFFFFFF90];
	(erf) = vpow2.f32 v1;
	v57 =	vpop (erf)  }
0x179: {  	v1 =	vld [tilespmem:s21+$0x40];
	(erf) = vpow2.f32 v6;
	v6 =	vmul.f32 v57, v8  }
0x17a: {  	v0 =	vld [tilespmem:s10+$0xFFFFFFF0]  }
0x17b: {  	v7 =	vadd.f32 v7, v11;
	[tilespmem:s14+$0xFFFFFFD0] =	vst v4;
	v4 =	vld [tilespmem:s30+$0x30]  }
0x17c: {  	v3 =	vld [tilespmem:s5+$0xFFFFFF90];
	v11 =	vpop (erf);
	v5 =	vadd.f32 v5, v56  }
0x17d: {  	v7 =	vadd.f32 v55, v7;
	v8 =	vld [tilespmem:s25+$0xFFFFFFE0];
	[tilespmem:s4+$0xFFFFFFA0] =	vst v6;
	v6 =	vpop (erf)  }
0x17e: {  	v58 =	vld [tilespmem:s0+$0xFFFFFFE0];
	v1 =	vmul.f32 v6, v1;
	v6 =	vadd.f32 $1.000000000e+00, v11  }
0x17f: {  	v59 =	vld [tilespmem:s29+$0xFFFFFFE0];
	v7 =	vmul.f32 $1.442695020e+00, v7  }
0x180: {  	v60 =	vld [tilespmem:s3+$0xFFFFFFB0];
	v4 =	vadd.f32 v4, v5;
	v5 =	vpop (erf);
	(erf) = vrcp.f32 v6  }
0x181: {  	v11 =	vld [tilespmem:s31+$0xFFFFFFB0];
	v5 =	vadd.f32 $1.000000000e+00, v5;
	(erf) = vpow2.f32 v7  }
0x182: {  	v61 =	vld [tilespmem:s30+$0xFFFFFFB0];
	[tilespmem:s20+$0x40] =	vst v1  }
0x183: {  	v4 =	vmul.f32 $1.442695020e+00, v4;
	v6 =	vadd.f32 v58, v8;
	v1 =	vld [tilespmem:s22+$0x50];
	(erf) = vrcp.f32 v5  }
0x184: {  	v9 =	vmul.f32 v9, v10;
	v8 =	vpop (erf);
	v7 =	vld [tilespmem:s1+$0x50]  }
0x185: {  	v62 =	vpop (erf);
	v5 =	vadd.f32 $1.000000000e+00, v8;
	v10 =	vadd.f32 v59, v6;
	v6 =	vld [tilespmem:s19+$0x60];
	(erf) = vpow2.f32 v4  }
0x186: {  	s24 =	sshll.u32 s15, $0x1;
	s12 =	simm.s32 $0x1480;
	v8 =	vld [tilespmem:s13+$0x50];
	v63 =	vadd.f32 $1.000000000e+00, v62;
	v11 =	vadd.f32 v11, v60  }
0x187: {  	s16 =	simm.s32 $0x4580;
	s18 =	sand.u32 $0x4, s15;
	s11 =	simm.s32 $0x3480;
	v4 =	vld [tilespmem:s28+$0xFFFFFFB0];
	(erf) = vrcp.f32 v5;
	v10 =	vmul.f32 $1.442695020e+00, v10  }
0x188: {  	s8 =	simm.s32 $0x2480;
	[tilespmem:s17+$0x70] =	vst v9;
	s10 =	sadd.s32 $0x2, s24;
	s24 =	simm.s32 $0x8;
	v5 =	vld [tilespmem:s19+$0xFFFFFFE0];
	v9 =	vadd.f32 v61, v11;
	(erf) = vrcp.f32 v63  }
.LBB2_3:
0x189: {  	v11 =	vld [tilespmem:s16+$0x0];
	s6 =	sadd.s32 $0x100, s6;
	v1 =	vadd.f32 v7, v1;
	(erf) = vpow2.f32 v10;
	v7 =	vpop (erf)  }
0x18a: {  	s7 =	sadd.s32 $0x100, s7;
	v10 =	vld [tilespmem:s6+$0x0];
	v12 =	vpop (erf);
	v13 =	vmul.f32 $1.442695020e+00, v9;
	v6 =	vmul.f32 v7, v6  }
0x18b: {  	v7 =	vld [tilespmem:s7+$0x0];
	v14 =	vadd.f32 $1.000000000e+00, v12;
	v1 =	vadd.f32 v8, v1  }
0x18c: {  	v8 =	vld [tilespmem:s5+$0x10];
	(erf) = vpow2.f32 v13;
	v9 =	vpop (erf);
	[tilespmem:s14+$0x60] =	vst v6  }
0x18d: {  	(erf) = vrcp.f32 v14;
	v1 =	vmul.f32 $1.442695020e+00, v1;
	v6 =	vld [tilespmem:s25+$0x70]  }
0x18e: {  	v2 =	vmul.f32 v9, v2;
	v12 =	vpop (erf);
	v9 =	vld [tilespmem:s0+$0x70]  }
0x18f: {  	v13 =	vld [tilespmem:s7+$0xFFFFFF80];
	v12 =	vadd.f32 $1.000000000e+00, v12;
	(erf) = vpow2.f32 v1  }
0x190: {  	v1 =	vadd.f32 v7, v10;
	v7 =	vpop (erf);
	[tilespmem:s20+$0xFFFFFFC0] =	vst v2;
	v2 =	vld [tilespmem:s29+$0x70]  }
0x191: {  	v10 =	vld [tilespmem:s6+$0xFFFFFF80];
	v7 =	vmul.f32 v7, v8;
	(erf) = vrcp.f32 v12;
	v8 =	vpop (erf)  }
0x192: {  	s24 =	sadd.s32 $0x2, s24;
	v12 =	vld [tilespmem:s16+$0xFFFFFF80];
	v1 =	vadd.f32 v11, v1;
	v11 =	vpop (erf);
	v0 =	vmul.f32 v8, v0  }
0x193: {  	p1 =	slt.u32 s24, $0x1E;
	[tilespmem:s9+$0x10] =	vst v7;
	v7 =	vld [tilespmem:s22+$0xFFFFFFD0];
	v8 =	vadd.f32 $1.000000000e+00, v11;
	v6 =	vadd.f32 v9, v6  }
0x194: {  	v14 =	vmul.f32 $1.442695020e+00, v1;
	v9 =	vld [tilespmem:s12+$0x20];
	[tilespmem:s17+$0xFFFFFFF0] =	vst v0;
	s17 =	smov.u32 s14;
	s14 =	smov.u32 s20;
	s20 =	smov.u32 s4  }
0x195: {  	s4 =	smov.u32 s9;
	v0 =	vld [tilespmem:s11+$0x20];
	v11 =	vpop (erf);
	v2 =	vadd.f32 v2, v6;
	(erf) = vrcp.f32 v8  }
0x196: {  	v6 =	vadd.f32 v13, v10;
	(erf) = vpow2.f32 v14;
	v1 =	vpop (erf);
	v8 =	vadd.f32 $1.000000000e+00, v11;
	v10 =	vld [tilespmem:s28+$0x30]  }
0x197: {  	v1 =	vmul.f32 v1, v3;
	v3 =	vld [tilespmem:s2+$0x20];
	v2 =	vmul.f32 $1.442695020e+00, v2  }
0x198: {  	v6 =	vadd.f32 v12, v6;
	(erf) = vrcp.f32 v8;
	v8 =	vld [tilespmem:s1+$0xFFFFFFD0];
	v11 =	vpop (erf)  }
0x199: {  	[tilespmem:s9+$0xFFFFFF90] =	vst v1;
	v12 =	vld [tilespmem:s13+$0xFFFFFFD0];
	v1 =	vadd.f32 $1.000000000e+00, v11;
	(erf) = vpow2.f32 v2  }
0x19a: {  	v2 =	vmul.f32 $1.442695020e+00, v6;
	v6 =	vld [tilespmem:s12+$0xFFFFFFA0];
	v0 =	vadd.f32 v0, v9;
	v9 =	vpop (erf)  }
0x19b: {  	v11 =	vld [tilespmem:s11+$0xFFFFFFA0];
	v9 =	vmul.f32 v9, v10;
	(erf) = vrcp.f32 v1  }
0x19c: {  	(erf) = vpow2.f32 v2;
	v2 =	vld [tilespmem:s2+$0xFFFFFFA0];
	v0 =	vadd.f32 v3, v0  }
0x19d: {  	v1 =	vld [tilespmem:s5+$0xFFFFFFA0];
	[tilespmem:s20+$0x30] =	vst v9;
	v3 =	vadd.f32 v8, v7  }
0x19e: {  	v0 =	vmul.f32 $1.442695020e+00, v0;
	v7 =	vld [tilespmem:s3+$0x40];
	v8 =	vpop (erf)  }
0x19f: {  	v9 =	vpop (erf);
	v10 =	vld [tilespmem:s31+$0x40];
	v3 =	vadd.f32 v12, v3;
	v5 =	vmul.f32 v8, v5  }
0x1a0: {  	v8 =	vadd.f32 $1.000000000e+00, v9;
	v12 =	vadd.f32 v11, v6;
	(erf) = vpow2.f32 v0;
	v0 =	vld [tilespmem:s21+$0x50]  }
0x1a1: {  	v9 =	vld [tilespmem:s30+$0x40];
	v11 =	vpop (erf);
	v3 =	vmul.f32 $1.442695020e+00, v3;
	[tilespmem:s17+$0xFFFFFFE0] =	vst v5  }
0x1a2: {  	(erf) = vrcp.f32 v8;
	v2 =	vadd.f32 v2, v12;
	v4 =	vmul.f32 v11, v4;
	v5 =	vld [tilespmem:s21+$0xFFFFFFD0];
	v6 =	vpop (erf)  }
0x1a3: {  	(erf) = vpow2.f32 v3;
	v3 =	vld [tilespmem:s25+$0xFFFFFFF0];
	v6 =	vadd.f32 $1.000000000e+00, v6;
	s25 =	smov.u32 s22;
	s22 =	smov.u32 s3;
	s3 =	smov.u32 s12  }
0x1a4: {  	s12 =	smov.u32 s6;
	v2 =	vmul.f32 $1.442695020e+00, v2;
	[tilespmem:s20+$0xFFFFFFB0] =	vst v4;
	v4 =	vadd.f32 v10, v7;
	v7 =	vpop (erf);
	v8 =	vld [tilespmem:s0+$0xFFFFFFF0];
	s0 =	smov.u32 s1;
	s1 =	smov.u32 s31  }
0x1a5: {  	s31 =	smov.u32 s11;
	s11 =	smov.u32 s7;
	v10 =	vpop (erf);
	v11 =	vld [tilespmem:s22+$0xFFFFFFC0];
	v0 =	vmul.f32 v7, v0;
	(erf) = vrcp.f32 v6  }
0x1a6: {  	s5 =	sadd.s32 $0x100, s5;
	v10 =	vadd.f32 $1.000000000e+00, v10;
	(erf) = vpow2.f32 v2;
	v2 =	vld [tilespmem:s1+$0xFFFFFFC0];
	v4 =	vadd.f32 v9, v4  }
0x1a7: {  	v7 =	vld [tilespmem:s5+$0x0];
	[tilespmem:s14+$0x50] =	vst v0  }
0x1a8: {  	(erf) = vrcp.f32 v10;
	v0 =	vmul.f32 $1.442695020e+00, v4;
	v4 =	vld [tilespmem:s25+$0x60]  }
0x1a9: {  	v6 =	vpop (erf);
	v9 =	vld [tilespmem:s0+$0x60];
	v8 =	vadd.f32 v8, v3  }
0x1aa: {  	v13 =	vadd.f32 $1.000000000e+00, v6;
	(erf) = vpow2.f32 v0;
	v0 =	vld [tilespmem:s19+$0x70]  }
0x1ab: {  	v6 =	vpop (erf);
	v10 =	vadd.f32 v2, v11;
	v11 =	vld [tilespmem:s13+$0x60]  }
0x1ac: {  	v12 =	vld [tilespmem:s5+$0xFFFFFF80];
	v2 =	vmul.f32 v6, v7;
	(erf) = vrcp.f32 v13;
	v3 =	vpop (erf)  }
0x1ad: {  	s9 =	sadd.s32 $0x100, s9;
	v6 =	vld [tilespmem:s30+$0xFFFFFFC0];
	v3 =	vadd.f32 $1.000000000e+00, v3  }
0x1ae: {  	[tilespmem:s9+$0x0] =	vst v2;
	v2 =	vld [tilespmem:s28+$0xFFFFFFC0];
	v4 =	vadd.f32 v9, v4;
	v7 =	vpop (erf)  }
0x1af: {  	v9 =	vld [tilespmem:s6+$0x10];
	v13 =	vpop (erf);
	(erf) = vrcp.f32 v3;
	v0 =	vmul.f32 v7, v0  }
0x1b0: {  	v3 =	vld [tilespmem:s7+$0x10];
	v14 =	vadd.f32 $1.000000000e+00, v13;
	v4 =	vadd.f32 v11, v4  }
0x1b1: {  	v11 =	vpop (erf);
	v13 =	vld [tilespmem:s8+$0x20];
	[tilespmem:s17+$0x70] =	vst v0  }
0x1b2: {  	v0 =	vmul.f32 v11, v12;
	v11 =	vld [tilespmem:s16+$0x10];
	v6 =	vadd.f32 v6, v10;
	v4 =	vmul.f32 $1.442695020e+00, v4  }
0x1b3: {  	(erf) = vrcp.f32 v14;
	v7 =	vpop (erf);
	v10 =	vld [tilespmem:s29+$0xFFFFFFF0];
	s29 =	smov.u32 s13;
	s13 =	smov.u32 s30;
	s30 =	smov.u32 s2  }
0x1b4: {  	[tilespmem:s9+$0xFFFFFF80] =	vst v0;
	v6 =	vmul.f32 $1.442695020e+00, v6;
	v7 =	vadd.f32 $1.000000000e+00, v7;
	(erf) = vpow2.f32 v4;
	v0 =	vld [tilespmem:s19+$0xFFFFFFF0];
	s19 =	smov.u32 s21;
	s21 =	smov.u32 s28;
	s28 =	smov.u32 s8  }
0x1b5: {  	s2 =	smov.u32 s16;
	s8 =	smov.u32 s5;
	v4 =	vld [tilespmem:s6+$0xFFFFFF90];
	v3 =	vadd.f32 v3, v9;
	v9 =	vpop (erf)  }
0x1b6: {  	v12 =	vld [tilespmem:s7+$0xFFFFFF90];
	v9 =	vmul.f32 v9, v13;
	(erf) = vrcp.f32 v7  }
0x1b7: {  	v7 =	vld [tilespmem:s16+$0xFFFFFF90];
	v11 =	vadd.f32 v11, v3;
	(erf) = vpow2.f32 v6  }
0x1b8: {  	v3 =	vld [tilespmem:s5+$0xFFFFFF90];
	[tilespmem:s4+$0x20] =	vst v9;
	v6 =	vpop (erf);
	v8 =	vadd.f32 v10, v8  }
0x1b9: {  	v9 =	vmul.f32 $1.442695020e+00, v11;
	v10 =	vld [tilespmem:s3+$0x30];
	v5 =	vmul.f32 v6, v5  }
0x1ba: {  	v6 =	vld [tilespmem:s31+$0x30];
	v13 =	vmul.f32 $1.442695020e+00, v8  }
0x1bb: {  	v4 =	vadd.f32 v12, v4;
	(erf) = vpow2.f32 v9;
	v9 =	vld [tilespmem:s21+$0x40];
	[tilespmem:s14+$0xFFFFFFD0] =	vst v5  }
0x1bc: {  	v5 =	vld [tilespmem:s30+$0x30];
	v11 =	vpop (erf);
	(erf) = vpow2.f32 v13  }
0x1bd: {  	v4 =	vadd.f32 v7, v4;
	v1 =	vmul.f32 v11, v1;
	v7 =	vld [tilespmem:s25+$0xFFFFFFE0];
	v8 =	vpop (erf)  }
0x1be: {  	v11 =	vld [tilespmem:s0+$0xFFFFFFE0];
	v8 =	vadd.f32 $1.000000000e+00, v8  }
0x1bf: {  	v4 =	vmul.f32 $1.442695020e+00, v4;
	[tilespmem:s4+$0xFFFFFFA0] =	vst v1;
	v1 =	vadd.f32 v6, v10;
	v6 =	vpop (erf);
	v10 =	vld [tilespmem:s29+$0xFFFFFFE0]  }
0x1c0: {  	v12 =	vld [tilespmem:s3+$0xFFFFFFB0];
	v6 =	vmul.f32 v6, v9;
	v9 =	vpop (erf);
	(erf) = vrcp.f32 v8  }
0x1c1: {  	(erf) = vpow2.f32 v4;
	v4 =	vld [tilespmem:s31+$0xFFFFFFB0];
	v1 =	vadd.f32 v5, v1;
	v5 =	vadd.f32 $1.000000000e+00, v9  }
0x1c2: {  	v9 =	vld [tilespmem:s30+$0xFFFFFFB0];
	[tilespmem:s20+$0x40] =	vst v6  }
0x1c3: {  	v6 =	vmul.f32 $1.442695020e+00, v1;
	v1 =	vld [tilespmem:s22+$0x50];
	(erf) = vrcp.f32 v5;
	v5 =	vadd.f32 v11, v7  }
.Ltmp0:
0x1c4: {  	v8 =	vpop (erf);
	v7 =	vld [tilespmem:s1+$0x50];
	(pc) =	sbr.rel @p1 .LBB2_3-.Ltmp0, $4  }
0x1c5: {  	v11 =	vadd.f32 $1.000000000e+00, v8;
	(erf) = vpow2.f32 v6;
	v5 =	vadd.f32 v10, v5;
	v6 =	vld [tilespmem:s19+$0x60];
	v10 =	vpop (erf)  }
0x1c6: {  	v12 =	vadd.f32 v4, v12;
	v8 =	vld [tilespmem:s13+$0x50];
	v13 =	vadd.f32 $1.000000000e+00, v10  }
0x1c7: {  	(erf) = vrcp.f32 v11;
	v4 =	vld [tilespmem:s28+$0xFFFFFFB0];
	v10 =	vmul.f32 $1.442695020e+00, v5  }
0x1c8: {  	s16 =	sadd.s32 $0x100, s16;
	v9 =	vadd.f32 v9, v12;
	v5 =	vld [tilespmem:s19+$0xFFFFFFE0];
	(erf) = vrcp.f32 v13  }
0x1c9: {  	v1 =	vadd.f32 v7, v1;
	v7 =	vpop (erf)  }
0x1ca: {  	(erf) = vpow2.f32 v10;
	v10 =	vpop (erf);
	v9 =	vmul.f32 $1.442695020e+00, v9  }
0x1cb: {  	v6 =	vmul.f32 v7, v6;
	v7 =	vadd.f32 $1.000000000e+00, v10  }
0x1cc: {  	v1 =	vadd.f32 v8, v1  }
0x1cd: {  	(erf) = vpow2.f32 v9  }
0x1ce: {  	v8 =	vld [tilespmem:s5+$0x10];
	v1 =	vmul.f32 $1.442695020e+00, v1;
	v9 =	vpop (erf)  }
0x1cf: {  	[tilespmem:s14+$0x60] =	vst v6;
	(erf) = vrcp.f32 v7;
	v7 =	vpop (erf)  }
0x1d0: {  	v6 =	vld [tilespmem:s25+$0x70];
	v7 =	vadd.f32 $1.000000000e+00, v7  }
0x1d1: {  	v10 =	vld [tilespmem:s0+$0x70]  }
0x1d2: {  	(erf) = vpow2.f32 v1;
	v1 =	vpop (erf)  }
0x1d3: {  	v11 =	vld [tilespmem:s29+$0x70];
	v8 =	vmul.f32 v1, v8;
	(erf) = vrcp.f32 v7;
	v1 =	vpop (erf)  }
0x1d4: {  	v2 =	vmul.f32 v9, v2;
	v7 =	vpop (erf)  }
0x1d5: {  	[tilespmem:s9+$0x10] =	vst v8;
	v7 =	vadd.f32 $1.000000000e+00, v7  }
0x1d6: {  	v6 =	vadd.f32 v10, v6;
	v8 =	vld [tilespmem:s12+$0x20];
	v10 =	vpop (erf)  }
0x1d7: {  	v9 =	vld [tilespmem:s11+$0x20];
	(erf) = vrcp.f32 v7;
	v7 =	vadd.f32 $1.000000000e+00, v10  }
0x1d8: {  	[tilespmem:s20+$0xFFFFFFC0] =	vst v2;
	v6 =	vadd.f32 v11, v6;
	v11 =	vld [tilespmem:s28+$0x30];
	v2 =	vpop (erf)  }
0x1d9: {  	v12 =	vld [tilespmem:s22+$0xFFFFFFD0];
	v2 =	vmul.f32 v2, v3  }
0x1da: {  	v10 =	vld [tilespmem:s2+$0x20];
	v3 =	vmul.f32 $1.442695020e+00, v6  }
0x1db: {  	v6 =	vld [tilespmem:s1+$0xFFFFFFD0];
	(erf) = vrcp.f32 v7;
	[tilespmem:s9+$0xFFFFFF90] =	vst v2;
	v7 =	vpop (erf)  }
0x1dc: {  	(erf) = vpow2.f32 v3;
	v3 =	vadd.f32 v9, v8;
	v9 =	vld [tilespmem:s12+$0xFFFFFFA0];
	v7 =	vadd.f32 $1.000000000e+00, v7;
	v8 =	vpop (erf)  }
0x1dd: {  	v8 =	vmul.f32 v8, v11;
	v11 =	vld [tilespmem:s11+$0xFFFFFFA0]  }
0x1de: {  	v2 =	vld [tilespmem:s13+$0xFFFFFFD0];
	(erf) = vrcp.f32 v7  }
0x1df: {  	v3 =	vadd.f32 v10, v3  }
0x1e0: {  	v6 =	vadd.f32 v6, v12;
	v7 =	vld [tilespmem:s2+$0xFFFFFFA0];
	[tilespmem:s4+$0x30] =	vst v8  }
0x1e1: {  	v3 =	vmul.f32 $1.442695020e+00, v3;
	v8 =	vld [tilespmem:s3+$0x40]  }
0x1e2: {  	v10 =	vld [tilespmem:s31+$0x40];
	v9 =	vadd.f32 v11, v9  }
0x1e3: {  	v2 =	vadd.f32 v2, v6;
	(erf) = vpow2.f32 v3;
	v3 =	vld [tilespmem:s21+$0x50]  }
0x1e4: {  	v6 =	vpop (erf);
	v11 =	vld [tilespmem:s30+$0x40]  }
0x1e5: {  	v2 =	vmul.f32 $1.442695020e+00, v2;
	v39 =	vpop (erf)  }
0x1e6: {  	v7 =	vadd.f32 v7, v9;
	v9 =	vpop (erf)  }
0x1e7: {  	(erf) = vpow2.f32 v2;
	v8 =	vadd.f32 v10, v8;
	v2 =	vadd.f32 $1.000000000e+00, v9;
	v9 =	vpop (erf)  }
0x1e8: {  	v7 =	vmul.f32 $1.442695020e+00, v7;
	v3 =	vmul.f32 v9, v3  }
0x1e9: {  	(erf) = vrcp.f32 v2;
	v2 =	vadd.f32 v11, v8  }
0x1ea: {  	(erf) = vpow2.f32 v7;
	[tilespmem:s20+$0x50] =	vst v3  }
0x1eb: {  	v2 =	vmul.f32 $1.442695020e+00, v2;
	v3 =	vld [tilespmem:s22+$0x60]  }
0x1ec: {  	v4 =	vmul.f32 v39, v4;
	v8 =	vld [tilespmem:s1+$0x60]  }
0x1ed: {  	v7 =	vpop (erf);
	(erf) = vpow2.f32 v2;
	v2 =	vmul.f32 v6, v5  }
0x1ee: {  	v7 =	vadd.f32 $1.000000000e+00, v7;
	v5 =	vld [tilespmem:s13+$0x60]  }
0x1ef: {  	[tilespmem:s4+$0xFFFFFFB0] =	vst v4  }
0x1f0: {  	v10 =	vld [tilespmem:s30+$0xFFFFFFC0];
	(erf) = vrcp.f32 v7  }
0x1f1: {  	v7 =	vld [tilespmem:s3+$0xFFFFFFC0];
	[tilespmem:s14+$0xFFFFFFE0] =	vst v2;
	v3 =	vadd.f32 v8, v3;
	v2 =	vpop (erf)  }
0x1f2: {  	v6 =	vld [tilespmem:s25+$0xFFFFFFF0];
	v4 =	vadd.f32 $1.000000000e+00, v2;
	v2 =	vpop (erf)  }
0x1f3: {  	v8 =	vld [tilespmem:s31+$0xFFFFFFC0];
	v3 =	vadd.f32 v5, v3;
	v9 =	vpop (erf)  }
0x1f4: {  	v5 =	vld [tilespmem:s8+$0x20];
	(erf) = vrcp.f32 v4;
	v4 =	vadd.f32 $1.000000000e+00, v9  }
0x1f5: {  	v9 =	vld [tilespmem:s0+$0xFFFFFFF0];
	v3 =	vmul.f32 $1.442695020e+00, v3;
	_ =	sdelay $0x1  }
0x1f6: {  	(erf) = vrcp.f32 v4  }
0x1f7: {  	v40 =	vld [tilespmem:s29+$0xFFFFFFF0];
	v7 =	vadd.f32 v8, v7;
	v4 =	vpop (erf)  }
0x1f8: {  	(erf) = vpow2.f32 v3;
	v4 =	vadd.f32 $1.000000000e+00, v4;
	v3 =	vpop (erf)  }
0x1f9: {  	v3 =	vmul.f32 v3, v5;
	v5 =	vadd.f32 v9, v6;
	v6 =	vadd.f32 v10, v7  }
0x1fa: {  	v11 =	vld [tilespmem:s21+$0xFFFFFFD0]  }
0x1fb: {  	(erf) = vrcp.f32 v4;
	v4 =	vld [tilespmem:s5+$0xFFFFFFA0];
	v6 =	vmul.f32 $1.442695020e+00, v6  }
0x1fc: {  	v5 =	vadd.f32 v40, v5;
	_ =	sdelay $0x1  }
0x1fd: {  	v9 =	vld [tilespmem:s28+$0x40];
	[tilespmem:s9+$0x20] =	vst v3;
	v3 =	vpop (erf);
	v5 =	vmul.f32 $1.442695020e+00, v5  }
0x1fe: {  	v7 =	vld [tilespmem:s12+$0x30];
	(erf) = vpow2.f32 v6;
	v3 =	vmul.f32 v3, v11;
	v6 =	vpop (erf)  }
0x1ff: {  	v8 =	vld [tilespmem:s11+$0x30];
	v4 =	vmul.f32 v6, v4  }
0x200: {  	[tilespmem:s20+$0xFFFFFFD0] =	vst v3;
	v3 =	vld [tilespmem:s2+$0x30]  }
0x201: {  	(erf) = vpow2.f32 v5;
	v6 =	vld [tilespmem:s22+$0xFFFFFFE0];
	v5 =	vpop (erf)  }
0x202: {  	v10 =	vld [tilespmem:s1+$0xFFFFFFE0];
	v5 =	vadd.f32 $1.000000000e+00, v5  }
0x203: {  	v11 =	vld [tilespmem:s13+$0xFFFFFFE0];
	[tilespmem:s9+$0xFFFFFFA0] =	vst v4;
	v4 =	vpop (erf)  }
0x204: {  	v41 =	vld [tilespmem:s12+$0xFFFFFFB0];
	(erf) = vrcp.f32 v5;
	v4 =	vmul.f32 v4, v9  }
0x205: {  	v5 =	vld [tilespmem:s11+$0xFFFFFFB0]  }
0x206: {  	v9 =	vld [tilespmem:s2+$0xFFFFFFB0];
	[tilespmem:s4+$0x40] =	vst v4;
	v4 =	vadd.f32 v8, v7  }
0x207: {  	v7 =	vld [tilespmem:s3+$0x50]  }
0x208: {  	v13 =	vpop (erf);
	v8 =	vld [tilespmem:s31+$0x50];
	v3 =	vadd.f32 v3, v4  }
0x209: {  	v6 =	vadd.f32 v10, v6;
	v13 =	vadd.f32 $1.000000000e+00, v13;
	v4 =	vld [tilespmem:s21+$0x60]  }
0x20a: {  	v10 =	vld [tilespmem:s30+$0x50];
	v3 =	vmul.f32 $1.442695020e+00, v3  }
0x20b: {  	v14 =	vpop (erf);
	v6 =	vadd.f32 v11, v6;
	v5 =	vadd.f32 v5, v41;
	(erf) = vrcp.f32 v13  }
0x20c: {  	v11 =	vadd.f32 $1.000000000e+00, v14;
	(erf) = vpow2.f32 v3  }
0x20d: {  	v6 =	vmul.f32 $1.442695020e+00, v6;
	v3 =	vadd.f32 v9, v5;
	v5 =	vadd.f32 v8, v7;
	v7 =	vpop (erf)  }
0x20e: {  	(erf) = vrcp.f32 v11;
	v4 =	vmul.f32 v7, v4  }
0x20f: {  	v3 =	vmul.f32 $1.442695020e+00, v3;
	v5 =	vadd.f32 v10, v5;
	(erf) = vpow2.f32 v6;
	_ =	sdelay $0x1  }
0x210: {  	[tilespmem:s20+$0x60] =	vst v4;
	(erf) = vpow2.f32 v3;
	v3 =	vmul.f32 $1.442695020e+00, v5  }
0x211: {  	v4 =	vld [tilespmem:s22+$0x70]  }
0x212: {  	v5 =	vld [tilespmem:s1+$0x70]  }
0x213: {  	v8 =	vpop (erf);
	(erf) = vpow2.f32 v3  }
0x214: {  	v6 =	vld [tilespmem:s13+$0x70];
	v3 =	vpop (erf)  }
0x215: {  	v7 =	vld [tilespmem:s28+$0xFFFFFFC0];
	v9 =	vadd.f32 $1.000000000e+00, v3  }
0x216: {  	v3 =	vpop (erf)  }
0x217: {  	v4 =	vadd.f32 v5, v4;
	v5 =	vpop (erf)  }
0x218: {  	(erf) = vrcp.f32 v9;
	v5 =	vadd.f32 $1.000000000e+00, v5  }
0x219: {  	v4 =	vadd.f32 v6, v4;
	v9 =	vpop (erf)  }
0x21a: {  	v6 =	vmul.f32 v8, v7;
	v7 =	vadd.f32 $1.000000000e+00, v9  }
0x21b: {  	v4 =	vmul.f32 $1.442695020e+00, v4;
	(erf) = vrcp.f32 v5  }
0x21c: {  	v5 =	vpop (erf);
	(erf) = vrcp.f32 v7  }
0x21d: {  	[tilespmem:s4+$0xFFFFFFC0] =	vst v6;
	v5 =	vadd.f32 $1.000000000e+00, v5;
	(erf) = vpow2.f32 v4;
	v4 =	vld [tilespmem:s8+$0x30]  }
0x21e: {  	v6 =	vld [tilespmem:s3+$0xFFFFFFD0]  }
0x21f: {  	(erf) = vrcp.f32 v5;
	v5 =	vld [tilespmem:s31+$0xFFFFFFD0];
	_ =	sdelay $0x1  }
0x220: {  	v7 =	vld [tilespmem:s30+$0xFFFFFFD0];
	v8 =	vpop (erf)  }
0x221: {  	v4 =	vmul.f32 v8, v4;
	_ =	sdelay $0x1  }
0x222: {  	v8 =	vld [tilespmem:s28+$0x50];
	v5 =	vadd.f32 v5, v6;
	[tilespmem:s9+$0x30] =	vst v4  }
0x223: {  	v6 =	vpop (erf);
	v9 =	vld [tilespmem:s12+$0x40]  }
0x224: {  	v5 =	vadd.f32 v7, v5;
	v10 =	vld [tilespmem:s11+$0x40];
	v4 =	vpop (erf)  }
0x225: {  	v7 =	vpop (erf)  }
0x226: {  	v42 =	vld [tilespmem:s8+$0xFFFFFFB0];
	v5 =	vmul.f32 $1.442695020e+00, v5;
	v11 =	vpop (erf)  }
0x227: {  	v8 =	vmul.f32 v11, v8;
	v11 =	vld [tilespmem:s2+$0x40]  }
0x228: {  	(erf) = vpow2.f32 v5  }
0x229: {  	[tilespmem:s4+$0x50] =	vst v8;
	v8 =	vadd.f32 v10, v9;
	v10 =	vld [tilespmem:s21+$0xFFFFFFE0]  }
0x22a: {  	v5 =	vld [tilespmem:s3+$0x60]  }
0x22b: {  	v9 =	vld [tilespmem:s31+$0x60]  }
0x22c: {  	v4 =	vmul.f32 v4, v42;
	v8 =	vadd.f32 v11, v8  }
0x22d: {  	v7 =	vadd.f32 $1.000000000e+00, v7;
	v11 =	vld [tilespmem:s30+$0x60]  }
0x22e: {  	[tilespmem:s9+$0xFFFFFFB0] =	vst v4;
	v8 =	vmul.f32 $1.442695020e+00, v8;
	v6 =	vmul.f32 v6, v10  }
0x22f: {  	(erf) = vrcp.f32 v7;
	v4 =	vld [tilespmem:s12+$0xFFFFFFC0]  }
0x230: {  	v5 =	vadd.f32 v9, v5;
	(erf) = vpow2.f32 v8;
	[tilespmem:s20+$0xFFFFFFE0] =	vst v6;
	v6 =	vld [tilespmem:s11+$0xFFFFFFC0]  }
0x231: {  	v7 =	vpop (erf)  }
0x232: {  	v9 =	vld [tilespmem:s2+$0xFFFFFFC0];
	v5 =	vadd.f32 v11, v5;
	v7 =	vadd.f32 $1.000000000e+00, v7;
	_ =	sdelay $0x1  }
0x233: {  	v8 =	vld [tilespmem:s22+$0xFFFFFFF0];
	v5 =	vmul.f32 $1.442695020e+00, v5;
	(erf) = vrcp.f32 v7  }
0x234: {  	v7 =	vld [tilespmem:s1+$0xFFFFFFF0];
	v4 =	vadd.f32 v6, v4  }
0x235: {  	(erf) = vpow2.f32 v5  }
0x236: {  	v5 =	vld [tilespmem:s13+$0xFFFFFFF0];
	v4 =	vadd.f32 v9, v4  }
0x237: {  	v6 =	vpop (erf)  }
0x238: {  	v10 =	vld [tilespmem:s28+$0xFFFFFFD0];
	v9 =	vpop (erf);
	v4 =	vmul.f32 $1.442695020e+00, v4  }
0x239: {  	v7 =	vadd.f32 v7, v8;
	v8 =	vadd.f32 $1.000000000e+00, v9;
	_ =	sdelay $0x1  }
0x23a: {  	v5 =	vadd.f32 v5, v7;
	(erf) = vrcp.f32 v8  }
0x23b: {  	(erf) = vpow2.f32 v4;
	v4 =	vpop (erf)  }
0x23c: {  	v5 =	vmul.f32 $1.442695020e+00, v5;
	v4 =	vmul.f32 v4, v10  }
0x23d: {  	v7 =	vpop (erf)  }
0x23e: {  	v8 =	vld [tilespmem:s8+$0x40];
	(erf) = vpow2.f32 v5;
	v7 =	vadd.f32 $1.000000000e+00, v7;
	[tilespmem:s4+$0xFFFFFFD0] =	vst v4  }
0x23f: {  	v4 =	vld [tilespmem:s3+$0xFFFFFFE0]  }
0x240: {  	(erf) = vrcp.f32 v7;
	v5 =	vld [tilespmem:s31+$0xFFFFFFE0];
	_ =	sdelay $0x1  }
0x241: {  	v7 =	vld [tilespmem:s30+$0xFFFFFFE0]  }
0x242: {  	v9 =	vpop (erf)  }
0x243: {  	v8 =	vmul.f32 v9, v8  }
0x244: {  	v10 =	vld [tilespmem:s28+$0x60];
	v9 =	vpop (erf);
	v4 =	vadd.f32 v5, v4  }
0x245: {  	v5 =	vadd.f32 $1.000000000e+00, v9;
	[tilespmem:s9+$0x40] =	vst v8  }
0x246: {  	v4 =	vadd.f32 v7, v4;
	v7 =	vpop (erf);
	v8 =	vld [tilespmem:s12+$0x50]  }
0x247: {  	(erf) = vrcp.f32 v5;
	v5 =	vadd.f32 $1.000000000e+00, v7;
	v9 =	vld [tilespmem:s11+$0x50]  }
0x248: {  	v7 =	vpop (erf);
	v4 =	vmul.f32 $1.442695020e+00, v4  }
0x249: {  	v7 =	vmul.f32 v7, v10;
	(erf) = vrcp.f32 v5;
	v5 =	vld [tilespmem:s2+$0x50];
	_ =	sdelay $0x1  }
0x24a: {  	(erf) = vpow2.f32 v4;
	[tilespmem:s4+$0x60] =	vst v7  }
0x24b: {  	v4 =	vld [tilespmem:s3+$0x70];
	v8 =	vadd.f32 v9, v8  }
0x24c: {  	v7 =	vld [tilespmem:s31+$0x70]  }
0x24d: {  	v10 =	vld [tilespmem:s8+$0xFFFFFFC0];
	v5 =	vadd.f32 v5, v8  }
0x24e: {  	v9 =	vld [tilespmem:s30+$0x70]  }
0x24f: {  	v5 =	vmul.f32 $1.442695020e+00, v5;
	_ =	sdelay $0x1  }
0x250: {  	v8 =	vpop (erf);
	v4 =	vadd.f32 v7, v4  }
0x251: {  	v7 =	vmul.f32 v8, v10;
	v8 =	vpop (erf);
	(erf) = vpow2.f32 v5  }
0x252: {  	v4 =	vadd.f32 v9, v4;
	v5 =	vpop (erf)  }
0x253: {  	[tilespmem:s9+$0xFFFFFFC0] =	vst v7;
	v5 =	vadd.f32 $1.000000000e+00, v5  }
0x254: {  	v7 =	vld [tilespmem:s12+$0xFFFFFFD0];
	v4 =	vmul.f32 $1.442695020e+00, v4  }
0x255: {  	(erf) = vrcp.f32 v5;
	v5 =	vld [tilespmem:s11+$0xFFFFFFD0]  }
0x256: {  	(erf) = vpow2.f32 v4  }
0x257: {  	v4 =	vld [tilespmem:s2+$0xFFFFFFD0];
	_ =	sdelay $0x2  }
0x258: {  	v5 =	vadd.f32 v5, v7;
	v7 =	vpop (erf)  }
0x259: {  	v7 =	vadd.f32 $1.000000000e+00, v7  }
0x25a: {  	v4 =	vadd.f32 v4, v5  }
0x25b: {  	(erf) = vrcp.f32 v7  }
0x25c: {  	v5 =	vpop (erf);
	v4 =	vmul.f32 $1.442695020e+00, v4  }
0x25d: {  	v7 =	vpop (erf)  }
0x25e: {  	(erf) = vpow2.f32 v4;
	v4 =	vadd.f32 $1.000000000e+00, v7;
	v7 =	vld [tilespmem:s19+$0x70]  }
0x25f: {  	v9 =	vld [tilespmem:s28+$0xFFFFFFE0]  }
0x260: {  	(erf) = vrcp.f32 v4;
	v4 =	vld [tilespmem:s8+$0x50]  }
0x261: {  	v10 =	vld [tilespmem:s19+$0xFFFFFFF0]  }
0x262: {  	v0 =	vmul.f32 v1, v0;
	v1 =	vld [tilespmem:s21+$0x70]  }
0x263: {  	v2 =	vmul.f32 v2, v7;
	v7 =	vld [tilespmem:s21+$0xFFFFFFF0]  }
0x264: {  	[tilespmem:s17+$0xFFFFFFF0] =	vst v0;
	v0 =	vmul.f32 v5, v9;
	v5 =	vpop (erf)  }
0x265: {  	[tilespmem:s14+$0x70] =	vst v2;
	v2 =	vmul.f32 v5, v4  }
0x266: {  	v3 =	vmul.f32 v3, v10;
	v9 =	vld [tilespmem:s28+$0x70];
	[tilespmem:s4+$0xFFFFFFE0] =	vst v0  }
0x267: {  	v1 =	vmul.f32 v6, v1;
	v5 =	vld [tilespmem:s3+$0xFFFFFFF0];
	v4 =	vpop (erf);
	[tilespmem:s9+$0x50] =	vst v2  }
0x268: {  	[tilespmem:s14+$0xFFFFFFF0] =	vst v3;
	v2 =	vadd.f32 $1.000000000e+00, v4;
	v3 =	vmul.f32 v8, v7;
	v4 =	vld [tilespmem:s12+$0x60]  }
0x269: {  	[tilespmem:s20+$0x70] =	vst v1;
	v1 =	vld [tilespmem:s11+$0x60]  }
0x26a: {  	v6 =	vpop (erf);
	(erf) = vrcp.f32 v2;
	[tilespmem:s20+$0xFFFFFFF0] =	vst v3;
	v3 =	vld [tilespmem:s31+$0xFFFFFFF0]  }
0x26b: {  	v2 =	vmul.f32 v6, v9  }
0x26c: {  	v6 =	vld [tilespmem:s2+$0x60]  }
0x26d: {  	[tilespmem:s4+$0x70] =	vst v2;
	v2 =	vld [tilespmem:s30+$0xFFFFFFF0];
	_ =	sdelay $0x1  }
0x26e: {  	v0 =	vld [tilespmem:s8+$0xFFFFFFD0];
	v1 =	vadd.f32 v1, v4;
	v3 =	vadd.f32 v3, v5;
	_ =	sdelay $0x1  }
0x26f: {  	v1 =	vadd.f32 v6, v1  }
0x270: {  	v2 =	vadd.f32 v2, v3  }
0x271: {  	v1 =	vmul.f32 $1.442695020e+00, v1;
	v3 =	vpop (erf)  }
0x272: {  	v2 =	vmul.f32 $1.442695020e+00, v2;
	v0 =	vmul.f32 v3, v0  }
0x273: {  	(erf) = vpow2.f32 v1  }
0x274: {  	(erf) = vpow2.f32 v2;
	[tilespmem:s9+$0xFFFFFFD0] =	vst v0  }
0x275: {  	v0 =	vld [tilespmem:s12+$0xFFFFFFE0]  }
0x276: {  	v1 =	vld [tilespmem:s11+$0xFFFFFFE0];
	_ =	sdelay $0x1  }
0x277: {  	v2 =	vld [tilespmem:s2+$0xFFFFFFE0];
	_ =	sdelay $0x2  }
0x278: {  	v0 =	vadd.f32 v1, v0  }
0x279: {  	v1 =	vpop (erf)  }
0x27a: {  	v1 =	vadd.f32 $1.000000000e+00, v1;
	v0 =	vadd.f32 v2, v0;
	v2 =	vpop (erf)  }
0x27b: {  	v2 =	vadd.f32 $1.000000000e+00, v2  }
0x27c: {  	(erf) = vrcp.f32 v1;
	v0 =	vmul.f32 $1.442695020e+00, v0  }
0x27d: {  	(erf) = vrcp.f32 v2  }
0x27e: {  	(erf) = vpow2.f32 v0;
	_ =	sdelay $0x3  }
0x27f: {  	v0 =	vld [tilespmem:s8+$0x60];
	_ =	sdelay $0x2  }
0x280: {  	v1 =	vpop (erf)  }
0x281: {  	v2 =	vpop (erf)  }
0x282: {  	v0 =	vmul.f32 v1, v0;
	v1 =	vpop (erf)  }
0x283: {  	v1 =	vadd.f32 $1.000000000e+00, v1  }
0x284: {  	[tilespmem:s9+$0x60] =	vst v0  }
0x285: {  	v0 =	vld [tilespmem:s12+$0x70];
	(erf) = vrcp.f32 v1  }
0x286: {  	v1 =	vld [tilespmem:s11+$0x70];
	_ =	sdelay $0x1  }
0x287: {  	v3 =	vld [tilespmem:s2+$0x70];
	_ =	sdelay $0x1  }
0x288: {  	v4 =	vld [tilespmem:s8+$0xFFFFFFE0]  }
0x289: {  	v0 =	vadd.f32 v1, v0;
	_ =	sdelay $0x1  }
0x28a: {  	v0 =	vadd.f32 v3, v0  }
0x28b: {  	v1 =	vpop (erf)  }
0x28c: {  	v0 =	vmul.f32 $1.442695020e+00, v0;
	v1 =	vmul.f32 v1, v4;
	_ =	sdelay $0x1  }
0x28d: {  	(erf) = vpow2.f32 v0;
	[tilespmem:s9+$0xFFFFFFE0] =	vst v1  }
0x28e: {  	v0 =	vld [tilespmem:s12+$0xFFFFFFF0]  }
0x28f: {  	v1 =	vld [tilespmem:s11+$0xFFFFFFF0];
	_ =	sdelay $0x1  }
0x290: {  	v3 =	vld [tilespmem:s2+$0xFFFFFFF0];
	_ =	sdelay $0x2  }
0x291: {  	v0 =	vadd.f32 v1, v0;
	_ =	sdelay $0x1  }
0x292: {  	v1 =	vpop (erf);
	v0 =	vadd.f32 v3, v0  }
0x293: {  	v1 =	vadd.f32 $1.000000000e+00, v1  }
0x294: {  	v0 =	vmul.f32 $1.442695020e+00, v0  }
0x295: {  	(erf) = vrcp.f32 v1  }
0x296: {  	(erf) = vpow2.f32 v0;
	_ =	sdelay $0x7  }
0x297: {  	v0 =	vpop (erf)  }
0x298: {  	v1 =	vpop (erf)  }
0x299: {  	v1 =	vadd.f32 $1.000000000e+00, v1;
	_ =	sdelay $0x1  }
0x29a: {  	(erf) = vrcp.f32 v1;
	_ =	sdelay $0x2  }
0x29b: {  	v1 =	vld [tilespmem:s28+$0xFFFFFFF0]  }
0x29c: {  	v3 =	vld [tilespmem:s8+$0x70]  }
0x29d: {  	v4 =	vld [tilespmem:s8+$0xFFFFFFF0];
	_ =	sdelay $0x2  }
0x29e: {  	p1 =	seq.s32 s18, $0x0;
	s7 =	sshll.u32 s15, $0x8;
	s17 =	simm.s32 $0x400;
	v1 =	vmul.f32 v2, v1  }
0x29f: {  	s17 =	simm.s32 @!p1 $0xC00;
	p1 =	seq.s32 s15, $0x9F;
	s0 =	sand.u32 $0x300, s7;
	v0 =	vmul.f32 v0, v3;
	v2 =	vpop (erf)  }
0x2a0: {  	s0 =	sor.u32 s0, s17;
	s1 =	sshll.u32 @!p1 s10, $0x8;
	s2 =	sshll.u32 @!p1 s10, $0x7;
	[tilespmem:s4+$0xFFFFFFF0] =	vst v1;
	v1 =	vmul.f32 v2, v4  }
0x2a1: {  	s1 =	sand.u32 @!p1 $0x800, s1;
	s24 =	rddreg [dreg:$0x2];
	s2 =	sand.u32 @!p1 $0x300, s2;
	[tilespmem:s9+$0x70] =	vst v0  }
0x2a2: {  	s1 =	sor.u32 @!p1 s2, s1;
	s8 =	simm.s32 $0x20;
	[tilespmem:s9+$0xFFFFFFF0] =	vst v1;
	s9 =	simm.s32 $0x9000  }
0x2a3: {  	[spmem:s24] =	stream.indirect.scatter.add.f32 [tilespmem:s9], [sflag:$0x3], $0x80, s0, s8, $0xb8;
	[tilespmem:$0x1EC00] =	vst v63  }
0x2a4: {  	s2 =	simm.s32 @!p1 $0x20;
	s0 =	sshll.u32 @!p1 s10, $0x5;
	s3 =	rddreg [dreg:$0xb]  }
0x2a5: {  	s4 =	rddreg [dreg:$0x4];
	s0 =	sadd.s32 @!p1 s3, s0;
	s3 =	simm.s32 @!p1 $0x1000  }
0x2a6: {  	[tilespmem:s3], [sflag:$0x1] =	stream.indirect.gather @!p1 [hbm4b:s4+s2], $0x80, s1, s2, $0xb8;
	[tilespmem:$0x1EC00] =	vst v63  }
0x2a7: {  	s0 =	smin.u32 @!p1 s0, $0x270E0;
	s3 =	rddreg [dreg:$0xa]  }
0x2a8: {  	s4 =	rddreg [dreg:$0x5];
	s0 =	sadd.s32 @!p1 s3, s0;
	s3 =	simm.s32 @!p1 $0x2000  }
0x2a9: {  	[tilespmem:s3], [sflag:$0x1] =	stream.indirect.gather @!p1 [hbm4b:s4+s2], $0x80, s1, s2, $0xb8;
	[tilespmem:$0x1EC00] =	vst v63  }
0x2aa: {  	s1 =	sor.u32 @!p1 $0x20, s1;
	s3 =	simm.s32 @!p1 $0x3000;
	s4 =	rddreg [dreg:$0x6]  }
0x2ab: {  	[tilespmem:s3], [sflag:$0x1] =	stream.indirect.gather @!p1 [hbm4b:s4+s2], $0x80, s1, s2, $0xb8;
	[tilespmem:$0x1EC00] =	vst v63  }
0x2ac: {  	s0 =	sshll.u32 @!p1 s0, $0x4;
	s1 =	rddreg [dreg:$0x7]  }
0x2ad: {  	s2 =	simm.s32 @!p1 $0x4000;
	s0 =	sadd.s32 @!p1 s1, s0;
	s1 =	simm.s32 @!p1 $0x0  }
0x2ae: {  	[tilespmem:s2], [sflag:$0x1] =	stream.linear.gather @!p1 [hbm4b:s0+s1], $0x1000, $0x38;
	[tilespmem:$0x1EC00] =	vst v63  }
0x2af: {  	_ =	swait.ge [sflag:s26], $0x1000  }
0x2b0: {  	[sflag:s26] =	ssyncset.done $0x0  }
0x2b1: {  	[sflag:s26] =	ssyncadd.s32 $0xFFFFF000  }
0x2b2: {  	_ =	swait.ge [sflag:s26], $0x1000  }
0x2b3: {  	[sflag:s26] =	ssyncset.done $0x0  }
0x2b4: {  	[sflag:s26] =	ssyncadd.s32 $0xFFFFF000  }
0x2b5: {  	_ =	swait.ge [sflag:s26], $0x1000  }
0x2b6: {  	[sflag:s26] =	ssyncset.done $0x0  }
0x2b7: {  	[sflag:s26] =	ssyncadd.s32 $0xFFFFF000  }
0x2b8: {  	_ =	swait.ge [sflag:s26], $0x1000  }
0x2b9: {  	[sflag:s26] =	ssyncset.done $0x0  }
0x2ba: {  	s0 =	simm.s32 @!p0 $0x3;
	[sflag:s26] =	ssyncadd.s32 $0xFFFFF000  }
0x2bb: {  	_ =	swait.ge @!p0 [sflag:s0], $0x1000  }
0x2bc: {  	[sflag:s0] =	ssyncset.done @!p0 $0x0  }
0x2bd: {  	s10 =	simm.s32 $0x5080;
	[sflag:s0] =	ssyncadd.s32 @!p0 $0xFFFFF000  }
0x2be: {  	s11 =	simm.s32 $0x7080;
	v0 =	vld [tilespmem:s10+$0x0]  }
0x2bf: {  	v1 =	vld [tilespmem:s11+$0x0]  }
0x2c0: {  	s16 =	simm.s32 $0x8080  }
0x2c1: {  	v2 =	vld [tilespmem:s16+$0x0];
	_ =	sdelay $0x2  }
0x2c2: {  	v0 =	vadd.f32 v1, v0  }
0x2c3: {  	v1 =	vld [tilespmem:s11+$0xFFFFFF80]  }
0x2c4: {  	v0 =	vadd.f32 v2, v0;
	v2 =	vld [tilespmem:s10+$0xFFFFFF80];
	_ =	sdelay $0x1  }
0x2c5: {  	v3 =	vld [tilespmem:s16+$0xFFFFFF80];
	v0 =	vmul.f32 $1.442695020e+00, v0;
	_ =	sdelay $0x1  }
0x2c6: {  	(erf) = vpow2.f32 v0  }
0x2c7: {  	v0 =	vadd.f32 v1, v2;
	_ =	sdelay $0x1  }
0x2c8: {  	v0 =	vadd.f32 v3, v0;
	_ =	sdelay $0x1  }
0x2c9: {  	v0 =	vmul.f32 $1.442695020e+00, v0;
	_ =	sdelay $0x1  }
0x2ca: {  	(erf) = vpow2.f32 v0;
	_ =	sdelay $0x1  }
0x2cb: {  	v0 =	vpop (erf)  }
0x2cc: {  	v0 =	vadd.f32 $1.000000000e+00, v0;
	_ =	sdelay $0x1  }
0x2cd: {  	(erf) = vrcp.f32 v0;
	_ =	sdelay $0x3  }
0x2ce: {  	s18 =	simm.s32 $0x6080;
	v0 =	vpop (erf)  }
0x2cf: {  	v1 =	vld [tilespmem:s18+$0x0];
	v0 =	vadd.f32 $1.000000000e+00, v0;
	_ =	sdelay $0x1  }
0x2d0: {  	(erf) = vrcp.f32 v0;
	_ =	sdelay $0x1  }
0x2d1: {  	v0 =	vpop (erf)  }
0x2d2: {  	v0 =	vmul.f32 v0, v1  }
0x2d3: {  	s19 =	simm.s32 $0xA080  }
0x2d4: {  	v1 =	vld [tilespmem:s18+$0xFFFFFF80];
	[tilespmem:s19+$0x0] =	vst v0  }
0x2d5: {  	v0 =	vld [tilespmem:s10+$0x10]  }
0x2d6: {  	v2 =	vld [tilespmem:s11+$0x10];
	_ =	sdelay $0x1  }
0x2d7: {  	v3 =	vld [tilespmem:s16+$0x10];
	v4 =	vpop (erf)  }
0x2d8: {  	v1 =	vmul.f32 v4, v1;
	_ =	sdelay $0x1  }
0x2d9: {  	v0 =	vadd.f32 v2, v0;
	[tilespmem:s19+$0xFFFFFF80] =	vst v1  }
0x2da: {  	v1 =	vld [tilespmem:s10+$0xFFFFFF90]  }
0x2db: {  	v0 =	vadd.f32 v3, v0;
	v2 =	vld [tilespmem:s11+$0xFFFFFF90];
	_ =	sdelay $0x1  }
0x2dc: {  	v3 =	vld [tilespmem:s16+$0xFFFFFF90];
	v0 =	vmul.f32 $1.442695020e+00, v0;
	_ =	sdelay $0x1  }
0x2dd: {  	(erf) = vpow2.f32 v0  }
0x2de: {  	v0 =	vadd.f32 v2, v1;
	_ =	sdelay $0x1  }
0x2df: {  	v0 =	vadd.f32 v3, v0;
	_ =	sdelay $0x1  }
0x2e0: {  	v0 =	vmul.f32 $1.442695020e+00, v0;
	_ =	sdelay $0x1  }
0x2e1: {  	(erf) = vpow2.f32 v0;
	_ =	sdelay $0x1  }
0x2e2: {  	v0 =	vpop (erf)  }
0x2e3: {  	v0 =	vadd.f32 $1.000000000e+00, v0;
	_ =	sdelay $0x1  }
0x2e4: {  	(erf) = vrcp.f32 v0;
	_ =	sdelay $0x1  }
0x2e5: {  	s31 =	simm.s32 $0x7180  }
0x2e6: {  	s0 =	simm.s32 $0x5180;
	v1 =	vld [tilespmem:s31+$0x0]  }
0x2e7: {  	v0 =	vld [tilespmem:s0+$0x0];
	v2 =	vpop (erf)  }
0x2e8: {  	s30 =	simm.s32 $0x8180;
	v3 =	vld [tilespmem:s18+$0x10];
	v2 =	vadd.f32 $1.000000000e+00, v2  }
0x2e9: {  	v4 =	vld [tilespmem:s30+$0x0]  }
0x2ea: {  	(erf) = vrcp.f32 v2;
	_ =	sdelay $0x1  }
0x2eb: {  	v5 =	vld [tilespmem:s31+$0xFFFFFF80];
	v0 =	vadd.f32 v1, v0;
	v1 =	vpop (erf)  }
0x2ec: {  	v1 =	vmul.f32 v1, v3;
	v3 =	vld [tilespmem:s0+$0xFFFFFF80]  }
0x2ed: {  	v2 =	vld [tilespmem:s18+$0xFFFFFF90];
	v0 =	vadd.f32 v4, v0  }
0x2ee: {  	v4 =	vld [tilespmem:s30+$0xFFFFFF80];
	[tilespmem:s19+$0x10] =	vst v1  }
0x2ef: {  	v0 =	vmul.f32 $1.442695020e+00, v0;
	v1 =	vld [tilespmem:s10+$0x20]  }
0x2f0: {  	v6 =	vld [tilespmem:s11+$0x20]  }
0x2f1: {  	(erf) = vpow2.f32 v0;
	v0 =	vadd.f32 v5, v3  }
0x2f2: {  	v3 =	vld [tilespmem:s16+$0x20];
	v5 =	vpop (erf)  }
0x2f3: {  	v2 =	vmul.f32 v5, v2;
	v0 =	vadd.f32 v4, v0;
	_ =	sdelay $0x1  }
0x2f4: {  	v1 =	vadd.f32 v6, v1;
	[tilespmem:s19+$0xFFFFFF90] =	vst v2;
	v0 =	vmul.f32 $1.442695020e+00, v0  }
0x2f5: {  	v2 =	vld [tilespmem:s10+$0xFFFFFFA0]  }
0x2f6: {  	v1 =	vadd.f32 v3, v1;
	v3 =	vld [tilespmem:s11+$0xFFFFFFA0];
	(erf) = vpow2.f32 v0;
	_ =	sdelay $0x1  }
0x2f7: {  	v0 =	vmul.f32 $1.442695020e+00, v1;
	v1 =	vld [tilespmem:s16+$0xFFFFFFA0]  }
0x2f8: {  	v4 =	vpop (erf)  }
0x2f9: {  	v4 =	vadd.f32 $1.000000000e+00, v4;
	(erf) = vpow2.f32 v0  }
0x2fa: {  	v0 =	vadd.f32 v3, v2  }
0x2fb: {  	(erf) = vrcp.f32 v4  }
0x2fc: {  	v0 =	vadd.f32 v1, v0;
	_ =	sdelay $0x1  }
0x2fd: {  	v0 =	vmul.f32 $1.442695020e+00, v0;
	v1 =	vpop (erf)  }
0x2fe: {  	s14 =	simm.s32 $0x6180;
	v1 =	vadd.f32 $1.000000000e+00, v1  }
0x2ff: {  	v2 =	vld [tilespmem:s14+$0x0];
	(erf) = vpow2.f32 v0  }
0x300: {  	(erf) = vrcp.f32 v1  }
0x301: {  	v0 =	vpop (erf)  }
0x302: {  	v0 =	vadd.f32 $1.000000000e+00, v0  }
0x303: {  	v1 =	vpop (erf)  }
0x304: {  	v1 =	vmul.f32 v1, v2;
	(erf) = vrcp.f32 v0  }
0x305: {  	s20 =	simm.s32 $0xA180;
	v0 =	vld [tilespmem:s14+$0xFFFFFF80]  }
0x306: {  	[tilespmem:s20+$0x0] =	vst v1  }
0x307: {  	v1 =	vld [tilespmem:s0+$0x10]  }
0x308: {  	v2 =	vld [tilespmem:s31+$0x10];
	v3 =	vpop (erf)  }
0x309: {  	v4 =	vld [tilespmem:s18+$0x20];
	v3 =	vadd.f32 $1.000000000e+00, v3;
	v5 =	vpop (erf)  }
0x30a: {  	v6 =	vld [tilespmem:s30+$0x10];
	v0 =	vmul.f32 v5, v0  }
0x30b: {  	(erf) = vrcp.f32 v3  }
0x30c: {  	[tilespmem:s20+$0xFFFFFF80] =	vst v0  }
0x30d: {  	v0 =	vadd.f32 v2, v1;
	v1 =	vpop (erf);
	v2 =	vld [tilespmem:s0+$0xFFFFFF90]  }
0x30e: {  	v1 =	vmul.f32 v1, v4;
	v4 =	vld [tilespmem:s31+$0xFFFFFF90]  }
0x30f: {  	v3 =	vld [tilespmem:s18+$0xFFFFFFA0];
	v0 =	vadd.f32 v6, v0  }
0x310: {  	v5 =	vld [tilespmem:s30+$0xFFFFFF90];
	[tilespmem:s19+$0x20] =	vst v1  }
0x311: {  	v0 =	vmul.f32 $1.442695020e+00, v0;
	v1 =	vld [tilespmem:s10+$0x30]  }
0x312: {  	v6 =	vld [tilespmem:s11+$0x30]  }
0x313: {  	(erf) = vpow2.f32 v0;
	v0 =	vadd.f32 v4, v2  }
0x314: {  	v2 =	vld [tilespmem:s16+$0x30];
	v4 =	vpop (erf)  }
0x315: {  	v0 =	vadd.f32 v5, v0;
	v3 =	vmul.f32 v4, v3;
	_ =	sdelay $0x1  }
0x316: {  	v1 =	vadd.f32 v6, v1;
	v0 =	vmul.f32 $1.442695020e+00, v0;
	[tilespmem:s19+$0xFFFFFFA0] =	vst v3  }
0x317: {  	v3 =	vld [tilespmem:s10+$0xFFFFFFB0]  }
0x318: {  	v1 =	vadd.f32 v2, v1;
	(erf) = vpow2.f32 v0;
	v0 =	vld [tilespmem:s11+$0xFFFFFFB0];
	_ =	sdelay $0x1  }
0x319: {  	v2 =	vld [tilespmem:s16+$0xFFFFFFB0];
	v1 =	vmul.f32 $1.442695020e+00, v1  }
0x31a: {  	v4 =	vpop (erf)  }
0x31b: {  	(erf) = vpow2.f32 v1;
	v4 =	vadd.f32 $1.000000000e+00, v4  }
0x31c: {  	v0 =	vadd.f32 v0, v3  }
0x31d: {  	(erf) = vrcp.f32 v4  }
0x31e: {  	v0 =	vadd.f32 v2, v0  }
0x31f: {  	s1 =	simm.s32 $0x5280  }
0x320: {  	s22 =	simm.s32 $0x7280;
	v1 =	vld [tilespmem:s1+$0x0];
	v0 =	vmul.f32 $1.442695020e+00, v0  }
0x321: {  	v3 =	vld [tilespmem:s22+$0x0];
	v2 =	vpop (erf)  }
0x322: {  	s13 =	simm.s32 $0x8280;
	v4 =	vld [tilespmem:s14+$0x10];
	v2 =	vadd.f32 $1.000000000e+00, v2  }
0x323: {  	v5 =	vld [tilespmem:s13+$0x0];
	(erf) = vpow2.f32 v0  }
0x324: {  	(erf) = vrcp.f32 v2;
	v0 =	vpop (erf)  }
0x325: {  	v0 =	vadd.f32 $1.000000000e+00, v0  }
0x326: {  	v6 =	vld [tilespmem:s22+$0xFFFFFF80];
	v1 =	vadd.f32 v3, v1;
	v3 =	vpop (erf)  }
0x327: {  	v3 =	vmul.f32 v3, v4;
	(erf) = vrcp.f32 v0;
	v0 =	vld [tilespmem:s1+$0xFFFFFF80]  }
0x328: {  	v2 =	vld [tilespmem:s14+$0xFFFFFF90];
	v1 =	vadd.f32 v5, v1  }
0x329: {  	v4 =	vld [tilespmem:s13+$0xFFFFFF80];
	[tilespmem:s20+$0x10] =	vst v3  }
0x32a: {  	v1 =	vmul.f32 $1.442695020e+00, v1;
	v3 =	vld [tilespmem:s0+$0x20]  }
0x32b: {  	v5 =	vld [tilespmem:s31+$0x20]  }
0x32c: {  	v7 =	vpop (erf);
	(erf) = vpow2.f32 v1;
	v1 =	vld [tilespmem:s18+$0x30];
	v0 =	vadd.f32 v6, v0  }
0x32d: {  	v8 =	vld [tilespmem:s30+$0x20];
	v6 =	vpop (erf)  }
0x32e: {  	v2 =	vmul.f32 v6, v2;
	v0 =	vadd.f32 v4, v0  }
0x32f: {  	v4 =	vadd.f32 $1.000000000e+00, v7  }
0x330: {  	[tilespmem:s20+$0xFFFFFF90] =	vst v2;
	v2 =	vadd.f32 v5, v3;
	v3 =	vpop (erf);
	v0 =	vmul.f32 $1.442695020e+00, v0  }
0x331: {  	v5 =	vld [tilespmem:s0+$0xFFFFFFA0];
	(erf) = vrcp.f32 v4;
	v1 =	vmul.f32 v3, v1  }
0x332: {  	v3 =	vld [tilespmem:s31+$0xFFFFFFA0];
	v2 =	vadd.f32 v8, v2;
	(erf) = vpow2.f32 v0  }
0x333: {  	v0 =	vld [tilespmem:s30+$0xFFFFFFA0];
	[tilespmem:s19+$0x30] =	vst v1  }
0x334: {  	v1 =	vmul.f32 $1.442695020e+00, v2;
	v2 =	vld [tilespmem:s10+$0x40]  }
0x335: {  	v6 =	vld [tilespmem:s11+$0x40]  }
0x336: {  	v4 =	vpop (erf)  }
0x337: {  	v4 =	vadd.f32 $1.000000000e+00, v4;
	(erf) = vpow2.f32 v1;
	v1 =	vadd.f32 v3, v5;
	v3 =	vld [tilespmem:s16+$0x40];
	_ =	sdelay $0x1  }
0x338: {  	(erf) = vrcp.f32 v4;
	v4 =	vld [tilespmem:s18+$0xFFFFFFB0];
	v0 =	vadd.f32 v0, v1  }
0x339: {  	v1 =	vadd.f32 v6, v2;
	v2 =	vpop (erf)  }
0x33a: {  	v0 =	vmul.f32 $1.442695020e+00, v0;
	v5 =	vpop (erf)  }
0x33b: {  	v1 =	vadd.f32 v3, v1;
	v3 =	vadd.f32 $1.000000000e+00, v5  }
0x33c: {  	s21 =	simm.s32 $0x6280;
	(erf) = vpow2.f32 v0  }
0x33d: {  	v0 =	vld [tilespmem:s21+$0x0];
	v2 =	vmul.f32 v2, v4;
	(erf) = vrcp.f32 v3  }
0x33e: {  	v1 =	vmul.f32 $1.442695020e+00, v1  }
0x33f: {  	[tilespmem:s19+$0xFFFFFFB0] =	vst v2;
	v3 =	vpop (erf)  }
0x340: {  	v4 =	vld [tilespmem:s11+$0xFFFFFFC0];
	(erf) = vpow2.f32 v1;
	v2 =	vadd.f32 $1.000000000e+00, v3  }
0x341: {  	v1 =	vld [tilespmem:s10+$0xFFFFFFC0];
	v3 =	vpop (erf)  }
0x342: {  	v0 =	vmul.f32 v3, v0;
	(erf) = vrcp.f32 v2;
	v2 =	vld [tilespmem:s21+$0xFFFFFF80]  }
0x343: {  	s29 =	simm.s32 $0xA280  }
0x344: {  	v3 =	vld [tilespmem:s16+$0xFFFFFFC0];
	[tilespmem:s29+$0x0] =	vst v0  }
0x345: {  	v0 =	vld [tilespmem:s1+$0x10];
	v5 =	vpop (erf)  }
0x346: {  	v6 =	vld [tilespmem:s22+$0x10];
	v7 =	vpop (erf)  }
0x347: {  	v1 =	vadd.f32 v4, v1;
	v4 =	vadd.f32 $1.000000000e+00, v5;
	v5 =	vld [tilespmem:s14+$0x20];
	v2 =	vmul.f32 v7, v2  }
0x348: {  	v8 =	vld [tilespmem:s13+$0x10]  }
0x349: {  	v1 =	vadd.f32 v3, v1;
	(erf) = vrcp.f32 v4;
	v3 =	vpop (erf)  }
0x34a: {  	v3 =	vadd.f32 $1.000000000e+00, v3;
	[tilespmem:s29+$0xFFFFFF80] =	vst v2  }
0x34b: {  	v1 =	vmul.f32 $1.442695020e+00, v1;
	v0 =	vadd.f32 v6, v0;
	v6 =	vld [tilespmem:s1+$0xFFFFFF90];
	v2 =	vpop (erf)  }
0x34c: {  	(erf) = vrcp.f32 v3;
	v3 =	vld [tilespmem:s22+$0xFFFFFF90];
	v2 =	vmul.f32 v2, v5  }
0x34d: {  	v4 =	vld [tilespmem:s14+$0xFFFFFFA0];
	v0 =	vadd.f32 v8, v0;
	(erf) = vpow2.f32 v1  }
0x34e: {  	v5 =	vld [tilespmem:s13+$0xFFFFFF90];
	[tilespmem:s20+$0x20] =	vst v2  }
0x34f: {  	v0 =	vmul.f32 $1.442695020e+00, v0;
	v1 =	vld [tilespmem:s0+$0x30]  }
0x350: {  	v2 =	vld [tilespmem:s31+$0x30]  }
0x351: {  	(erf) = vpow2.f32 v0;
	v0 =	vld [tilespmem:s18+$0x40];
	v3 =	vadd.f32 v3, v6  }
0x352: {  	v6 =	vld [tilespmem:s30+$0x30];
	v7 =	vpop (erf)  }
0x353: {  	v4 =	vmul.f32 v7, v4;
	v3 =	vadd.f32 v5, v3;
	_ =	sdelay $0x1  }
0x354: {  	[tilespmem:s20+$0xFFFFFFA0] =	vst v4;
	v1 =	vadd.f32 v2, v1;
	v2 =	vpop (erf);
	v3 =	vmul.f32 $1.442695020e+00, v3  }
0x355: {  	v4 =	vld [tilespmem:s0+$0xFFFFFFB0];
	v0 =	vmul.f32 v2, v0;
	v2 =	vpop (erf)  }
0x356: {  	v5 =	vld [tilespmem:s31+$0xFFFFFFB0];
	v1 =	vadd.f32 v6, v1;
	(erf) = vpow2.f32 v3;
	v2 =	vadd.f32 $1.000000000e+00, v2  }
0x357: {  	v3 =	vld [tilespmem:s30+$0xFFFFFFB0];
	[tilespmem:s19+$0x40] =	vst v0  }
0x358: {  	v0 =	vmul.f32 $1.442695020e+00, v1;
	v1 =	vld [tilespmem:s10+$0x50]  }
0x359: {  	v6 =	vld [tilespmem:s11+$0x50]  }
0x35a: {  	(erf) = vrcp.f32 v2;
	v2 =	vpop (erf)  }
0x35b: {  	v4 =	vadd.f32 v5, v4;
	(erf) = vpow2.f32 v0;
	v0 =	vld [tilespmem:s16+$0x50];
	v2 =	vadd.f32 $1.000000000e+00, v2;
	_ =	sdelay $0x1  }
0x35c: {  	(erf) = vrcp.f32 v2;
	v2 =	vadd.f32 v3, v4  }
0x35d: {  	v1 =	vadd.f32 v6, v1  }
0x35e: {  	s28 =	simm.s32 $0x7380;
	v7 =	vld [tilespmem:s18+$0xFFFFFFC0];
	v4 =	vpop (erf);
	v2 =	vmul.f32 $1.442695020e+00, v2  }
0x35f: {  	s25 =	simm.s32 $0x5380;
	v5 =	vld [tilespmem:s28+$0x0];
	v0 =	vadd.f32 v0, v1;
	v1 =	vadd.f32 $1.000000000e+00, v4  }
0x360: {  	v3 =	vld [tilespmem:s25+$0x0]  }
0x361: {  	s3 =	simm.s32 $0x8380;
	v4 =	vld [tilespmem:s21+$0x10];
	(erf) = vpow2.f32 v2  }
0x362: {  	v6 =	vld [tilespmem:s3+$0x0];
	v0 =	vmul.f32 $1.442695020e+00, v0;
	(erf) = vrcp.f32 v1;
	v2 =	vpop (erf)  }
0x363: {  	v1 =	vpop (erf)  }
0x364: {  	(erf) = vpow2.f32 v0;
	v1 =	vadd.f32 $1.000000000e+00, v1  }
0x365: {  	v8 =	vld [tilespmem:s25+$0xFFFFFF80];
	v3 =	vadd.f32 v5, v3;
	v5 =	vpop (erf)  }
0x366: {  	v0 =	vld [tilespmem:s28+$0xFFFFFF80];
	v4 =	vmul.f32 v5, v4;
	(erf) = vrcp.f32 v1  }
0x367: {  	v3 =	vadd.f32 v6, v3;
	v2 =	vmul.f32 v2, v7;
	v1 =	vld [tilespmem:s21+$0xFFFFFF90]  }
0x368: {  	v5 =	vld [tilespmem:s3+$0xFFFFFF80];
	[tilespmem:s29+$0x10] =	vst v4  }
0x369: {  	v3 =	vmul.f32 $1.442695020e+00, v3;
	v4 =	vld [tilespmem:s1+$0x20]  }
0x36a: {  	v6 =	vld [tilespmem:s22+$0x20];
	v7 =	vpop (erf)  }
0x36b: {  	[tilespmem:s19+$0xFFFFFFC0] =	vst v2;
	v0 =	vadd.f32 v0, v8;
	(erf) = vpow2.f32 v3;
	v3 =	vld [tilespmem:s14+$0x30];
	v2 =	vpop (erf)  }
0x36c: {  	v9 =	vld [tilespmem:s10+$0xFFFFFFD0];
	v1 =	vmul.f32 v2, v1  }
0x36d: {  	v8 =	vld [tilespmem:s13+$0x20];
	v7 =	vadd.f32 $1.000000000e+00, v7;
	v0 =	vadd.f32 v5, v0;
	v2 =	vpop (erf)  }
0x36e: {  	v5 =	vld [tilespmem:s11+$0xFFFFFFD0];
	v2 =	vadd.f32 $1.000000000e+00, v2;
	[tilespmem:s29+$0xFFFFFF90] =	vst v1  }
0x36f: {  	(erf) = vrcp.f32 v7;
	v0 =	vmul.f32 $1.442695020e+00, v0;
	v4 =	vadd.f32 v6, v4;
	v7 =	vld [tilespmem:s1+$0xFFFFFFA0];
	v6 =	vpop (erf)  }
0x370: {  	(erf) = vrcp.f32 v2;
	v2 =	vld [tilespmem:s22+$0xFFFFFFA0];
	v3 =	vmul.f32 v6, v3  }
0x371: {  	v1 =	vld [tilespmem:s16+$0xFFFFFFD0]  }
0x372: {  	(erf) = vpow2.f32 v0;
	v0 =	vadd.f32 v8, v4;
	v4 =	vld [tilespmem:s13+$0xFFFFFFA0];
	[tilespmem:s20+$0x30] =	vst v3  }
0x373: {  	v3 =	vadd.f32 v5, v9;
	v5 =	vld [tilespmem:s0+$0x40]  }
0x374: {  	v0 =	vmul.f32 $1.442695020e+00, v0;
	v8 =	vld [tilespmem:s31+$0x40]  }
0x375: {  	v6 =	vpop (erf);
	v2 =	vadd.f32 v2, v7;
	v7 =	vld [tilespmem:s14+$0xFFFFFFB0]  }
0x376: {  	v1 =	vadd.f32 v1, v3;
	v3 =	vadd.f32 $1.000000000e+00, v6;
	(erf) = vpow2.f32 v0;
	v0 =	vld [tilespmem:s18+$0x50]  }
0x377: {  	v6 =	vld [tilespmem:s30+$0x40]  }
0x378: {  	v1 =	vmul.f32 $1.442695020e+00, v1  }
0x379: {  	v2 =	vadd.f32 v4, v2;
	(erf) = vrcp.f32 v3  }
0x37a: {  	v3 =	vpop (erf);
	(erf) = vpow2.f32 v1;
	v1 =	vadd.f32 v8, v5  }
0x37b: {  	v2 =	vmul.f32 $1.442695020e+00, v2;
	v4 =	vpop (erf);
	v3 =	vmul.f32 v3, v7  }
0x37c: {  	v0 =	vmul.f32 v4, v0;
	v1 =	vadd.f32 v6, v1  }
0x37d: {  	s4 =	simm.s32 $0x6380;
	v5 =	vpop (erf);
	(erf) = vpow2.f32 v2  }
0x37e: {  	v2 =	vld [tilespmem:s4+$0x0];
	v5 =	vadd.f32 $1.000000000e+00, v5;
	[tilespmem:s19+$0x50] =	vst v0;
	v0 =	vmul.f32 $1.442695020e+00, v1  }
0x37f: {  	[tilespmem:s20+$0xFFFFFFB0] =	vst v3;
	v1 =	vld [tilespmem:s10+$0x60];
	v3 =	vpop (erf)  }
0x380: {  	(erf) = vrcp.f32 v5;
	v5 =	vld [tilespmem:s11+$0x60];
	v3 =	vadd.f32 $1.000000000e+00, v3  }
0x381: {  	v6 =	vld [tilespmem:s0+$0xFFFFFFC0]  }
0x382: {  	v7 =	vld [tilespmem:s16+$0x60];
	(erf) = vpow2.f32 v0;
	v0 =	vpop (erf)  }
0x383: {  	v8 =	vld [tilespmem:s31+$0xFFFFFFC0];
	(erf) = vrcp.f32 v3;
	v0 =	vmul.f32 v0, v2  }
0x384: {  	s2 =	simm.s32 $0xA380;
	v9 =	vld [tilespmem:s30+$0xFFFFFFC0];
	v3 =	vpop (erf)  }
0x385: {  	v2 =	vld [tilespmem:s4+$0xFFFFFF80];
	v3 =	vadd.f32 $1.000000000e+00, v3;
	[tilespmem:s2+$0x0] =	vst v0;
	v0 =	vadd.f32 v5, v1  }
0x386: {  	v5 =	vpop (erf);
	v1 =	vld [tilespmem:s25+$0x10]  }
0x387: {  	v5 =	vadd.f32 $1.000000000e+00, v5;
	(erf) = vrcp.f32 v3;
	v3 =	vld [tilespmem:s28+$0x10];
	v0 =	vadd.f32 v7, v0  }
0x388: {  	v6 =	vadd.f32 v8, v6;
	v8 =	vld [tilespmem:s21+$0x20]  }
0x389: {  	v7 =	vpop (erf);
	v0 =	vmul.f32 $1.442695020e+00, v0  }
0x38a: {  	(erf) = vrcp.f32 v5;
	v2 =	vmul.f32 v7, v2;
	v7 =	vld [tilespmem:s3+$0x10]  }
0x38b: {  	v5 =	vpop (erf);
	(erf) = vpow2.f32 v0  }
0x38c: {  	v10 =	vld [tilespmem:s18+$0xFFFFFFD0];
	v6 =	vadd.f32 v9, v6;
	[tilespmem:s2+$0xFFFFFF80] =	vst v2;
	v1 =	vadd.f32 v3, v1;
	v3 =	vpop (erf)  }
0x38d: {  	v2 =	vadd.f32 $1.000000000e+00, v5;
	v5 =	vld [tilespmem:s25+$0xFFFFFF90];
	v3 =	vmul.f32 v3, v8  }
0x38e: {  	v0 =	vmul.f32 $1.442695020e+00, v6;
	v6 =	vld [tilespmem:s28+$0xFFFFFF90]  }
0x38f: {  	v4 =	vld [tilespmem:s21+$0xFFFFFFA0];
	(erf) = vrcp.f32 v2;
	v1 =	vadd.f32 v7, v1  }
0x390: {  	v2 =	vld [tilespmem:s3+$0xFFFFFF90];
	(erf) = vpow2.f32 v0;
	[tilespmem:s29+$0x20] =	vst v3  }
0x391: {  	v1 =	vmul.f32 $1.442695020e+00, v1;
	v7 =	vld [tilespmem:s1+$0x30];
	v3 =	vpop (erf)  }
0x392: {  	v8 =	vld [tilespmem:s22+$0x30];
	v3 =	vmul.f32 v3, v10  }
0x393: {  	v5 =	vadd.f32 v6, v5;
	(erf) = vpow2.f32 v1;
	v1 =	vld [tilespmem:s14+$0x40];
	v6 =	vpop (erf)  }
0x394: {  	v4 =	vmul.f32 v6, v4;
	[tilespmem:s19+$0xFFFFFFD0] =	vst v3;
	v3 =	vld [tilespmem:s13+$0x30];
	v6 =	vpop (erf)  }
0x395: {  	v2 =	vadd.f32 v2, v5;
	v5 =	vld [tilespmem:s10+$0xFFFFFFE0];
	v6 =	vadd.f32 $1.000000000e+00, v6  }
0x396: {  	v10 =	vld [tilespmem:s11+$0xFFFFFFE0]  }
0x397: {  	[tilespmem:s29+$0xFFFFFFA0] =	vst v4;
	v4 =	vadd.f32 v8, v7  }
0x398: {  	v2 =	vmul.f32 $1.442695020e+00, v2;
	v8 =	vld [tilespmem:s16+$0xFFFFFFE0];
	v7 =	vpop (erf)  }
0x399: {  	v1 =	vmul.f32 v7, v1;
	(erf) = vrcp.f32 v6;
	v6 =	vpop (erf);
	v3 =	vadd.f32 v3, v4  }
0x39a: {  	v11 =	vld [tilespmem:s1+$0xFFFFFFB0];
	v4 =	vadd.f32 $1.000000000e+00, v6  }
0x39b: {  	(erf) = vpow2.f32 v2;
	v2 =	vld [tilespmem:s22+$0xFFFFFFB0];
	[tilespmem:s20+$0x40] =	vst v1;
	v5 =	vadd.f32 v10, v5;
	v1 =	vmul.f32 $1.442695020e+00, v3  }
0x39c: {  	v6 =	vld [tilespmem:s13+$0xFFFFFFB0];
	(erf) = vrcp.f32 v4  }
0x39d: {  	v7 =	vld [tilespmem:s31+$0x50];
	(erf) = vpow2.f32 v1;
	v1 =	vadd.f32 v8, v5  }
0x39e: {  	v3 =	vld [tilespmem:s0+$0x50]  }
0x39f: {  	v5 =	vld [tilespmem:s18+$0x60];
	v4 =	vpop (erf);
	v1 =	vmul.f32 $1.442695020e+00, v1  }
0x3a0: {  	v2 =	vadd.f32 v2, v11;
	v8 =	vld [tilespmem:s30+$0x50];
	v4 =	vadd.f32 $1.000000000e+00, v4  }
0x3a1: {  	s7 =	simm.s32 $0x7480  }
0x3a2: {  	s6 =	simm.s32 $0x5480;
	v44 =	vld [tilespmem:s7+$0xFFFFFF80];
	v2 =	vadd.f32 v6, v2;
	(erf) = vrcp.f32 v4  }
0x3a3: {  	v3 =	vadd.f32 v7, v3;
	v7 =	vld [tilespmem:s6+$0x0];
	(erf) = vpow2.f32 v1;
	v1 =	vpop (erf)  }
0x3a4: {  	v2 =	vmul.f32 $1.442695020e+00, v2;
	v11 =	vpop (erf);
	v1 =	vmul.f32 v1, v5;
	v5 =	vld [tilespmem:s7+$0x0]  }
0x3a5: {  	s9 =	simm.s32 $0x8480;
	v9 =	vld [tilespmem:s14+$0xFFFFFFC0];
	v3 =	vadd.f32 v8, v3;
	v11 =	vadd.f32 $1.000000000e+00, v11  }
0x3a6: {  	v10 =	vld [tilespmem:s9+$0x0];
	(erf) = vpow2.f32 v2  }
0x3a7: {  	v8 =	vld [tilespmem:s4+$0x10];
	v2 =	vmul.f32 $1.442695020e+00, v3  }
0x3a8: {  	v0 =	vld [tilespmem:s4+$0xFFFFFF90];
	[tilespmem:s19+$0x60] =	vst v1;
	(erf) = vrcp.f32 v11;
	v1 =	vpop (erf)  }
0x3a9: {  	v3 =	vld [tilespmem:s10+$0x70];
	v11 =	vpop (erf);
	(erf) = vpow2.f32 v2;
	v2 =	vadd.f32 v5, v7  }
0x3aa: {  	v43 =	vld [tilespmem:s11+$0x70];
	v11 =	vadd.f32 $1.000000000e+00, v11  }
0x3ab: {  	v1 =	vmul.f32 v1, v9;
	v7 =	vld [tilespmem:s16+$0x70];
	v5 =	vpop (erf);
	v2 =	vadd.f32 v10, v2  }
0x3ac: {  	v9 =	vld [tilespmem:s6+$0xFFFFFF80];
	v5 =	vmul.f32 v5, v8;
	(erf) = vrcp.f32 v11  }
0x3ad: {  	v6 =	vld [tilespmem:s18+$0xFFFFFFE0];
	[tilespmem:s20+$0xFFFFFFC0] =	vst v1;
	v8 =	vpop (erf);
	v2 =	vmul.f32 $1.442695020e+00, v2  }
0x3ae: {  	v1 =	vld [tilespmem:s9+$0xFFFFFF80];
	v8 =	vadd.f32 $1.000000000e+00, v8;
	[tilespmem:s2+$0x10] =	vst v5  }
0x3af: {  	v3 =	vadd.f32 v43, v3;
	v45 =	vpop (erf);
	v10 =	vld [tilespmem:s25+$0x20]  }
0x3b0: {  	v11 =	vld [tilespmem:s28+$0x20];
	(erf) = vrcp.f32 v8;
	v8 =	vadd.f32 $1.000000000e+00, v45  }
0x3b1: {  	v3 =	vadd.f32 v7, v3;
	v7 =	vadd.f32 v44, v9;
	v9 =	vld [tilespmem:s21+$0x30];
	(erf) = vpow2.f32 v2;
	v2 =	vpop (erf)  }
0x3b2: {  	v5 =	vld [tilespmem:s0+$0xFFFFFFD0];
	v0 =	vmul.f32 v2, v0  }
0x3b3: {  	v3 =	vmul.f32 $1.442695020e+00, v3;
	v1 =	vadd.f32 v1, v7;
	v7 =	vld [tilespmem:s31+$0xFFFFFFD0];
	(erf) = vrcp.f32 v8  }
0x3b4: {  	v2 =	vld [tilespmem:s3+$0x20];
	v8 =	vpop (erf);
	[tilespmem:s2+$0xFFFFFF90] =	vst v0  }
0x3b5: {  	(erf) = vpow2.f32 v3;
	v10 =	vadd.f32 v11, v10;
	v3 =	vld [tilespmem:s25+$0xFFFFFFA0];
	v11 =	vpop (erf)  }
0x3b6: {  	v8 =	vadd.f32 $1.000000000e+00, v8;
	v46 =	vld [tilespmem:s28+$0xFFFFFFA0];
	v9 =	vmul.f32 v11, v9  }
0x3b7: {  	v1 =	vmul.f32 $1.442695020e+00, v1;
	v0 =	vld [tilespmem:s30+$0xFFFFFFD0]  }
0x3b8: {  	v4 =	vld [tilespmem:s21+$0xFFFFFFB0];
	(erf) = vrcp.f32 v8  }
0x3b9: {  	(erf) = vpow2.f32 v1;
	v2 =	vadd.f32 v2, v10  }
0x3ba: {  	v5 =	vadd.f32 v7, v5;
	v1 =	vld [tilespmem:s3+$0xFFFFFFA0];
	[tilespmem:s29+$0x30] =	vst v9;
	v9 =	vpop (erf)  }
0x3bb: {  	v2 =	vmul.f32 $1.442695020e+00, v2;
	v7 =	vld [tilespmem:s1+$0x40];
	v3 =	vadd.f32 v46, v3;
	v10 =	vpop (erf)  }
0x3bc: {  	v11 =	vld [tilespmem:s22+$0x40];
	v0 =	vadd.f32 v0, v5;
	v5 =	vmul.f32 v9, v6;
	v6 =	vadd.f32 $1.000000000e+00, v10;
	v10 =	vpop (erf)  }
0x3bd: {  	(erf) = vpow2.f32 v2;
	v2 =	vld [tilespmem:s14+$0x50];
	v4 =	vmul.f32 v10, v4  }
0x3be: {  	v9 =	vld [tilespmem:s13+$0x40];
	v0 =	vmul.f32 $1.442695020e+00, v0  }
0x3bf: {  	v1 =	vadd.f32 v1, v3;
	(erf) = vrcp.f32 v6;
	v3 =	vpop (erf)  }
0x3c0: {  	(erf) = vpow2.f32 v0;
	v0 =	vadd.f32 $1.000000000e+00, v3  }
0x3c1: {  	s5 =	simm.s32 $0x6480;
	[tilespmem:s29+$0xFFFFFFB0] =	vst v4;
	v3 =	vadd.f32 v11, v7;
	v4 =	vpop (erf)  }
0x3c2: {  	v48 =	vld [tilespmem:s5+$0xFFFFFF80];
	v1 =	vmul.f32 $1.442695020e+00, v1;
	(erf) = vrcp.f32 v0;
	v10 =	vpop (erf)  }
0x3c3: {  	v16 =	vld [tilespmem:s4+$0x20];
	v3 =	vadd.f32 v9, v3;
	v2 =	vmul.f32 v4, v2;
	v0 =	vadd.f32 $1.000000000e+00, v10  }
0x3c4: {  	v8 =	vld [tilespmem:s4+$0xFFFFFFA0];
	(erf) = vpow2.f32 v1  }
0x3c5: {  	v1 =	vld [tilespmem:s5+$0x0];
	[tilespmem:s20+$0x50] =	vst v2;
	(erf) = vrcp.f32 v0;
	v0 =	vmul.f32 $1.442695020e+00, v3  }
0x3c6: {  	v3 =	vld [tilespmem:s0+$0x60]  }
0x3c7: {  	v9 =	vld [tilespmem:s31+$0x60];
	v2 =	vpop (erf)  }
0x3c8: {  	v11 =	vld [tilespmem:s1+$0xFFFFFFC0];
	v2 =	vadd.f32 $1.000000000e+00, v2  }
0x3c9: {  	v47 =	vld [tilespmem:s30+$0x60];
	(erf) = vpow2.f32 v0;
	v0 =	vpop (erf)  }
0x3ca: {  	[tilespmem:s19+$0xFFFFFFE0] =	vst v5;
	v4 =	vld [tilespmem:s22+$0xFFFFFFC0];
	(erf) = vrcp.f32 v2;
	v0 =	vmul.f32 v0, v1  }
0x3cb: {  	v6 =	vld [tilespmem:s10+$0xFFFFFFF0];
	s10 =	simm.s32 $0xA480;
	v1 =	vpop (erf)  }
0x3cc: {  	v49 =	vld [tilespmem:s13+$0xFFFFFFC0];
	v1 =	vadd.f32 $1.000000000e+00, v1;
	[tilespmem:s10+$0x0] =	vst v0;
	v0 =	vadd.f32 v9, v3;
	v9 =	vpop (erf)  }
0x3cd: {  	v3 =	vld [tilespmem:s6+$0x10];
	v15 =	vpop (erf)  }
0x3ce: {  	(erf) = vrcp.f32 v1;
	v1 =	vld [tilespmem:s7+$0x10];
	v15 =	vadd.f32 $1.000000000e+00, v15;
	v0 =	vadd.f32 v47, v0  }
0x3cf: {  	v7 =	vld [tilespmem:s11+$0xFFFFFFF0];
	v4 =	vadd.f32 v4, v11  }
0x3d0: {  	v51 =	vld [tilespmem:s9+$0x10];
	v50 =	vpop (erf);
	(erf) = vrcp.f32 v15  }
0x3d1: {  	v52 =	vld [tilespmem:s16+$0xFFFFFFF0];
	v4 =	vadd.f32 v49, v4  }
0x3d2: {  	v5 =	vld [tilespmem:s14+$0xFFFFFFD0];
	v12 =	vmul.f32 v50, v48;
	v11 =	vmul.f32 $1.442695020e+00, v0;
	v0 =	vpop (erf)  }
0x3d3: {  	v10 =	vld [tilespmem:s18+$0x70];
	v4 =	vmul.f32 $1.442695020e+00, v4;
	v1 =	vadd.f32 v1, v3;
	v53 =	vadd.f32 $1.000000000e+00, v0;
	v3 =	vpop (erf)  }
0x3d4: {  	v6 =	vadd.f32 v7, v6;
	v2 =	vld [tilespmem:s21+$0xFFFFFFC0];
	[tilespmem:s10+$0xFFFFFF80] =	vst v12;
	(erf) = vpow2.f32 v11;
	v54 =	vmul.f32 v3, v16  }
0x3d5: {  	v11 =	vld [tilespmem:s6+$0xFFFFFF90];
	v1 =	vadd.f32 v51, v1;
	(erf) = vrcp.f32 v53  }
0x3d6: {  	v6 =	vadd.f32 v52, v6;
	v7 =	vld [tilespmem:s7+$0xFFFFFF90];
	[tilespmem:s2+$0x20] =	vst v54  }
0x3d7: {  	(erf) = vpow2.f32 v4;
	v4 =	vpop (erf);
	v1 =	vmul.f32 $1.442695020e+00, v1;
	v56 =	vld [tilespmem:s25+$0x30]  }
0x3d8: {  	v6 =	vmul.f32 $1.442695020e+00, v6;
	v4 =	vmul.f32 v4, v5;
	v5 =	vld [tilespmem:s28+$0x30]  }
0x3d9: {  	v55 =	vld [tilespmem:s9+$0xFFFFFF90];
	(erf) = vpow2.f32 v1;
	v57 =	vpop (erf)  }
0x3da: {  	v1 =	vld [tilespmem:s21+$0x40];
	(erf) = vpow2.f32 v6;
	v6 =	vmul.f32 v57, v8  }
0x3db: {  	v0 =	vld [tilespmem:s18+$0xFFFFFFF0]  }
0x3dc: {  	v7 =	vadd.f32 v7, v11;
	[tilespmem:s20+$0xFFFFFFD0] =	vst v4;
	v4 =	vld [tilespmem:s3+$0x30]  }
0x3dd: {  	v3 =	vld [tilespmem:s5+$0xFFFFFF90];
	v11 =	vpop (erf);
	v5 =	vadd.f32 v5, v56  }
0x3de: {  	v7 =	vadd.f32 v55, v7;
	v8 =	vld [tilespmem:s0+$0xFFFFFFE0];
	[tilespmem:s2+$0xFFFFFFA0] =	vst v6;
	v6 =	vpop (erf)  }
0x3df: {  	v58 =	vld [tilespmem:s31+$0xFFFFFFE0];
	v1 =	vmul.f32 v6, v1;
	v6 =	vadd.f32 $1.000000000e+00, v11  }
0x3e0: {  	v59 =	vld [tilespmem:s30+$0xFFFFFFE0];
	v7 =	vmul.f32 $1.442695020e+00, v7  }
0x3e1: {  	v60 =	vld [tilespmem:s25+$0xFFFFFFB0];
	v4 =	vadd.f32 v4, v5;
	v5 =	vpop (erf);
	(erf) = vrcp.f32 v6  }
0x3e2: {  	v11 =	vld [tilespmem:s28+$0xFFFFFFB0];
	v5 =	vadd.f32 $1.000000000e+00, v5;
	(erf) = vpow2.f32 v7  }
0x3e3: {  	v61 =	vld [tilespmem:s3+$0xFFFFFFB0];
	[tilespmem:s29+$0x40] =	vst v1  }
0x3e4: {  	v4 =	vmul.f32 $1.442695020e+00, v4;
	v6 =	vadd.f32 v58, v8;
	v1 =	vld [tilespmem:s1+$0x50];
	(erf) = vrcp.f32 v5  }
0x3e5: {  	v9 =	vmul.f32 v9, v10;
	v7 =	vpop (erf);
	v8 =	vld [tilespmem:s22+$0x50]  }
0x3e6: {  	v5 =	vadd.f32 $1.000000000e+00, v7;
	v10 =	vadd.f32 v59, v6;
	v6 =	vld [tilespmem:s14+$0x60];
	v62 =	vpop (erf);
	(erf) = vpow2.f32 v4  }
0x3e7: {  	v7 =	vld [tilespmem:s13+$0x50];
	v11 =	vadd.f32 v11, v60;
	v63 =	vadd.f32 $1.000000000e+00, v62  }
0x3e8: {  	s12 =	simm.s32 $0x5480;
	s8 =	simm.s32 $0x6480;
	v4 =	vld [tilespmem:s4+$0xFFFFFFB0];
	(erf) = vrcp.f32 v5;
	v10 =	vmul.f32 $1.442695020e+00, v10  }
0x3e9: {  	s16 =	simm.s32 $0x8580;
	s11 =	simm.s32 $0x7480;
	[tilespmem:s19+$0x70] =	vst v9;
	s18 =	simm.s32 $0x8;
	v5 =	vld [tilespmem:s14+$0xFFFFFFE0];
	v9 =	vadd.f32 v61, v11;
	(erf) = vrcp.f32 v63  }
.LBB2_5:
0x3ea: {  	v11 =	vld [tilespmem:s16+$0x0];
	s6 =	sadd.s32 $0x100, s6;
	v1 =	vadd.f32 v8, v1;
	(erf) = vpow2.f32 v10;
	v8 =	vpop (erf)  }
0x3eb: {  	s7 =	sadd.s32 $0x100, s7;
	v10 =	vld [tilespmem:s6+$0x0];
	v12 =	vpop (erf);
	v13 =	vmul.f32 $1.442695020e+00, v9;
	v6 =	vmul.f32 v8, v6  }
0x3ec: {  	v8 =	vld [tilespmem:s7+$0x0];
	v14 =	vadd.f32 $1.000000000e+00, v12;
	v1 =	vadd.f32 v7, v1  }
0x3ed: {  	v7 =	vld [tilespmem:s5+$0x10];
	(erf) = vpow2.f32 v13;
	v9 =	vpop (erf);
	[tilespmem:s20+$0x60] =	vst v6  }
0x3ee: {  	(erf) = vrcp.f32 v14;
	v1 =	vmul.f32 $1.442695020e+00, v1;
	v6 =	vld [tilespmem:s0+$0x70]  }
0x3ef: {  	v2 =	vmul.f32 v9, v2;
	v12 =	vpop (erf);
	v9 =	vld [tilespmem:s31+$0x70]  }
0x3f0: {  	v13 =	vld [tilespmem:s7+$0xFFFFFF80];
	v12 =	vadd.f32 $1.000000000e+00, v12;
	(erf) = vpow2.f32 v1  }
0x3f1: {  	v1 =	vadd.f32 v8, v10;
	v8 =	vpop (erf);
	[tilespmem:s29+$0xFFFFFFC0] =	vst v2;
	v2 =	vld [tilespmem:s30+$0x70]  }
0x3f2: {  	v10 =	vld [tilespmem:s6+$0xFFFFFF80];
	v7 =	vmul.f32 v8, v7;
	(erf) = vrcp.f32 v12;
	v8 =	vpop (erf)  }
0x3f3: {  	s18 =	sadd.s32 $0x2, s18;
	v12 =	vld [tilespmem:s16+$0xFFFFFF80];
	v1 =	vadd.f32 v11, v1;
	v11 =	vpop (erf);
	v0 =	vmul.f32 v8, v0  }
0x3f4: {  	p0 =	slt.u32 s18, $0x1E;
	[tilespmem:s10+$0x10] =	vst v7;
	v7 =	vld [tilespmem:s1+$0xFFFFFFD0];
	v8 =	vadd.f32 $1.000000000e+00, v11;
	v6 =	vadd.f32 v9, v6  }
0x3f5: {  	v14 =	vmul.f32 $1.442695020e+00, v1;
	v9 =	vld [tilespmem:s12+$0x20];
	[tilespmem:s19+$0xFFFFFFF0] =	vst v0;
	s19 =	smov.u32 s20;
	s20 =	smov.u32 s29;
	s29 =	smov.u32 s2  }
0x3f6: {  	s2 =	smov.u32 s10;
	v0 =	vld [tilespmem:s11+$0x20];
	v11 =	vpop (erf);
	v2 =	vadd.f32 v2, v6;
	(erf) = vrcp.f32 v8  }
0x3f7: {  	v6 =	vadd.f32 v13, v10;
	(erf) = vpow2.f32 v14;
	v1 =	vpop (erf);
	v8 =	vadd.f32 $1.000000000e+00, v11;
	v10 =	vld [tilespmem:s4+$0x30]  }
0x3f8: {  	v1 =	vmul.f32 v1, v3;
	v3 =	vld [tilespmem:s9+$0x20];
	v2 =	vmul.f32 $1.442695020e+00, v2  }
0x3f9: {  	v6 =	vadd.f32 v12, v6;
	(erf) = vrcp.f32 v8;
	v8 =	vld [tilespmem:s22+$0xFFFFFFD0];
	v11 =	vpop (erf)  }
0x3fa: {  	[tilespmem:s10+$0xFFFFFF90] =	vst v1;
	v12 =	vld [tilespmem:s13+$0xFFFFFFD0];
	v1 =	vadd.f32 $1.000000000e+00, v11;
	(erf) = vpow2.f32 v2  }
0x3fb: {  	v2 =	vmul.f32 $1.442695020e+00, v6;
	v6 =	vld [tilespmem:s12+$0xFFFFFFA0];
	v0 =	vadd.f32 v0, v9;
	v9 =	vpop (erf)  }
0x3fc: {  	v11 =	vld [tilespmem:s11+$0xFFFFFFA0];
	v9 =	vmul.f32 v9, v10;
	(erf) = vrcp.f32 v1  }
0x3fd: {  	(erf) = vpow2.f32 v2;
	v2 =	vld [tilespmem:s9+$0xFFFFFFA0];
	v0 =	vadd.f32 v3, v0  }
0x3fe: {  	v1 =	vld [tilespmem:s5+$0xFFFFFFA0];
	[tilespmem:s29+$0x30] =	vst v9;
	v3 =	vadd.f32 v8, v7  }
0x3ff: {  	v0 =	vmul.f32 $1.442695020e+00, v0;
	v7 =	vld [tilespmem:s25+$0x40];
	v8 =	vpop (erf)  }
0x400: {  	v9 =	vpop (erf);
	v10 =	vld [tilespmem:s28+$0x40];
	v3 =	vadd.f32 v12, v3;
	v5 =	vmul.f32 v8, v5  }
0x401: {  	v8 =	vadd.f32 $1.000000000e+00, v9;
	v12 =	vadd.f32 v11, v6;
	(erf) = vpow2.f32 v0;
	v0 =	vld [tilespmem:s21+$0x50]  }
0x402: {  	v9 =	vld [tilespmem:s3+$0x40];
	v11 =	vpop (erf);
	v3 =	vmul.f32 $1.442695020e+00, v3;
	[tilespmem:s19+$0xFFFFFFE0] =	vst v5  }
0x403: {  	(erf) = vrcp.f32 v8;
	v2 =	vadd.f32 v2, v12;
	v4 =	vmul.f32 v11, v4;
	v5 =	vld [tilespmem:s21+$0xFFFFFFD0];
	v6 =	vpop (erf)  }
0x404: {  	(erf) = vpow2.f32 v3;
	v3 =	vld [tilespmem:s0+$0xFFFFFFF0];
	v6 =	vadd.f32 $1.000000000e+00, v6;
	s0 =	smov.u32 s1;
	s1 =	smov.u32 s25;
	s25 =	smov.u32 s12  }
0x405: {  	s12 =	smov.u32 s6;
	v2 =	vmul.f32 $1.442695020e+00, v2;
	[tilespmem:s29+$0xFFFFFFB0] =	vst v4;
	v4 =	vadd.f32 v10, v7;
	v7 =	vpop (erf);
	v8 =	vld [tilespmem:s31+$0xFFFFFFF0];
	s31 =	smov.u32 s22;
	s22 =	smov.u32 s28  }
0x406: {  	s28 =	smov.u32 s11;
	s11 =	smov.u32 s7;
	v10 =	vpop (erf);
	v11 =	vld [tilespmem:s1+$0xFFFFFFC0];
	v0 =	vmul.f32 v7, v0;
	(erf) = vrcp.f32 v6  }
0x407: {  	s5 =	sadd.s32 $0x100, s5;
	v10 =	vadd.f32 $1.000000000e+00, v10;
	(erf) = vpow2.f32 v2;
	v2 =	vld [tilespmem:s22+$0xFFFFFFC0];
	v4 =	vadd.f32 v9, v4  }
0x408: {  	v7 =	vld [tilespmem:s5+$0x0];
	[tilespmem:s20+$0x50] =	vst v0  }
0x409: {  	(erf) = vrcp.f32 v10;
	v0 =	vmul.f32 $1.442695020e+00, v4;
	v4 =	vld [tilespmem:s0+$0x60]  }
0x40a: {  	v6 =	vpop (erf);
	v9 =	vld [tilespmem:s31+$0x60];
	v8 =	vadd.f32 v8, v3  }
0x40b: {  	v13 =	vadd.f32 $1.000000000e+00, v6;
	(erf) = vpow2.f32 v0;
	v0 =	vld [tilespmem:s14+$0x70]  }
0x40c: {  	v6 =	vpop (erf);
	v10 =	vadd.f32 v2, v11;
	v11 =	vld [tilespmem:s13+$0x60]  }
0x40d: {  	v12 =	vld [tilespmem:s5+$0xFFFFFF80];
	v2 =	vmul.f32 v6, v7;
	(erf) = vrcp.f32 v13;
	v3 =	vpop (erf)  }
0x40e: {  	s10 =	sadd.s32 $0x100, s10;
	v6 =	vld [tilespmem:s3+$0xFFFFFFC0];
	v3 =	vadd.f32 $1.000000000e+00, v3  }
0x40f: {  	[tilespmem:s10+$0x0] =	vst v2;
	v2 =	vld [tilespmem:s4+$0xFFFFFFC0];
	v4 =	vadd.f32 v9, v4;
	v7 =	vpop (erf)  }
0x410: {  	v9 =	vld [tilespmem:s6+$0x10];
	v13 =	vpop (erf);
	(erf) = vrcp.f32 v3;
	v0 =	vmul.f32 v7, v0  }
0x411: {  	v3 =	vld [tilespmem:s7+$0x10];
	v14 =	vadd.f32 $1.000000000e+00, v13;
	v4 =	vadd.f32 v11, v4  }
0x412: {  	v11 =	vpop (erf);
	v13 =	vld [tilespmem:s8+$0x20];
	[tilespmem:s19+$0x70] =	vst v0  }
0x413: {  	v0 =	vmul.f32 v11, v12;
	v11 =	vld [tilespmem:s16+$0x10];
	v6 =	vadd.f32 v6, v10;
	v4 =	vmul.f32 $1.442695020e+00, v4  }
0x414: {  	(erf) = vrcp.f32 v14;
	v7 =	vpop (erf);
	v10 =	vld [tilespmem:s30+$0xFFFFFFF0];
	s30 =	smov.u32 s13;
	s13 =	smov.u32 s3;
	s3 =	smov.u32 s9  }
0x415: {  	[tilespmem:s10+$0xFFFFFF80] =	vst v0;
	v6 =	vmul.f32 $1.442695020e+00, v6;
	v7 =	vadd.f32 $1.000000000e+00, v7;
	(erf) = vpow2.f32 v4;
	v0 =	vld [tilespmem:s14+$0xFFFFFFF0];
	s14 =	smov.u32 s21;
	s21 =	smov.u32 s4;
	s4 =	smov.u32 s8  }
0x416: {  	s9 =	smov.u32 s16;
	s8 =	smov.u32 s5;
	v4 =	vld [tilespmem:s6+$0xFFFFFF90];
	v3 =	vadd.f32 v3, v9;
	v9 =	vpop (erf)  }
0x417: {  	v12 =	vld [tilespmem:s7+$0xFFFFFF90];
	v9 =	vmul.f32 v9, v13;
	(erf) = vrcp.f32 v7  }
0x418: {  	v7 =	vld [tilespmem:s16+$0xFFFFFF90];
	v11 =	vadd.f32 v11, v3;
	(erf) = vpow2.f32 v6  }
0x419: {  	v3 =	vld [tilespmem:s5+$0xFFFFFF90];
	[tilespmem:s2+$0x20] =	vst v9;
	v6 =	vpop (erf);
	v8 =	vadd.f32 v10, v8  }
0x41a: {  	v9 =	vmul.f32 $1.442695020e+00, v11;
	v10 =	vld [tilespmem:s25+$0x30];
	v5 =	vmul.f32 v6, v5  }
0x41b: {  	v6 =	vld [tilespmem:s28+$0x30];
	v13 =	vmul.f32 $1.442695020e+00, v8  }
0x41c: {  	v4 =	vadd.f32 v12, v4;
	(erf) = vpow2.f32 v9;
	v9 =	vld [tilespmem:s21+$0x40];
	[tilespmem:s20+$0xFFFFFFD0] =	vst v5  }
0x41d: {  	v5 =	vld [tilespmem:s3+$0x30];
	v11 =	vpop (erf);
	(erf) = vpow2.f32 v13  }
0x41e: {  	v4 =	vadd.f32 v7, v4;
	v1 =	vmul.f32 v11, v1;
	v7 =	vld [tilespmem:s0+$0xFFFFFFE0];
	v8 =	vpop (erf)  }
0x41f: {  	v11 =	vld [tilespmem:s31+$0xFFFFFFE0];
	v8 =	vadd.f32 $1.000000000e+00, v8  }
0x420: {  	v4 =	vmul.f32 $1.442695020e+00, v4;
	[tilespmem:s2+$0xFFFFFFA0] =	vst v1;
	v1 =	vadd.f32 v6, v10;
	v6 =	vpop (erf);
	v10 =	vld [tilespmem:s30+$0xFFFFFFE0]  }
0x421: {  	v12 =	vld [tilespmem:s25+$0xFFFFFFB0];
	v6 =	vmul.f32 v6, v9;
	v9 =	vpop (erf);
	(erf) = vrcp.f32 v8  }
0x422: {  	(erf) = vpow2.f32 v4;
	v4 =	vld [tilespmem:s28+$0xFFFFFFB0];
	v1 =	vadd.f32 v5, v1;
	v5 =	vadd.f32 $1.000000000e+00, v9  }
0x423: {  	v9 =	vld [tilespmem:s3+$0xFFFFFFB0];
	[tilespmem:s29+$0x40] =	vst v6  }
0x424: {  	v6 =	vmul.f32 $1.442695020e+00, v1;
	v1 =	vld [tilespmem:s1+$0x50];
	(erf) = vrcp.f32 v5;
	v5 =	vadd.f32 v11, v7  }
.Ltmp1:
0x425: {  	v7 =	vpop (erf);
	v8 =	vld [tilespmem:s22+$0x50];
	(pc) =	sbr.rel @p0 .LBB2_5-.Ltmp1, $4  }
0x426: {  	v11 =	vadd.f32 $1.000000000e+00, v7;
	(erf) = vpow2.f32 v6;
	v5 =	vadd.f32 v10, v5;
	v6 =	vld [tilespmem:s14+$0x60];
	v10 =	vpop (erf)  }
0x427: {  	v12 =	vadd.f32 v4, v12;
	v7 =	vld [tilespmem:s13+$0x50];
	v13 =	vadd.f32 $1.000000000e+00, v10  }
0x428: {  	(erf) = vrcp.f32 v11;
	v4 =	vld [tilespmem:s4+$0xFFFFFFB0];
	v10 =	vmul.f32 $1.442695020e+00, v5  }
0x429: {  	s16 =	sadd.s32 $0x100, s16;
	v9 =	vadd.f32 v9, v12;
	v5 =	vld [tilespmem:s14+$0xFFFFFFE0];
	(erf) = vrcp.f32 v13  }
0x42a: {  	_ =	sdelay $0x1  }
0x42b: {  	v1 =	vadd.f32 v8, v1;
	(erf) = vpow2.f32 v10;
	v25 =	vpop (erf)  }
0x42c: {  	v27 =	vld [tilespmem:s5+$0x10];
	v26 =	vpop (erf);
	v9 =	vmul.f32 $1.442695020e+00, v9;
	v6 =	vmul.f32 v25, v6  }
0x42d: {  	v10 =	vadd.f32 $1.000000000e+00, v26;
	v1 =	vadd.f32 v7, v1  }
0x42e: {  	(erf) = vpow2.f32 v9;
	v28 =	vpop (erf);
	[tilespmem:s20+$0x60] =	vst v6  }
0x42f: {  	(erf) = vrcp.f32 v10;
	v1 =	vmul.f32 $1.442695020e+00, v1;
	v6 =	vld [tilespmem:s0+$0x70];
	v29 =	vpop (erf)  }
0x430: {  	v30 =	vld [tilespmem:s31+$0x70];
	v9 =	vadd.f32 $1.000000000e+00, v29;
	v11 =	vpop (erf)  }
0x431: {  	(erf) = vpow2.f32 v1;
	v31 =	vmul.f32 v11, v27  }
0x432: {  	v32 =	vld [tilespmem:s30+$0x70];
	(erf) = vrcp.f32 v9  }
0x433: {  	[tilespmem:s10+$0x10] =	vst v31  }
0x434: {  	v1 =	vpop (erf);
	v33 =	vld [tilespmem:s12+$0x20]  }
0x435: {  	v34 =	vpop (erf);
	v6 =	vadd.f32 v30, v6;
	v35 =	vld [tilespmem:s11+$0x20]  }
0x436: {  	v37 =	vld [tilespmem:s4+$0x30];
	v2 =	vmul.f32 v28, v2;
	v36 =	vadd.f32 $1.000000000e+00, v34  }
0x437: {  	v6 =	vadd.f32 v32, v6;
	v38 =	vld [tilespmem:s9+$0x20];
	v12 =	vpop (erf)  }
0x438: {  	[tilespmem:s29+$0xFFFFFFC0] =	vst v2;
	(erf) = vrcp.f32 v36;
	v39 =	vpop (erf);
	v40 =	vadd.f32 $1.000000000e+00, v12  }
0x439: {  	v41 =	vld [tilespmem:s1+$0xFFFFFFD0];
	v42 =	vmul.f32 $1.442695020e+00, v6;
	v2 =	vmul.f32 v39, v3  }
0x43a: {  	v43 =	vld [tilespmem:s22+$0xFFFFFFD0];
	(erf) = vrcp.f32 v40;
	v44 =	vpop (erf);
	v9 =	vadd.f32 v35, v33  }
0x43b: {  	v45 =	vld [tilespmem:s13+$0xFFFFFFD0];
	[tilespmem:s10+$0xFFFFFF90] =	vst v2;
	(erf) = vpow2.f32 v42;
	v7 =	vadd.f32 $1.000000000e+00, v44;
	v46 =	vpop (erf)  }
0x43c: {  	v47 =	vld [tilespmem:s12+$0xFFFFFFA0];
	v3 =	vmul.f32 v46, v37;
	v8 =	vadd.f32 v38, v9  }
0x43d: {  	v48 =	vld [tilespmem:s11+$0xFFFFFFA0];
	(erf) = vrcp.f32 v7  }
0x43e: {  	v49 =	vld [tilespmem:s9+$0xFFFFFFA0];
	[tilespmem:s2+$0x30] =	vst v3;
	v50 =	vmul.f32 $1.442695020e+00, v8  }
0x43f: {  	v6 =	vadd.f32 v43, v41;
	v51 =	vld [tilespmem:s25+$0x40]  }
0x440: {  	v52 =	vld [tilespmem:s28+$0x40];
	(erf) = vpow2.f32 v50  }
0x441: {  	v53 =	vld [tilespmem:s21+$0x50];
	v2 =	vadd.f32 v45, v6  }
0x442: {  	v54 =	vpop (erf);
	v55 =	vld [tilespmem:s3+$0x40];
	v9 =	vadd.f32 v48, v47  }
0x443: {  	v2 =	vmul.f32 $1.442695020e+00, v2;
	v56 =	vpop (erf)  }
0x444: {  	v7 =	vadd.f32 v49, v9;
	v57 =	vpop (erf)  }
0x445: {  	(erf) = vpow2.f32 v2;
	v58 =	vadd.f32 $1.000000000e+00, v57;
	v8 =	vadd.f32 v52, v51  }
0x446: {  	v4 =	vmul.f32 v56, v4;
	v7 =	vmul.f32 $1.442695020e+00, v7;
	v59 =	vpop (erf)  }
0x447: {  	(erf) = vrcp.f32 v58;
	v60 =	vadd.f32 v55, v8;
	v3 =	vmul.f32 v59, v53  }
0x448: {  	[tilespmem:s2+$0xFFFFFFB0] =	vst v4;
	(erf) = vpow2.f32 v7  }
0x449: {  	v4 =	vld [tilespmem:s25+$0xFFFFFFC0];
	v2 =	vmul.f32 $1.442695020e+00, v60;
	[tilespmem:s29+$0x50] =	vst v3;
	v61 =	vpop (erf)  }
0x44a: {  	v62 =	vld [tilespmem:s1+$0x60];
	v3 =	vadd.f32 $1.000000000e+00, v61  }
0x44b: {  	v63 =	vld [tilespmem:s22+$0x60];
	(erf) = vpow2.f32 v2  }
0x44c: {  	v12 =	vld [tilespmem:s28+$0xFFFFFFC0];
	(erf) = vrcp.f32 v3  }
0x44d: {  	v13 =	vld [tilespmem:s13+$0x60]  }
0x44e: {  	v15 =	vld [tilespmem:s3+$0xFFFFFFC0];
	v14 =	vpop (erf)  }
0x44f: {  	v16 =	vadd.f32 $1.000000000e+00, v14  }
0x450: {  	v5 =	vmul.f32 v54, v5;
	v17 =	vadd.f32 v63, v62;
	v2 =	vpop (erf)  }
0x451: {  	v19 =	vld [tilespmem:s8+$0x20];
	v4 =	vadd.f32 v12, v4;
	(erf) = vrcp.f32 v16;
	v18 =	vpop (erf)  }
0x452: {  	[tilespmem:s20+$0xFFFFFFE0] =	vst v5;
	v20 =	vadd.f32 $1.000000000e+00, v18;
	v3 =	vadd.f32 v13, v17  }
0x453: {  	v21 =	vld [tilespmem:s0+$0xFFFFFFF0];
	v4 =	vadd.f32 v15, v4  }
0x454: {  	v22 =	vld [tilespmem:s31+$0xFFFFFFF0];
	v3 =	vmul.f32 $1.442695020e+00, v3;
	(erf) = vrcp.f32 v20;
	v23 =	vpop (erf)  }
0x455: {  	v26 =	vld [tilespmem:s21+$0xFFFFFFD0];
	v4 =	vmul.f32 $1.442695020e+00, v4;
	v5 =	vadd.f32 $1.000000000e+00, v23;
	v25 =	vpop (erf)  }
0x456: {  	v24 =	vld [tilespmem:s30+$0xFFFFFFF0];
	(erf) = vpow2.f32 v3;
	v27 =	vmul.f32 v25, v19  }
0x457: {  	(erf) = vrcp.f32 v5  }
0x458: {  	v28 =	vld [tilespmem:s5+$0xFFFFFFA0];
	(erf) = vpow2.f32 v4;
	[tilespmem:s10+$0x20] =	vst v27  }
0x459: {  	v29 =	vadd.f32 v22, v21;
	v30 =	vld [tilespmem:s12+$0x30]  }
0x45a: {  	v31 =	vpop (erf);
	v32 =	vld [tilespmem:s11+$0x30]  }
0x45b: {  	v33 =	vld [tilespmem:s4+$0x40];
	v3 =	vadd.f32 v24, v29;
	v6 =	vmul.f32 v31, v26  }
0x45c: {  	v34 =	vld [tilespmem:s9+$0x30]  }
0x45d: {  	v3 =	vmul.f32 $1.442695020e+00, v3;
	[tilespmem:s29+$0xFFFFFFD0] =	vst v6;
	v35 =	vpop (erf)  }
0x45e: {  	v36 =	vld [tilespmem:s1+$0xFFFFFFE0];
	v5 =	vmul.f32 v35, v28  }
0x45f: {  	v38 =	vld [tilespmem:s22+$0xFFFFFFE0];
	(erf) = vpow2.f32 v3;
	v37 =	vpop (erf);
	v4 =	vadd.f32 v32, v30  }
0x460: {  	v40 =	vld [tilespmem:s13+$0xFFFFFFE0];
	v3 =	vadd.f32 $1.000000000e+00, v37;
	[tilespmem:s10+$0xFFFFFFA0] =	vst v5;
	v39 =	vpop (erf)  }
0x461: {  	v41 =	vld [tilespmem:s12+$0xFFFFFFB0];
	v5 =	vmul.f32 v39, v33;
	v42 =	vpop (erf);
	v4 =	vadd.f32 v34, v4  }
0x462: {  	v43 =	vld [tilespmem:s11+$0xFFFFFFB0];
	(erf) = vrcp.f32 v3;
	v8 =	vadd.f32 $1.000000000e+00, v42  }
0x463: {  	v44 =	vld [tilespmem:s9+$0xFFFFFFB0];
	[tilespmem:s2+$0x40] =	vst v5;
	v4 =	vmul.f32 $1.442695020e+00, v4  }
0x464: {  	v5 =	vld [tilespmem:s25+$0x50];
	(erf) = vrcp.f32 v8  }
0x465: {  	v45 =	vld [tilespmem:s28+$0x50];
	(erf) = vpow2.f32 v4  }
0x466: {  	v46 =	vld [tilespmem:s21+$0x60]  }
0x467: {  	v6 =	vadd.f32 v38, v36;
	v47 =	vld [tilespmem:s3+$0x50]  }
0x468: {  	v48 =	vpop (erf);
	v3 =	vadd.f32 v43, v41  }
0x469: {  	v6 =	vadd.f32 v40, v6;
	v49 =	vadd.f32 $1.000000000e+00, v48  }
0x46a: {  	v3 =	vadd.f32 v44, v3;
	v5 =	vadd.f32 v45, v5  }
0x46b: {  	v6 =	vmul.f32 $1.442695020e+00, v6;
	(erf) = vrcp.f32 v49;
	v50 =	vpop (erf)  }
0x46c: {  	v3 =	vmul.f32 $1.442695020e+00, v3;
	v5 =	vadd.f32 v47, v5;
	v4 =	vmul.f32 v50, v46  }
0x46d: {  	(erf) = vpow2.f32 v6;
	v51 =	vpop (erf)  }
0x46e: {  	(erf) = vpow2.f32 v3;
	v52 =	vmul.f32 $1.442695020e+00, v5;
	[tilespmem:s29+$0x60] =	vst v4;
	v53 =	vpop (erf)  }
0x46f: {  	v54 =	vld [tilespmem:s1+$0x70];
	v4 =	vadd.f32 $1.000000000e+00, v53  }
0x470: {  	v55 =	vld [tilespmem:s22+$0x70];
	(erf) = vpow2.f32 v52  }
0x471: {  	(erf) = vrcp.f32 v4  }
0x472: {  	v56 =	vld [tilespmem:s13+$0x70]  }
0x473: {  	v57 =	vld [tilespmem:s4+$0xFFFFFFC0];
	_ =	sdelay $0x1  }
0x474: {  	v3 =	vpop (erf);
	v5 =	vadd.f32 v55, v54  }
0x475: {  	v59 =	vld [tilespmem:s8+$0x30];
	v58 =	vpop (erf)  }
0x476: {  	v7 =	vadd.f32 $1.000000000e+00, v58;
	v60 =	vpop (erf);
	v4 =	vadd.f32 v56, v5  }
0x477: {  	v61 =	vmul.f32 v51, v57;
	v62 =	vadd.f32 $1.000000000e+00, v60  }
0x478: {  	(erf) = vrcp.f32 v7;
	v4 =	vmul.f32 $1.442695020e+00, v4;
	v63 =	vpop (erf)  }
0x479: {  	[tilespmem:s2+$0xFFFFFFC0] =	vst v61;
	(erf) = vrcp.f32 v62;
	v10 =	vadd.f32 $1.000000000e+00, v63;
	v11 =	vpop (erf)  }
0x47a: {  	v12 =	vld [tilespmem:s25+$0xFFFFFFD0];
	(erf) = vpow2.f32 v4;
	v13 =	vmul.f32 v11, v59  }
0x47b: {  	v14 =	vld [tilespmem:s28+$0xFFFFFFD0];
	(erf) = vrcp.f32 v10  }
0x47c: {  	v15 =	vld [tilespmem:s3+$0xFFFFFFD0];
	[tilespmem:s10+$0x30] =	vst v13  }
0x47d: {  	v4 =	vld [tilespmem:s12+$0x40]  }
0x47e: {  	v16 =	vld [tilespmem:s11+$0x40]  }
0x47f: {  	v17 =	vld [tilespmem:s4+$0x50]  }
0x480: {  	v6 =	vadd.f32 v14, v12;
	v18 =	vld [tilespmem:s9+$0x40]  }
0x481: {  	v19 =	vpop (erf)  }
0x482: {  	v20 =	vld [tilespmem:s8+$0xFFFFFFB0];
	v5 =	vadd.f32 v15, v6;
	v21 =	vpop (erf)  }
0x483: {  	v22 =	vpop (erf);
	v4 =	vadd.f32 v16, v4  }
0x484: {  	v5 =	vmul.f32 $1.442695020e+00, v5;
	v23 =	vpop (erf)  }
0x485: {  	v8 =	vmul.f32 v23, v17;
	v4 =	vadd.f32 v18, v4  }
0x486: {  	(erf) = vpow2.f32 v5;
	v24 =	vadd.f32 $1.000000000e+00, v22  }
0x487: {  	v25 =	vld [tilespmem:s21+$0xFFFFFFE0];
	v6 =	vmul.f32 v21, v20;
	[tilespmem:s2+$0x50] =	vst v8;
	v4 =	vmul.f32 $1.442695020e+00, v4  }
0x488: {  	(erf) = vrcp.f32 v24;
	v26 =	vld [tilespmem:s25+$0x60]  }
0x489: {  	[tilespmem:s10+$0xFFFFFFB0] =	vst v6;
	v27 =	vld [tilespmem:s28+$0x60];
	(erf) = vpow2.f32 v4  }
0x48a: {  	v28 =	vld [tilespmem:s12+$0xFFFFFFC0]  }
0x48b: {  	v8 =	vld [tilespmem:s3+$0x60]  }
0x48c: {  	v29 =	vld [tilespmem:s11+$0xFFFFFFC0];
	_ =	sdelay $0x1  }
0x48d: {  	v30 =	vld [tilespmem:s9+$0xFFFFFFC0];
	v5 =	vadd.f32 v27, v26  }
0x48e: {  	v31 =	vpop (erf)  }
0x48f: {  	v7 =	vmul.f32 v19, v25;
	v6 =	vadd.f32 $1.000000000e+00, v31;
	v5 =	vadd.f32 v8, v5  }
0x490: {  	v32 =	vadd.f32 v29, v28;
	v4 =	vpop (erf)  }
0x491: {  	[tilespmem:s29+$0xFFFFFFE0] =	vst v7;
	(erf) = vrcp.f32 v6;
	v5 =	vmul.f32 $1.442695020e+00, v5;
	v33 =	vpop (erf)  }
0x492: {  	v7 =	vld [tilespmem:s1+$0xFFFFFFF0];
	v8 =	vadd.f32 v30, v32;
	v6 =	vadd.f32 $1.000000000e+00, v33  }
0x493: {  	v34 =	vld [tilespmem:s22+$0xFFFFFFF0];
	(erf) = vpow2.f32 v5  }
0x494: {  	v35 =	vmul.f32 $1.442695020e+00, v8;
	(erf) = vrcp.f32 v6  }
0x495: {  	v36 =	vld [tilespmem:s13+$0xFFFFFFF0]  }
0x496: {  	v37 =	vld [tilespmem:s4+$0xFFFFFFD0];
	(erf) = vpow2.f32 v35;
	_ =	sdelay $0x1  }
0x497: {  	v38 =	vadd.f32 v34, v7  }
0x498: {  	v39 =	vld [tilespmem:s8+$0x40]  }
0x499: {  	v5 =	vadd.f32 v36, v38;
	v40 =	vpop (erf)  }
0x49a: {  	v41 =	vmul.f32 v40, v37  }
0x49b: {  	v5 =	vmul.f32 $1.442695020e+00, v5;
	v42 =	vpop (erf)  }
0x49c: {  	[tilespmem:s2+$0xFFFFFFD0] =	vst v41;
	v43 =	vadd.f32 $1.000000000e+00, v42;
	v44 =	vpop (erf)  }
0x49d: {  	v45 =	vld [tilespmem:s25+$0xFFFFFFE0];
	(erf) = vpow2.f32 v5;
	v7 =	vmul.f32 v44, v39  }
0x49e: {  	v46 =	vld [tilespmem:s28+$0xFFFFFFE0];
	v47 =	vpop (erf);
	(erf) = vrcp.f32 v43  }
0x49f: {  	v48 =	vld [tilespmem:s3+$0xFFFFFFE0];
	v9 =	vadd.f32 $1.000000000e+00, v47;
	[tilespmem:s10+$0x40] =	vst v7  }
0x4a0: {  	v7 =	vld [tilespmem:s12+$0x50]  }
0x4a1: {  	(erf) = vrcp.f32 v9;
	v49 =	vld [tilespmem:s11+$0x50]  }
0x4a2: {  	v50 =	vld [tilespmem:s4+$0x60]  }
0x4a3: {  	v51 =	vld [tilespmem:s9+$0x50]  }
0x4a4: {  	v5 =	vadd.f32 v46, v45;
	_ =	sdelay $0x1  }
0x4a5: {  	v52 =	vld [tilespmem:s8+$0xFFFFFFC0];
	v5 =	vadd.f32 v48, v5;
	v53 =	vpop (erf);
	v7 =	vadd.f32 v49, v7  }
0x4a6: {  	v6 =	vadd.f32 $1.000000000e+00, v53;
	v54 =	vpop (erf)  }
0x4a7: {  	v5 =	vmul.f32 $1.442695020e+00, v5;
	v9 =	vmul.f32 v54, v50;
	v7 =	vadd.f32 v51, v7  }
0x4a8: {  	(erf) = vrcp.f32 v6  }
0x4a9: {  	(erf) = vpow2.f32 v5;
	v55 =	vpop (erf);
	[tilespmem:s2+$0x60] =	vst v9;
	v56 =	vmul.f32 $1.442695020e+00, v7  }
0x4aa: {  	v57 =	vld [tilespmem:s25+$0x70];
	v5 =	vmul.f32 v55, v52  }
0x4ab: {  	v58 =	vld [tilespmem:s28+$0x70];
	(erf) = vpow2.f32 v56  }
0x4ac: {  	v59 =	vld [tilespmem:s3+$0x70];
	[tilespmem:s10+$0xFFFFFFC0] =	vst v5  }
0x4ad: {  	v60 =	vld [tilespmem:s12+$0xFFFFFFD0]  }
0x4ae: {  	v61 =	vld [tilespmem:s11+$0xFFFFFFD0];
	_ =	sdelay $0x1  }
0x4af: {  	v62 =	vld [tilespmem:s9+$0xFFFFFFD0];
	v7 =	vadd.f32 v58, v57  }
0x4b0: {  	v63 =	vpop (erf)  }
0x4b1: {  	v13 =	vpop (erf);
	v5 =	vadd.f32 v59, v7  }
0x4b2: {  	v14 =	vadd.f32 $1.000000000e+00, v13;
	v6 =	vadd.f32 v61, v60  }
0x4b3: {  	v5 =	vmul.f32 $1.442695020e+00, v5;
	v15 =	vpop (erf)  }
0x4b4: {  	(erf) = vrcp.f32 v14;
	v6 =	vadd.f32 v62, v6;
	v16 =	vadd.f32 $1.000000000e+00, v15  }
0x4b5: {  	(erf) = vpow2.f32 v5  }
0x4b6: {  	v17 =	vmul.f32 $1.442695020e+00, v6;
	(erf) = vrcp.f32 v16;
	_ =	sdelay $0x1  }
0x4b7: {  	(erf) = vpow2.f32 v17;
	_ =	sdelay $0x1  }
0x4b8: {  	v18 =	vld [tilespmem:s4+$0xFFFFFFE0]  }
0x4b9: {  	v19 =	vld [tilespmem:s8+$0x50];
	_ =	sdelay $0x1  }
0x4ba: {  	v20 =	vpop (erf)  }
0x4bb: {  	v21 =	vpop (erf)  }
0x4bc: {  	v5 =	vmul.f32 v20, v18;
	v22 =	vpop (erf)  }
0x4bd: {  	v6 =	vmul.f32 v22, v19  }
0x4be: {  	[tilespmem:s2+$0xFFFFFFE0] =	vst v5;
	v23 =	vadd.f32 $1.000000000e+00, v21;
	v24 =	vpop (erf)  }
0x4bf: {  	v25 =	vld [tilespmem:s25+$0xFFFFFFF0];
	v26 =	vadd.f32 $1.000000000e+00, v24;
	[tilespmem:s10+$0x50] =	vst v6  }
0x4c0: {  	(erf) = vrcp.f32 v23;
	v27 =	vld [tilespmem:s12+$0x60]  }
0x4c1: {  	v28 =	vld [tilespmem:s11+$0x60];
	(erf) = vrcp.f32 v26  }
0x4c2: {  	v29 =	vld [tilespmem:s28+$0xFFFFFFF0]  }
0x4c3: {  	v30 =	vld [tilespmem:s9+$0x60]  }
0x4c4: {  	v31 =	vld [tilespmem:s3+$0xFFFFFFF0];
	_ =	sdelay $0x1  }
0x4c5: {  	v32 =	vld [tilespmem:s8+$0xFFFFFFD0];
	v5 =	vadd.f32 v28, v27  }
0x4c6: {  	v6 =	vadd.f32 v29, v25  }
0x4c7: {  	v5 =	vadd.f32 v30, v5  }
0x4c8: {  	v6 =	vadd.f32 v31, v6;
	v33 =	vpop (erf)  }
0x4c9: {  	v5 =	vmul.f32 $1.442695020e+00, v5;
	v34 =	vpop (erf)  }
0x4ca: {  	v6 =	vmul.f32 $1.442695020e+00, v6;
	v8 =	vmul.f32 v34, v32  }
0x4cb: {  	(erf) = vpow2.f32 v5  }
0x4cc: {  	[tilespmem:s10+$0xFFFFFFD0] =	vst v8;
	(erf) = vpow2.f32 v6  }
0x4cd: {  	v35 =	vld [tilespmem:s12+$0xFFFFFFE0]  }
0x4ce: {  	v36 =	vld [tilespmem:s11+$0xFFFFFFE0];
	_ =	sdelay $0x1  }
0x4cf: {  	v8 =	vld [tilespmem:s9+$0xFFFFFFE0];
	_ =	sdelay $0x2  }
0x4d0: {  	v5 =	vadd.f32 v36, v35  }
0x4d1: {  	v37 =	vpop (erf)  }
0x4d2: {  	v5 =	vadd.f32 v8, v5;
	v6 =	vadd.f32 $1.000000000e+00, v37;
	v38 =	vpop (erf)  }
0x4d3: {  	v8 =	vadd.f32 $1.000000000e+00, v38  }
0x4d4: {  	v5 =	vmul.f32 $1.442695020e+00, v5;
	(erf) = vrcp.f32 v6  }
0x4d5: {  	(erf) = vrcp.f32 v8  }
0x4d6: {  	(erf) = vpow2.f32 v5;
	_ =	sdelay $0x3  }
0x4d7: {  	v39 =	vld [tilespmem:s8+$0x60];
	_ =	sdelay $0x2  }
0x4d8: {  	v6 =	vpop (erf)  }
0x4d9: {  	v8 =	vpop (erf)  }
0x4da: {  	v5 =	vmul.f32 v6, v39;
	v40 =	vpop (erf)  }
0x4db: {  	v6 =	vadd.f32 $1.000000000e+00, v40  }
0x4dc: {  	[tilespmem:s10+$0x60] =	vst v5  }
0x4dd: {  	v5 =	vld [tilespmem:s12+$0x70];
	(erf) = vrcp.f32 v6  }
0x4de: {  	v41 =	vld [tilespmem:s11+$0x70];
	_ =	sdelay $0x1  }
0x4df: {  	v42 =	vld [tilespmem:s9+$0x70];
	_ =	sdelay $0x1  }
0x4e0: {  	v43 =	vld [tilespmem:s8+$0xFFFFFFE0]  }
0x4e1: {  	v5 =	vadd.f32 v41, v5;
	_ =	sdelay $0x1  }
0x4e2: {  	v5 =	vadd.f32 v42, v5  }
0x4e3: {  	v44 =	vpop (erf)  }
0x4e4: {  	v5 =	vmul.f32 $1.442695020e+00, v5;
	v6 =	vmul.f32 v44, v43;
	_ =	sdelay $0x1  }
0x4e5: {  	(erf) = vpow2.f32 v5;
	[tilespmem:s10+$0xFFFFFFE0] =	vst v6  }
0x4e6: {  	v45 =	vld [tilespmem:s12+$0xFFFFFFF0]  }
0x4e7: {  	v6 =	vld [tilespmem:s11+$0xFFFFFFF0];
	_ =	sdelay $0x1  }
0x4e8: {  	v46 =	vld [tilespmem:s9+$0xFFFFFFF0];
	_ =	sdelay $0x2  }
0x4e9: {  	v5 =	vadd.f32 v6, v45;
	_ =	sdelay $0x1  }
0x4ea: {  	v47 =	vpop (erf);
	v5 =	vadd.f32 v46, v5  }
0x4eb: {  	v6 =	vadd.f32 $1.000000000e+00, v47  }
0x4ec: {  	v5 =	vmul.f32 $1.442695020e+00, v5  }
0x4ed: {  	(erf) = vrcp.f32 v6  }
0x4ee: {  	(erf) = vpow2.f32 v5;
	_ =	sdelay $0x7  }
0x4ef: {  	v48 =	vpop (erf)  }
0x4f0: {  	v49 =	vpop (erf)  }
0x4f1: {  	v50 =	vld [tilespmem:s14+$0x70];
	v6 =	vadd.f32 $1.000000000e+00, v49  }
0x4f2: {  	v51 =	vld [tilespmem:s14+$0xFFFFFFF0]  }
0x4f3: {  	v52 =	vld [tilespmem:s21+$0x70];
	(erf) = vrcp.f32 v6  }
0x4f4: {  	v53 =	vld [tilespmem:s21+$0xFFFFFFF0]  }
0x4f5: {  	v0 =	vmul.f32 v1, v0;
	v54 =	vld [tilespmem:s4+$0x70]  }
0x4f6: {  	v2 =	vmul.f32 v2, v50;
	v13 =	vld [tilespmem:s4+$0xFFFFFFF0]  }
0x4f7: {  	[tilespmem:s19+$0xFFFFFFF0] =	vst v0;
	v55 =	vmul.f32 v3, v51;
	v56 =	vld [tilespmem:s8+$0x70]  }
0x4f8: {  	[tilespmem:s20+$0x70] =	vst v2;
	v58 =	vmul.f32 v4, v52;
	v57 =	vld [tilespmem:s8+$0xFFFFFFF0]  }
0x4f9: {  	[tilespmem:s20+$0xFFFFFFF0] =	vst v55;
	v59 =	vmul.f32 v63, v53  }
0x4fa: {  	[tilespmem:s29+$0x70] =	vst v58;
	v1 =	vmul.f32 v33, v54  }
0x4fb: {  	[tilespmem:s29+$0xFFFFFFF0] =	vst v59;
	v60 =	vmul.f32 v8, v13  }
0x4fc: {  	s15 =	sadd.s32 $0x1, s15;
	[tilespmem:s2+$0x70] =	vst v1;
	v61 =	vmul.f32 v48, v56;
	v62 =	vpop (erf)  }
0x4fd: {  	p0 =	sne.s32 s15, $0xA0;
	[tilespmem:s2+$0xFFFFFFF0] =	vst v60;
	v63 =	vmul.f32 v62, v57  }
.Ltmp2:
0x4fe: {  	[tilespmem:s10+$0x70] =	vst v61;
	(pc) =	sbr.rel @p0 .LBB2_2-.Ltmp2, $4  }
0x4ff: {  	[tilespmem:s10+$0xFFFFFFF0] =	vst v63  }
0x500: {  	s30 =	rddreg [dreg:$0x16]  }
0x501: {  	s31 =	simm.s32 $0xA000;
	s4 =	simm.s32 $0x20;
	s0 =	sadd.s32 s30, s17  }
0x502: {  	[spmem:s24] =	stream.indirect.scatter.add.f32 [tilespmem:s31], [sflag:$0x3], $0x80, s0, s4, $0xb8;
	[tilespmem:$0x1EC00] =	vst v63  }
0x503: {  	s0 =	simm.s32 $0x3  }
0x504: {  	_ =	swait.ge [sflag:s0], $0x1000  }
0x505: {  	[sflag:s0] =	ssyncset.done $0x0  }
0x506: {  	[sflag:s0] =	ssyncadd.s32 $0xFFFFF000  }
0x507: {  	_ =	swait.ge [sflag:s0], $0x1000  }
0x508: {  	[sflag:s0] =	ssyncset.done $0x0  }
0x509: {  	[sflag:s0] =	ssyncadd.s32 $0xFFFFF000  }
0x50a: {  	[bflag:$0x0] =	sbarrier.arrive $0xFFFF  }
0x50b: {  	s8 =	rddreg [dreg:$0xd]  }
0x50c: {  	s30 =	rddreg [dreg:$0x12]  }
0x50d: {  	s2 =	simm.s32 $0x4;
	s1 =	rddreg [dreg:$0x14]  }
0x50e: {  	[hbm:s30], [sflag:s8] =	dma.local [spmem:s1], $0x2780  }
0x50f: {  	_ =	swait.ge [sflag:s2], $0x2780  }
0x510: {  	s3 =	rddreg [dreg:$0x15]  }
0x511: {  	s31 =	rddreg [dreg:$0x13];
	s3 =	sadd.s32 $0x1, s3  }
0x512: {  	p0 =	sne.s32 s3, s31  }
.Ltmp3:
0x513: {  	_ = 	snop;
	(pc) =	sbr.rel @p0 .LBB2_1-.Ltmp3, $3  }
0x514: {  	_ =	sdelay $0x1  }
0x515: {  	[sflag:s2] =	ssyncset.done $0x0  }
0x516: {  	[sflag:s2] =	ssyncadd.s32 $0xFFFFD880  }
0x517: {  	_ =	sfence.sel $0x180000  }
0x518: {  	[bflag:$0x0] =	sbarrier.arrive $0xFFFF  }
0x519: {  	_ =	strace $0x90000047  }
0x51a: {  	s0 =	stileid.u32;
	[bflag:$0x2] =	sbarrier.arrive $0xFFFF  }
0x51b: {  	p0 =	sne.s32 s0, $0x0;
	s0 =	rddreg [dreg:$0x3]  }
0x51c: {  	s0 =	sadd.s32 @!p0 $0x100000, s0  }
0x51d: {  	[sflag:s0] =	ssyncadd.tile.s32 @!p0 $0x1;
	_ =	shalt  }
.Lfunc_end2:
_tile_overlayer_lowered:
.L_overlay_start_2:
0x51e: {  	(tag) =	ssettag $0x2  }
0x51f: {  	s0 =	rddreg [dreg:$0x0];
	s2 =	stileid.u32  }
0x520: {  	s1 =	rddreg [dreg:$0x1];
	p0 =	sne.s32 s2, $0x0  }
0x521: {  	s3 =	rddreg [dreg:$0x2];
	[bflag:$0x3] =	sbarrier.arrive $0xFFFF;
	s2 =	simm.s32 @!p0 $0x1C04  }
0x522: {  	[timem:s3], [sflag:s2] =	dma.local @!p0 [hbm:s0], s1  }
0x523: {  	s0 =	simm.s32 @!p0 $0x4  }
0x524: {  	_ =	swait.ge @!p0 [sflag:s0], s1  }
0x525: {  	s1 =	ssub.s32 @!p0 $0x0, s1;
	[sflag:s0] =	ssyncset.done @!p0 $0x0  }
0x526: {  	[sflag:s0] =	ssyncadd.s32 @!p0 s1  }
0x527: {  	[bflag:$0x3] =	sbarrier.arrive $0xFFFF  }
0x528: {  	_ =	shalt  }

</sc_bundles>
